<compile_context>
chip_gen: v7x
topology: tpu7x:2x2x1
jax: 0.10.2.dev20260603
libtpu: 0.0.44.dev20260713+nightly
codegen_flags: <defaults>
</compile_context>

<pallas_src>
import functools

import jax
import jax.numpy as jnp
from jax import lax
from jax.experimental import pallas as pl
from jax.experimental.pallas import tpu as pltpu
from jax.experimental.pallas import tpu_sc as plsc

N = 10000
E = 320000
D = 128
NC = 2
NS = 16
NW = NC * NS
EPT = E // NW
CH = 128
NCHUNK = 80
EPT_PAD = NCHUNK * CH
NPAD = 10240
CHS = 64
NCHS = 164
EPT_S = NCHS * CHS
NACC = 10240

_mesh = plsc.VectorSubcoreMesh(core_axis_name="c", subcore_axis_name="s")
_sc_params = pltpu.CompilerParams(needs_layout_passes=False)


COLS = NPAD // NS


@functools.partial(
    pl.kernel,
    out_type=jax.ShapeDtypeStruct((NC, 2, NPAD), jnp.float32),
    mesh=_mesh,
    compiler_params=_sc_params,
    scratch_types=[
        pltpu.VMEM((EPT_PAD,), jnp.int32),
        pltpu.VMEM((EPT_PAD,), jnp.int32),
        pltpu.VMEM((NPAD,), jnp.float32),
        pltpu.VMEM((NPAD,), jnp.float32),
        pltpu.VMEM((COLS,), jnp.float32),
        pltpu.VMEM((COLS,), jnp.float32),
        pltpu.VMEM_SHARED((NS, 2, NPAD), jnp.float32),
    ],
)
def _deg_kernel(src_hbm, dst_hbm, out_hbm, src_v, dst_v, p_out, p_in, tmp, accv, slab):
    c = lax.axis_index("c")
    s = lax.axis_index("s")
    w = c * NS + s
    pltpu.sync_copy(src_hbm.at[w], src_v)
    pltpu.sync_copy(dst_hbm.at[w], dst_v)

    zero16 = jnp.zeros((16,), jnp.float32)

    def _zero(i, _):
        p_out[pl.ds(i * 16, 16)] = zero16
        p_in[pl.ds(i * 16, 16)] = zero16
        return _
    lax.fori_loop(0, NPAD // 16, _zero, None)

    ones16 = jnp.ones((16,), jnp.float32)

    def _hist(i, _):
        si = src_v[pl.ds(i * 16, 16)]
        plsc.addupdate_scatter(p_out, [si], ones16)
        di = dst_v[pl.ds(i * 16, 16)]
        plsc.addupdate_scatter(p_in, [di], ones16)
        return _
    lax.fori_loop(0, EPT_PAD // 16, _hist, None)

    pltpu.sync_copy(p_out, slab.at[s, 0])
    pltpu.sync_copy(p_in, slab.at[s, 1])
    plsc.subcore_barrier()

    for k in (0, 1):
        def _zacc(i, _):
            accv[pl.ds(i * 16, 16)] = zero16
            return _
        lax.fori_loop(0, COLS // 16, _zacc, None)

        def _red(j, _):
            pltpu.sync_copy(slab.at[j, k, pl.ds(s * COLS, COLS)], tmp)

            def _add(i, _):
                accv[pl.ds(i * 16, 16)] += tmp[pl.ds(i * 16, 16)]
                return _
            lax.fori_loop(0, COLS // 16, _add, None)
            return _
        lax.fori_loop(0, NS, _red, None)
        pltpu.sync_copy(accv, out_hbm.at[c, k, pl.ds(s * COLS, COLS)])


NB = 2
LAG = 1


@functools.partial(
    pl.kernel,
    out_type=jax.ShapeDtypeStruct((NC, NACC, D), jnp.float32),
    mesh=_mesh,
    compiler_params=_sc_params,
    scratch_types=[
        pltpu.VMEM((NCHUNK, CH), jnp.int32),
        pltpu.VMEM((NB, CH, D), jnp.float32),
        pltpu.VMEM_SHARED((NACC, D), jnp.float32),
    ] + [pltpu.VMEM((CH,), jnp.int32)] * NB
      + [pltpu.SemaphoreType.DMA] * (3 * NB),
)
def _spmm_kernel(h_hbm, src_hbm, dst_hbm, out_hbm, src_v, gbuf, acc, *rest):
    dbuf = rest[:NB]
    gsem = rest[NB:2 * NB]
    ssem = rest[2 * NB:3 * NB]
    dsem = rest[3 * NB:]
    c = lax.axis_index("c")
    s = lax.axis_index("s")
    w = c * NS + s
    pltpu.sync_copy(src_hbm.at[w], src_v)

    zero16 = jnp.zeros((16,), jnp.float32)

    def _zero(i, _):
        def _zrow(j, _2):
            gbuf[0, i, pl.ds(j * 16, 16)] = zero16
            return _2
        lax.fori_loop(0, D // 16, _zrow, None)
        return _
    lax.fori_loop(0, CH, _zero, None)

    rows_per_tile = NACC // NS

    def _zacc(k, _):
        pltpu.sync_copy(gbuf.at[0],
                        acc.at[pl.ds(s * rows_per_tile + k * CH, CH)])
        return _
    lax.fori_loop(0, rows_per_tile // CH, _zacc, None)
    plsc.subcore_barrier()

    for b in range(NB):
        pltpu.async_copy(h_hbm.at[src_v.at[b]], gbuf.at[b], gsem[b])
        pltpu.async_copy(dst_hbm.at[w, b], dbuf[b], dsem[b])

    def _step(i, _):
        for b in range(NB):
            j = i * NB + b
            pltpu.make_async_copy(h_hbm.at[src_v.at[j]], gbuf.at[b],
                                  gsem[b]).wait()
            pltpu.make_async_copy(dst_hbm.at[w, j], dbuf[b], dsem[b]).wait()
            pltpu.async_copy(gbuf.at[b], acc.at[dbuf[b]], ssem[b], add=True)

            g = j + NB - LAG
            bg = (b + NB - LAG) % NB

            @pl.when(jnp.logical_and(g >= NB, g < NCHUNK))
            def _():
                pltpu.make_async_copy(gbuf.at[bg], acc.at[dbuf[bg]],
                                      ssem[bg]).wait()
                pltpu.async_copy(h_hbm.at[src_v.at[g]], gbuf.at[bg], gsem[bg])
                pltpu.async_copy(dst_hbm.at[w, g], dbuf[bg], dsem[bg])
        return _
    lax.fori_loop(0, NCHUNK // NB, _step, None)

    for b in range(NB):
        pltpu.make_async_copy(gbuf.at[b], acc.at[dbuf[b]], ssem[b]).wait()
    plsc.subcore_barrier()

    def _wb(k, _):
        r = s * rows_per_tile + k * CH
        pltpu.sync_copy(acc.at[pl.ds(r, CH)], gbuf.at[0])
        pltpu.sync_copy(gbuf.at[0], out_hbm.at[c, pl.ds(r, CH)])
        return _
    lax.fori_loop(0, rows_per_tile // CH, _wb, None)


def _scales(deg_blk):
    a_out = lax.rsqrt(jnp.clip(deg_blk[0, 0] + deg_blk[1, 0], 1.0, None))
    a_in = lax.rsqrt(jnp.clip(deg_blk[0, 1] + deg_blk[1, 1], 1.0, None))
    return a_out, a_in


def _tc_first_body(x_ref, deg_ref, w_ref, o_ref):
    a_out, _ = _scales(deg_ref)
    o_ref[...] = jnp.dot(x_ref[...], w_ref[...],
                         preferred_element_type=jnp.float32) * a_out


def _tc_mid_body(p_ref, deg_ref, b_ref, w_ref, o_ref):
    a_out, a_in = _scales(deg_ref)
    t = (p_ref[0] + p_ref[1]) * a_in + b_ref[...]
    t = jnp.maximum(t, 0.0)
    o_ref[...] = jnp.dot(t, w_ref[...],
                         preferred_element_type=jnp.float32) * a_out


def _tc_final_body(p_ref, deg_ref, b_ref, o_ref):
    _, a_in = _scales(deg_ref)
    o_ref[...] = (p_ref[0] + p_ref[1]) * a_in + b_ref[...]


BLK = 1000
GRID = N // BLK

_deg_spec = pl.BlockSpec((NC, 2, BLK, 1), lambda b: (0, 0, b, 0))
_p_spec = pl.BlockSpec((NC, BLK, D), lambda b: (0, b, 0))
_w_spec = pl.BlockSpec((D, D), lambda b: (0, 0))
_b_spec = pl.BlockSpec((1, D), lambda b: (0, 0))
_x_spec = pl.BlockSpec((BLK, D), lambda b: (b, 0))

_tc_first = pl.pallas_call(
    _tc_first_body,
    grid=(GRID,),
    in_specs=[_x_spec, _deg_spec, _w_spec],
    out_specs=_x_spec,
    out_shape=jax.ShapeDtypeStruct((N, D), jnp.float32),
)

_tc_mid = pl.pallas_call(
    _tc_mid_body,
    grid=(GRID,),
    in_specs=[_p_spec, _deg_spec, _b_spec, _w_spec],
    out_specs=_x_spec,
    out_shape=jax.ShapeDtypeStruct((N, D), jnp.float32),
)

_tc_final = pl.pallas_call(
    _tc_final_body,
    grid=(GRID,),
    in_specs=[_p_spec, _deg_spec, _b_spec],
    out_specs=_x_spec,
    out_shape=jax.ShapeDtypeStruct((N, D), jnp.float32),
)


def kernel(x, edge_index, W1, b1, W2, b2, W3, b3):
    src = edge_index[0].reshape(NW, EPT)
    dst = edge_index[1].reshape(NW, EPT)
    pad_n = jnp.full((NW, EPT_PAD - EPT), N, jnp.int32)
    pad_ns = jnp.full((NW, EPT_S - EPT), N, jnp.int32)
    pad_0s = jnp.zeros((NW, EPT_S - EPT), jnp.int32)
    srcd = jnp.concatenate([src, pad_n], axis=1)
    dstd = jnp.concatenate([dst, pad_n], axis=1)
    pad_n2 = jnp.full((NW, EPT_PAD - EPT), N, jnp.int32)
    pad_02 = jnp.zeros((NW, EPT_PAD - EPT), jnp.int32)
    srcg = jnp.concatenate([src, pad_02], axis=1).reshape(NW, NCHUNK, CH)
    dstg = jnp.concatenate([dst, pad_n2], axis=1).reshape(NW, NCHUNK, CH)

    deg = _deg_kernel(srcd, dstd)
    deg4 = deg.reshape(NC, 2, NPAD, 1)
    b1r, b2r, b3r = (b.reshape(1, D) for b in (b1, b2, b3))

    h = _tc_first(x, deg4, W1)
    p = _spmm_kernel(h, srcg, dstg)
    h = _tc_mid(p, deg4, b1r, W2)
    p = _spmm_kernel(h, srcg, dstg)
    h = _tc_mid(p, deg4, b2r, W3)
    p = _spmm_kernel(h, srcg, dstg)
    return _tc_final(p, deg4, b3r)

# --- scband reference (transcript-rebuilt; emitter-appended) ---
"""Pipeline reference for scband-gcn-56092272886196 (READ-ONLY COPY).

The authoritative reference and input builder live on the scoring server;
editing this copy changes nothing except your own understanding.
"""

import jax, jax.numpy as jnp
import numpy as np

N = 10000
E = 320000
D_IN = 128
D_HID = 128
D_OUT = 128

def setup_inputs(seed: int = 0):
    key = jax.random.key(seed)
    ks = jax.random.split(key, 10)
    x = jax.random.normal(ks[0], (N, D_IN), dtype=jnp.float32)
    edge_index = jax.random.randint(ks[1], (2, E), 0, N, dtype=jnp.int32)
    s1 = 1.0 / np.sqrt(D_IN)
    s2 = 1.0 / np.sqrt(D_HID)
    W1 = jax.random.uniform(ks[2], (D_IN, D_HID), dtype=jnp.float32, minval=-s1, maxval=s1)
    b1 = jnp.zeros((D_HID,), dtype=jnp.float32)
    W2 = jax.random.uniform(ks[3], (D_HID, D_HID), dtype=jnp.float32, minval=-s2, maxval=s2)
    b2 = jnp.zeros((D_HID,), dtype=jnp.float32)
    W3 = jax.random.uniform(ks[4], (D_HID, D_OUT), dtype=jnp.float32, minval=-s2, maxval=s2)
    b3 = jnp.zeros((D_OUT,), dtype=jnp.float32)
    return {"x": x, "edge_index": edge_index, "W1": W1, "b1": b1, "W2": W2, "b2": b2, "W3": W3, "b3": b3}

def _graph_conv(x, src, dst, W, b):
    # DGL GraphConv with norm='both': D_out^{-1/2} applied to src feats,
    # sum-aggregate to dst, then D_in^{-1/2}, linear weight, bias.
    deg_out = jnp.clip(jnp.bincount(src, length=N), 1, None).astype(x.dtype)
    deg_in = jnp.clip(jnp.bincount(dst, length=N), 1, None).astype(x.dtype)
    h = x * jax.lax.rsqrt(deg_out)[:, None]
    h = h @ W
    m = jnp.take(h, src, axis=0)
    agg = jax.ops.segment_sum(m, dst, num_segments=N)
    return agg * jax.lax.rsqrt(deg_in)[:, None] + b

def reference(x, edge_index, W1, b1, W2, b2, W3, b3):
    src = edge_index[0]
    dst = edge_index[1]
    h = _graph_conv(x, src, dst, W1, b1)
    h = jax.nn.relu(h)
    # dropout is identity in eval mode
    h = _graph_conv(h, src, dst, W2, b2)
    h = jax.nn.relu(h)
    out = _graph_conv(h, src, dst, W3, b3)
    return out

if __name__ == "__main__":
    import jax
    _d = setup_inputs()
    print(jax.jit(kernel)(*tuple(_d.values())))

</pallas_src>

<mosaic_0001>
#map = affine_map<(d0, d1) -> (0, 0)>
#map1 = affine_map<(d0, d1) -> (0, 0, 0)>
module attributes {stable_mosaic.version = 14 : i64} {
  func.func @_spmm_kernel(%arg0: i32, %arg1: i32, %arg2: memref<10000x128xf32, #tpu.memory_space<hbm>>, %arg3: memref<32x80x128xi32, #tpu.memory_space<hbm>>, %arg4: memref<32x80x128xi32, #tpu.memory_space<hbm>>, %arg5: memref<2x10240x128xf32, #tpu.memory_space<hbm>>, %arg6: memref<80x128xi32, #tpu.memory_space<vmem>>, %arg7: memref<2x128x128xf32, #tpu.memory_space<vmem>>, %arg8: memref<10240x128xf32, #tpu.memory_space<vmem_shared>>, %arg9: memref<128xi32, #tpu.memory_space<vmem>>, %arg10: memref<128xi32, #tpu.memory_space<vmem>>, %arg11: memref<!tpu.dma_semaphore, #tpu.memory_space<semaphore_mem>>, %arg12: memref<!tpu.dma_semaphore, #tpu.memory_space<semaphore_mem>>, %arg13: memref<!tpu.dma_semaphore, #tpu.memory_space<semaphore_mem>>, %arg14: memref<!tpu.dma_semaphore, #tpu.memory_space<semaphore_mem>>, %arg15: memref<!tpu.dma_semaphore, #tpu.memory_space<semaphore_mem>>, %arg16: memref<!tpu.dma_semaphore, #tpu.memory_space<semaphore_mem>>) attributes {dimension_semantics = [#tpu.dimension_semantics<core_parallel>, #tpu.dimension_semantics<subcore_parallel>], iteration_bounds = array<i64: 2, 16>, scalar_prefetch = 0 : i64, scratch_operands = 11 : i64, tpu.core_type = #tpu.core_type<sc_vector_subcore>, window_params = [{transform_indices = #map}, {transform_indices = #map1}, {transform_indices = #map1}, {transform_indices = #map1}]} {
    %mul3A = arith.constant 16 : i32
    %mul3A_0 = arith.muli %arg0, %mul3A : i32
    %add3A = arith.addi %mul3A_0, %arg1 : i32
    "tpu.region"() ({
      %run_scoped3A = tpu.sem_alloc : memref<!tpu.dma_semaphore, #tpu.memory_space<semaphore_mem>>
      %dma_start3A_74 = arith.constant 0 : i32
      %dma_start3A_75 = arith.constant 0 : i32
      %dma_start3A_76 = tpu.memref_slice %arg3[%add3A, %dma_start3A_74, %dma_start3A_75] : memref<32x80x128xi32, #tpu.memory_space<hbm>> -> memref<1x80x128xi32, #tpu.memory_space<hbm>>
      %dma_start3A_77 = tpu.memref_squeeze %dma_start3A_76 : memref<1x80x128xi32, #tpu.memory_space<hbm>> -> memref<80x128xi32, #tpu.memory_space<hbm>>
      %dma_start3A_78 = arith.constant 0 : i32
      %dma_start3A_79 = arith.constant 0 : i32
      %dma_start3A_80 = tpu.memref_slice %arg3[%add3A, %dma_start3A_78, %dma_start3A_79] : memref<32x80x128xi32, #tpu.memory_space<hbm>> -> memref<1x80x128xi32, #tpu.memory_space<hbm>>
      %dma_start3A_81 = tpu.memref_squeeze %dma_start3A_80 : memref<1x80x128xi32, #tpu.memory_space<hbm>> -> memref<80x128xi32, #tpu.memory_space<hbm>>
      tpu.enqueue_dma source(%dma_start3A_81 : memref<80x128xi32, #tpu.memory_space<hbm>>) target(%arg6 : memref<80x128xi32, #tpu.memory_space<vmem>>) target_semaphore(%run_scoped3A : memref<!tpu.dma_semaphore, #tpu.memory_space<semaphore_mem>>)
      %dma_wait3A_82 = arith.constant 0 : i32
      %dma_wait3A_83 = arith.constant 0 : i32
      %dma_wait3A_84 = tpu.memref_slice %arg3[%add3A, %dma_wait3A_82, %dma_wait3A_83] : memref<32x80x128xi32, #tpu.memory_space<hbm>> -> memref<1x80x128xi32, #tpu.memory_space<hbm>>
      %dma_wait3A_85 = tpu.memref_squeeze %dma_wait3A_84 : memref<1x80x128xi32, #tpu.memory_space<hbm>> -> memref<80x128xi32, #tpu.memory_space<hbm>>
      %dma_wait3A_86 = arith.constant 0 : i32
      %dma_wait3A_87 = arith.constant 0 : i32
      %dma_wait3A_88 = tpu.memref_slice %arg3[%add3A, %dma_wait3A_86, %dma_wait3A_87] : memref<32x80x128xi32, #tpu.memory_space<hbm>> -> memref<1x80x128xi32, #tpu.memory_space<hbm>>
      %dma_wait3A_89 = tpu.memref_squeeze %dma_wait3A_88 : memref<1x80x128xi32, #tpu.memory_space<hbm>> -> memref<80x128xi32, #tpu.memory_space<hbm>>
      tpu.wait_dma2 semaphore(%run_scoped3A : memref<!tpu.dma_semaphore, #tpu.memory_space<semaphore_mem>>) src(%dma_wait3A_89 : memref<80x128xi32, #tpu.memory_space<hbm>>) dst(%arg6 : memref<80x128xi32, #tpu.memory_space<vmem>>)
      tpu.yield
    }) : () -> ()
    %broadcast_in_dim3A = arith.constant 0.000000e+00 : f32
    %broadcast_in_dim3A_1 = vector.broadcast %broadcast_in_dim3A : f32 to vector<16xf32>
    %scan3A = arith.constant 0 : i32
    %scan3A_2 = arith.constant 128 : i32
    %scan3A_3 = arith.addi %scan3A, %scan3A_2 : i32
    %scan3A_4 = arith.constant 1 : i32
    scf.for %scan3A_74 = %scan3A to %scan3A_3 step %scan3A_4  : i32 {
      %scan3A_75 = arith.constant 0 : i32
      %scan3A_76 = arith.constant 8 : i32
      %scan3A_77 = arith.addi %scan3A_75, %scan3A_76 : i32
      %scan3A_78 = arith.constant 1 : i32
      scf.for %scan3A_80 = %scan3A_75 to %scan3A_77 step %scan3A_78  : i32 {
        %mul3A_81 = arith.constant 16 : i32
        %mul3A_82 = arith.muli %scan3A_80, %mul3A_81 : i32
        %swap3A = arith.constant 0 : i32
        %swap3A_83 = arith.index_cast %swap3A : i32 to index
        %swap3A_84 = arith.index_cast %scan3A_74 : i32 to index
        %swap3A_85 = arith.index_cast %mul3A_82 : i32 to index
        %swap3A_86 = tpu.vector_load %arg7[%swap3A_83, %swap3A_84, %swap3A_85] {strides = array<i32>} : memref<2x128x128xf32, #tpu.memory_space<vmem>>, vector<16xf32>,
        tpu.vector_store %arg7[%swap3A_83, %swap3A_84, %swap3A_85], %broadcast_in_dim3A_1 {strides = array<i32>} : memref<2x128x128xf32, #tpu.memory_space<vmem>>, vector<16xf32>,
      }
      %scan3A_79 = arith.constant 8 : i32
    }
    %scan3A_5 = arith.constant 128 : i32
    %scan3A_6 = arith.constant 0 : i32
    %scan3A_7 = arith.constant 5 : i32
    %scan3A_8 = arith.addi %scan3A_6, %scan3A_7 : i32
    %scan3A_9 = arith.constant 1 : i32
    scf.for %scan3A_74 = %scan3A_6 to %scan3A_8 step %scan3A_9  : i32 {
      %mul3A_75 = arith.constant 640 : i32
      %mul3A_76 = arith.muli %arg1, %mul3A_75 : i32
      %mul3A_77 = arith.constant 128 : i32
      %mul3A_78 = arith.muli %scan3A_74, %mul3A_77 : i32
      %add3A_79 = arith.addi %mul3A_76, %mul3A_78 : i32
      %run_scoped3A = arith.constant 0 : i32
      "tpu.region"() ({
        %run_scoped3A_80 = tpu.sem_alloc : memref<!tpu.dma_semaphore, #tpu.memory_space<semaphore_mem>>
        %dma_start3A_81 = arith.constant 0 : i32
        %dma_start3A_82 = arith.constant 0 : i32
        %dma_start3A_83 = tpu.memref_slice %arg7[%run_scoped3A, %dma_start3A_81, %dma_start3A_82] : memref<2x128x128xf32, #tpu.memory_space<vmem>> -> memref<1x128x128xf32, #tpu.memory_space<vmem>>
        %dma_start3A_84 = tpu.memref_squeeze %dma_start3A_83 : memref<1x128x128xf32, #tpu.memory_space<vmem>> -> memref<128x128xf32, #tpu.memory_space<vmem>>
        %dma_start3A_85 = arith.constant 0 : i32
        %dma_start3A_86 = tpu.memref_slice %arg8[%add3A_79, %dma_start3A_85] : memref<10240x128xf32, #tpu.memory_space<vmem_shared>> -> memref<128x128xf32, #tpu.memory_space<vmem_shared>>
        %dma_start3A_87 = arith.constant 0 : i32
        %dma_start3A_88 = tpu.memref_slice %arg8[%add3A_79, %dma_start3A_87] : memref<10240x128xf32, #tpu.memory_space<vmem_shared>> -> memref<128x128xf32, #tpu.memory_space<vmem_shared>>
        %dma_start3A_89 = arith.constant 0 : i32
        %dma_start3A_90 = arith.constant 0 : i32
        %dma_start3A_91 = tpu.memref_slice %arg7[%run_scoped3A, %dma_start3A_89, %dma_start3A_90] : memref<2x128x128xf32, #tpu.memory_space<vmem>> -> memref<1x128x128xf32, #tpu.memory_space<vmem>>
        %dma_start3A_92 = tpu.memref_squeeze %dma_start3A_91 : memref<1x128x128xf32, #tpu.memory_space<vmem>> -> memref<128x128xf32, #tpu.memory_space<vmem>>
        tpu.enqueue_dma source(%dma_start3A_92 : memref<128x128xf32, #tpu.memory_space<vmem>>) target(%dma_start3A_88 : memref<128x128xf32, #tpu.memory_space<vmem_shared>>) target_semaphore(%run_scoped3A_80 : memref<!tpu.dma_semaphore, #tpu.memory_space<semaphore_mem>>)
        %dma_wait3A_93 = arith.constant 0 : i32
        %dma_wait3A_94 = arith.constant 0 : i32
        %dma_wait3A_95 = tpu.memref_slice %arg7[%run_scoped3A, %dma_wait3A_93, %dma_wait3A_94] : memref<2x128x128xf32, #tpu.memory_space<vmem>> -> memref<1x128x128xf32, #tpu.memory_space<vmem>>
        %dma_wait3A_96 = tpu.memref_squeeze %dma_wait3A_95 : memref<1x128x128xf32, #tpu.memory_space<vmem>> -> memref<128x128xf32, #tpu.memory_space<vmem>>
        %dma_wait3A_97 = arith.constant 0 : i32
        %dma_wait3A_98 = tpu.memref_slice %arg8[%add3A_79, %dma_wait3A_97] : memref<10240x128xf32, #tpu.memory_space<vmem_shared>> -> memref<128x128xf32, #tpu.memory_space<vmem_shared>>
        %dma_wait3A_99 = arith.constant 0 : i32
        %dma_wait3A_100 = tpu.memref_slice %arg8[%add3A_79, %dma_wait3A_99] : memref<10240x128xf32, #tpu.memory_space<vmem_shared>> -> memref<128x128xf32, #tpu.memory_space<vmem_shared>>
        %dma_wait3A_101 = arith.constant 0 : i32
        %dma_wait3A_102 = arith.constant 0 : i32
        %dma_wait3A_103 = tpu.memref_slice %arg7[%run_scoped3A, %dma_wait3A_101, %dma_wait3A_102] : memref<2x128x128xf32, #tpu.memory_space<vmem>> -> memref<1x128x128xf32, #tpu.memory_space<vmem>>
        %dma_wait3A_104 = tpu.memref_squeeze %dma_wait3A_103 : memref<1x128x128xf32, #tpu.memory_space<vmem>> -> memref<128x128xf32, #tpu.memory_space<vmem>>
        tpu.wait_dma2 semaphore(%run_scoped3A_80 : memref<!tpu.dma_semaphore, #tpu.memory_space<semaphore_mem>>) src(%dma_wait3A_104 : memref<128x128xf32, #tpu.memory_space<vmem>>) dst(%dma_wait3A_100 : memref<128x128xf32, #tpu.memory_space<vmem_shared>>)
        tpu.yield
      }) : () -> ()
    }
    %scan3A_10 = arith.constant 5 : i32
    %barrier3A = arith.constant 0 : index
    tpu.barrier barrier_id(%barrier3A)
    %dma_start3A = arith.constant 0 : i32
    %dma_start3A_11 = arith.constant 0 : i32
    %dma_start3A_12 = arith.constant 0 : i32
    %dma_start3A_13 = arith.constant 0 : i32
    %dma_start3A_14 = tpu.memref_slice %arg7[%dma_start3A_11, %dma_start3A_12, %dma_start3A_13] : memref<2x128x128xf32, #tpu.memory_space<vmem>> -> memref<1x128x128xf32, #tpu.memory_space<vmem>>
    %dma_start3A_15 = tpu.memref_squeeze %dma_start3A_14 : memref<1x128x128xf32, #tpu.memory_space<vmem>> -> memref<128x128xf32, #tpu.memory_space<vmem>>
    %dma_start3A_16 = arith.constant 0 : i32
    %dma_start3A_17 = tpu.memref_slice %arg6[%dma_start3A, %dma_start3A_16] : memref<80x128xi32, #tpu.memory_space<vmem>> -> memref<1x128xi32, #tpu.memory_space<vmem>>
    %dma_start3A_18 = tpu.memref_squeeze %dma_start3A_17 : memref<1x128xi32, #tpu.memory_space<vmem>> -> memref<128xi32, #tpu.memory_space<vmem>>
    %dma_start3A_19 = arith.constant 0 : i32
    %dma_start3A_20 = arith.constant 0 : i32
    %dma_start3A_21 = tpu.memref_slice %arg2[%dma_start3A_19, %dma_start3A_20] : memref<10000x128xf32, #tpu.memory_space<hbm>> -> memref<10000x128xf32, #tpu.memory_space<hbm>>
    tpu.enqueue_indirect_dma source(%dma_start3A_21 : memref<10000x128xf32, #tpu.memory_space<hbm>>) target(%dma_start3A_15 : memref<128x128xf32, #tpu.memory_space<vmem>>) offsets(%dma_start3A_18 : memref<128xi32, #tpu.memory_space<vmem>>) semaphore(%arg11 : memref<!tpu.dma_semaphore, #tpu.memory_space<semaphore_mem>>)
    %dma_start3A_22 = arith.constant 0 : i32
    %dma_start3A_23 = arith.constant 0 : i32
    %dma_start3A_24 = tpu.memref_slice %arg4[%add3A, %dma_start3A_22, %dma_start3A_23] : memref<32x80x128xi32, #tpu.memory_space<hbm>> -> memref<1x1x128xi32, #tpu.memory_space<hbm>>
    %dma_start3A_25 = tpu.memref_squeeze %dma_start3A_24 : memref<1x1x128xi32, #tpu.memory_space<hbm>> -> memref<128xi32, #tpu.memory_space<hbm>>
    %dma_start3A_26 = arith.constant 0 : i32
    %dma_start3A_27 = tpu.memref_slice %arg4[%add3A, %dma_start3A_22, %dma_start3A_26] : memref<32x80x128xi32, #tpu.memory_space<hbm>> -> memref<1x1x128xi32, #tpu.memory_space<hbm>>
    %dma_start3A_28 = tpu.memref_squeeze %dma_start3A_27 : memref<1x1x128xi32, #tpu.memory_space<hbm>> -> memref<128xi32, #tpu.memory_space<hbm>>
    tpu.enqueue_dma source(%dma_start3A_28 : memref<128xi32, #tpu.memory_space<hbm>>) target(%arg9 : memref<128xi32, #tpu.memory_space<vmem>>) target_semaphore(%arg15 : memref<!tpu.dma_semaphore, #tpu.memory_space<semaphore_mem>>)
    %dma_start3A_29 = arith.constant 1 : i32
    %dma_start3A_30 = arith.constant 1 : i32
    %dma_start3A_31 = arith.constant 0 : i32
    %dma_start3A_32 = arith.constant 0 : i32
    %dma_start3A_33 = tpu.memref_slice %arg7[%dma_start3A_30, %dma_start3A_31, %dma_start3A_32] : memref<2x128x128xf32, #tpu.memory_space<vmem>> -> memref<1x128x128xf32, #tpu.memory_space<vmem>>
    %dma_start3A_34 = tpu.memref_squeeze %dma_start3A_33 : memref<1x128x128xf32, #tpu.memory_space<vmem>> -> memref<128x128xf32, #tpu.memory_space<vmem>>
    %dma_start3A_35 = arith.constant 0 : i32
    %dma_start3A_36 = tpu.memref_slice %arg6[%dma_start3A_29, %dma_start3A_35] : memref<80x128xi32, #tpu.memory_space<vmem>> -> memref<1x128xi32, #tpu.memory_space<vmem>>
    %dma_start3A_37 = tpu.memref_squeeze %dma_start3A_36 : memref<1x128xi32, #tpu.memory_space<vmem>> -> memref<128xi32, #tpu.memory_space<vmem>>
    %dma_start3A_38 = arith.constant 0 : i32
    %dma_start3A_39 = arith.constant 0 : i32
    %dma_start3A_40 = tpu.memref_slice %arg2[%dma_start3A_38, %dma_start3A_39] : memref<10000x128xf32, #tpu.memory_space<hbm>> -> memref<10000x128xf32, #tpu.memory_space<hbm>>
    tpu.enqueue_indirect_dma source(%dma_start3A_40 : memref<10000x128xf32, #tpu.memory_space<hbm>>) target(%dma_start3A_34 : memref<128x128xf32, #tpu.memory_space<vmem>>) offsets(%dma_start3A_37 : memref<128xi32, #tpu.memory_space<vmem>>) semaphore(%arg12 : memref<!tpu.dma_semaphore, #tpu.memory_space<semaphore_mem>>)
    %dma_start3A_41 = arith.constant 1 : i32
    %dma_start3A_42 = arith.constant 0 : i32
    %dma_start3A_43 = tpu.memref_slice %arg4[%add3A, %dma_start3A_41, %dma_start3A_42] : memref<32x80x128xi32, #tpu.memory_space<hbm>> -> memref<1x1x128xi32, #tpu.memory_space<hbm>>
    %dma_start3A_44 = tpu.memref_squeeze %dma_start3A_43 : memref<1x1x128xi32, #tpu.memory_space<hbm>> -> memref<128xi32, #tpu.memory_space<hbm>>
    %dma_start3A_45 = arith.constant 0 : i32
    %dma_start3A_46 = tpu.memref_slice %arg4[%add3A, %dma_start3A_41, %dma_start3A_45] : memref<32x80x128xi32, #tpu.memory_space<hbm>> -> memref<1x1x128xi32, #tpu.memory_space<hbm>>
    %dma_start3A_47 = tpu.memref_squeeze %dma_start3A_46 : memref<1x1x128xi32, #tpu.memory_space<hbm>> -> memref<128xi32, #tpu.memory_space<hbm>>
    tpu.enqueue_dma source(%dma_start3A_47 : memref<128xi32, #tpu.memory_space<hbm>>) target(%arg10 : memref<128xi32, #tpu.memory_space<vmem>>) target_semaphore(%arg16 : memref<!tpu.dma_semaphore, #tpu.memory_space<semaphore_mem>>)
    %scan3A_48 = arith.constant 0 : i32
    %scan3A_49 = arith.constant 40 : i32
    %scan3A_50 = arith.addi %scan3A_48, %scan3A_49 : i32
    %scan3A_51 = arith.constant 1 : i32
    scf.for %scan3A_74 = %scan3A_48 to %scan3A_50 step %scan3A_51  : i32 {
      %mul3A_75 = arith.constant 2 : i32
      %mul3A_76 = arith.muli %scan3A_74, %mul3A_75 : i32
      %add3A_77 = arith.constant 0 : i32
      %add3A_78 = arith.addi %mul3A_76, %add3A_77 : i32
      %dma_wait3A_79 = arith.constant 0 : i32
      %dma_wait3A_80 = arith.constant 0 : i32
      %dma_wait3A_81 = arith.constant 0 : i32
      %dma_wait3A_82 = tpu.memref_slice %arg7[%dma_wait3A_79, %dma_wait3A_80, %dma_wait3A_81] : memref<2x128x128xf32, #tpu.memory_space<vmem>> -> memref<1x128x128xf32, #tpu.memory_space<vmem>>
      %dma_wait3A_83 = tpu.memref_squeeze %dma_wait3A_82 : memref<1x128x128xf32, #tpu.memory_space<vmem>> -> memref<128x128xf32, #tpu.memory_space<vmem>>
      %dma_wait3A_84 = arith.constant 0 : i32
      %dma_wait3A_85 = tpu.memref_slice %arg6[%add3A_78, %dma_wait3A_84] : memref<80x128xi32, #tpu.memory_space<vmem>> -> memref<1x128xi32, #tpu.memory_space<vmem>>
      %dma_wait3A_86 = tpu.memref_squeeze %dma_wait3A_85 : memref<1x128xi32, #tpu.memory_space<vmem>> -> memref<128xi32, #tpu.memory_space<vmem>>
      %dma_wait3A_87 = arith.constant 0 : i32
      %dma_wait3A_88 = arith.constant 0 : i32
      %dma_wait3A_89 = tpu.memref_slice %arg2[%dma_wait3A_87, %dma_wait3A_88] : memref<10000x128xf32, #tpu.memory_space<hbm>> -> memref<10000x128xf32, #tpu.memory_space<hbm>>
      tpu.wait_indirect_dma semaphore(%arg11 : memref<!tpu.dma_semaphore, #tpu.memory_space<semaphore_mem>>) src(%dma_wait3A_89 : memref<10000x128xf32, #tpu.memory_space<hbm>>) dst(%dma_wait3A_83 : memref<128x128xf32, #tpu.memory_space<vmem>>)
      %dma_wait3A_90 = arith.constant 0 : i32
      %dma_wait3A_91 = tpu.memref_slice %arg4[%add3A, %add3A_78, %dma_wait3A_90] : memref<32x80x128xi32, #tpu.memory_space<hbm>> -> memref<1x1x128xi32, #tpu.memory_space<hbm>>
      %dma_wait3A_92 = tpu.memref_squeeze %dma_wait3A_91 : memref<1x1x128xi32, #tpu.memory_space<hbm>> -> memref<128xi32, #tpu.memory_space<hbm>>
      %dma_wait3A_93 = arith.constant 0 : i32
      %dma_wait3A_94 = tpu.memref_slice %arg4[%add3A, %add3A_78, %dma_wait3A_93] : memref<32x80x128xi32, #tpu.memory_space<hbm>> -> memref<1x1x128xi32, #tpu.memory_space<hbm>>
      %dma_wait3A_95 = tpu.memref_squeeze %dma_wait3A_94 : memref<1x1x128xi32, #tpu.memory_space<hbm>> -> memref<128xi32, #tpu.memory_space<hbm>>
      tpu.wait_dma2 semaphore(%arg15 : memref<!tpu.dma_semaphore, #tpu.memory_space<semaphore_mem>>) src(%dma_wait3A_95 : memref<128xi32, #tpu.memory_space<hbm>>) dst(%arg9 : memref<128xi32, #tpu.memory_space<vmem>>)
      %dma_start3A_96 = arith.constant 0 : i32
      %dma_start3A_97 = arith.constant 0 : i32
      %dma_start3A_98 = arith.constant 0 : i32
      %dma_start3A_99 = tpu.memref_slice %arg7[%dma_start3A_96, %dma_start3A_97, %dma_start3A_98] : memref<2x128x128xf32, #tpu.memory_space<vmem>> -> memref<1x128x128xf32, #tpu.memory_space<vmem>>
      %dma_start3A_100 = tpu.memref_squeeze %dma_start3A_99 : memref<1x128x128xf32, #tpu.memory_space<vmem>> -> memref<128x128xf32, #tpu.memory_space<vmem>>
      %dma_start3A_101 = arith.constant 0 : i32
      %dma_start3A_102 = arith.constant 0 : i32
      %dma_start3A_103 = tpu.memref_slice %arg8[%dma_start3A_101, %dma_start3A_102] : memref<10240x128xf32, #tpu.memory_space<vmem_shared>> -> memref<10240x128xf32, #tpu.memory_space<vmem_shared>>
      tpu.enqueue_indirect_dma source(%dma_start3A_100 : memref<128x128xf32, #tpu.memory_space<vmem>>) target(%dma_start3A_103 : memref<10240x128xf32, #tpu.memory_space<vmem_shared>>) offsets(%arg9 : memref<128xi32, #tpu.memory_space<vmem>>) semaphore(%arg13 : memref<!tpu.dma_semaphore, #tpu.memory_space<semaphore_mem>>) {add = true}
      %add3A_104 = arith.constant 2 : i32
      %add3A_105 = arith.addi %add3A_78, %add3A_104 : i32
      %sub3A = arith.constant 1 : i32
      %sub3A_106 = arith.subi %add3A_105, %sub3A : i32
      %ge3A = arith.constant 2 : i32
      %ge3A_107 = arith.cmpi sge, %sub3A_106, %ge3A : i32
      %lt3A = arith.constant 80 : i32
      %lt3A_108 = arith.cmpi slt, %sub3A_106, %lt3A : i32
      %and3A = arith.andi %ge3A_107, %lt3A_108 : i1
      %convert_element_type3A = arith.extui %and3A : i1 to i32
      %cond3A = arith.constant 0 : i32
      %cond3A_109 = arith.cmpi ne, %convert_element_type3A, %cond3A : i32
      scf.if %cond3A_109 {
        %dma_wait3A_151 = arith.constant 1 : i32
        %dma_wait3A_152 = arith.constant 0 : i32
        %dma_wait3A_153 = arith.constant 0 : i32
        %dma_wait3A_154 = tpu.memref_slice %arg7[%dma_wait3A_151, %dma_wait3A_152, %dma_wait3A_153] : memref<2x128x128xf32, #tpu.memory_space<vmem>> -> memref<1x128x128xf32, #tpu.memory_space<vmem>>
        %dma_wait3A_155 = tpu.memref_squeeze %dma_wait3A_154 : memref<1x128x128xf32, #tpu.memory_space<vmem>> -> memref<128x128xf32, #tpu.memory_space<vmem>>
        %dma_wait3A_156 = arith.constant 0 : i32
        %dma_wait3A_157 = arith.constant 0 : i32
        %dma_wait3A_158 = tpu.memref_slice %arg8[%dma_wait3A_156, %dma_wait3A_157] : memref<10240x128xf32, #tpu.memory_space<vmem_shared>> -> memref<10240x128xf32, #tpu.memory_space<vmem_shared>>
        tpu.wait_indirect_dma semaphore(%arg14 : memref<!tpu.dma_semaphore, #tpu.memory_space<semaphore_mem>>) src(%dma_wait3A_155 : memref<128x128xf32, #tpu.memory_space<vmem>>) dst(%dma_wait3A_158 : memref<10240x128xf32, #tpu.memory_space<vmem_shared>>)
        %dma_start3A_159 = arith.constant 1 : i32
        %dma_start3A_160 = arith.constant 0 : i32
        %dma_start3A_161 = arith.constant 0 : i32
        %dma_start3A_162 = tpu.memref_slice %arg7[%dma_start3A_159, %dma_start3A_160, %dma_start3A_161] : memref<2x128x128xf32, #tpu.memory_space<vmem>> -> memref<1x128x128xf32, #tpu.memory_space<vmem>>
        %dma_start3A_163 = tpu.memref_squeeze %dma_start3A_162 : memref<1x128x128xf32, #tpu.memory_space<vmem>> -> memref<128x128xf32, #tpu.memory_space<vmem>>
        %dma_start3A_164 = arith.constant 0 : i32
        %dma_start3A_165 = tpu.memref_slice %arg6[%sub3A_106, %dma_start3A_164] : memref<80x128xi32, #tpu.memory_space<vmem>> -> memref<1x128xi32, #tpu.memory_space<vmem>>
        %dma_start3A_166 = tpu.memref_squeeze %dma_start3A_165 : memref<1x128xi32, #tpu.memory_space<vmem>> -> memref<128xi32, #tpu.memory_space<vmem>>
        %dma_start3A_167 = arith.constant 0 : i32
        %dma_start3A_168 = arith.constant 0 : i32
        %dma_start3A_169 = tpu.memref_slice %arg2[%dma_start3A_167, %dma_start3A_168] : memref<10000x128xf32, #tpu.memory_space<hbm>> -> memref<10000x128xf32, #tpu.memory_space<hbm>>
        tpu.enqueue_indirect_dma source(%dma_start3A_169 : memref<10000x128xf32, #tpu.memory_space<hbm>>) target(%dma_start3A_163 : memref<128x128xf32, #tpu.memory_space<vmem>>) offsets(%dma_start3A_166 : memref<128xi32, #tpu.memory_space<vmem>>) semaphore(%arg12 : memref<!tpu.dma_semaphore, #tpu.memory_space<semaphore_mem>>)
        %dma_start3A_170 = arith.constant 0 : i32
        %dma_start3A_171 = tpu.memref_slice %arg4[%add3A, %sub3A_106, %dma_start3A_170] : memref<32x80x128xi32, #tpu.memory_space<hbm>> -> memref<1x1x128xi32, #tpu.memory_space<hbm>>
        %dma_start3A_172 = tpu.memref_squeeze %dma_start3A_171 : memref<1x1x128xi32, #tpu.memory_space<hbm>> -> memref<128xi32, #tpu.memory_space<hbm>>
        %dma_start3A_173 = arith.constant 0 : i32
        %dma_start3A_174 = tpu.memref_slice %arg4[%add3A, %sub3A_106, %dma_start3A_173] : memref<32x80x128xi32, #tpu.memory_space<hbm>> -> memref<1x1x128xi32, #tpu.memory_space<hbm>>
        %dma_start3A_175 = tpu.memref_squeeze %dma_start3A_174 : memref<1x1x128xi32, #tpu.memory_space<hbm>> -> memref<128xi32, #tpu.memory_space<hbm>>
        tpu.enqueue_dma source(%dma_start3A_175 : memref<128xi32, #tpu.memory_space<hbm>>) target(%arg10 : memref<128xi32, #tpu.memory_space<vmem>>) target_semaphore(%arg16 : memref<!tpu.dma_semaphore, #tpu.memory_space<semaphore_mem>>)
      } else {
      }
      %mul3A_110 = arith.constant 2 : i32
      %mul3A_111 = arith.muli %scan3A_74, %mul3A_110 : i32
      %add3A_112 = arith.constant 1 : i32
      %add3A_113 = arith.addi %mul3A_111, %add3A_112 : i32
      %dma_wait3A_114 = arith.constant 1 : i32
      %dma_wait3A_115 = arith.constant 0 : i32
      %dma_wait3A_116 = arith.constant 0 : i32
      %dma_wait3A_117 = tpu.memref_slice %arg7[%dma_wait3A_114, %dma_wait3A_115, %dma_wait3A_116] : memref<2x128x128xf32, #tpu.memory_space<vmem>> -> memref<1x128x128xf32, #tpu.memory_space<vmem>>
      %dma_wait3A_118 = tpu.memref_squeeze %dma_wait3A_117 : memref<1x128x128xf32, #tpu.memory_space<vmem>> -> memref<128x128xf32, #tpu.memory_space<vmem>>
      %dma_wait3A_119 = arith.constant 0 : i32
      %dma_wait3A_120 = tpu.memref_slice %arg6[%add3A_113, %dma_wait3A_119] : memref<80x128xi32, #tpu.memory_space<vmem>> -> memref<1x128xi32, #tpu.memory_space<vmem>>
      %dma_wait3A_121 = tpu.memref_squeeze %dma_wait3A_120 : memref<1x128xi32, #tpu.memory_space<vmem>> -> memref<128xi32, #tpu.memory_space<vmem>>
      %dma_wait3A_122 = arith.constant 0 : i32
      %dma_wait3A_123 = arith.constant 0 : i32
      %dma_wait3A_124 = tpu.memref_slice %arg2[%dma_wait3A_122, %dma_wait3A_123] : memref<10000x128xf32, #tpu.memory_space<hbm>> -> memref<10000x128xf32, #tpu.memory_space<hbm>>
      tpu.wait_indirect_dma semaphore(%arg12 : memref<!tpu.dma_semaphore, #tpu.memory_space<semaphore_mem>>) src(%dma_wait3A_124 : memref<10000x128xf32, #tpu.memory_space<hbm>>) dst(%dma_wait3A_118 : memref<128x128xf32, #tpu.memory_space<vmem>>)
      %dma_wait3A_125 = arith.constant 0 : i32
      %dma_wait3A_126 = tpu.memref_slice %arg4[%add3A, %add3A_113, %dma_wait3A_125] : memref<32x80x128xi32, #tpu.memory_space<hbm>> -> memref<1x1x128xi32, #tpu.memory_space<hbm>>
      %dma_wait3A_127 = tpu.memref_squeeze %dma_wait3A_126 : memref<1x1x128xi32, #tpu.memory_space<hbm>> -> memref<128xi32, #tpu.memory_space<hbm>>
      %dma_wait3A_128 = arith.constant 0 : i32
      %dma_wait3A_129 = tpu.memref_slice %arg4[%add3A, %add3A_113, %dma_wait3A_128] : memref<32x80x128xi32, #tpu.memory_space<hbm>> -> memref<1x1x128xi32, #tpu.memory_space<hbm>>
      %dma_wait3A_130 = tpu.memref_squeeze %dma_wait3A_129 : memref<1x1x128xi32, #tpu.memory_space<hbm>> -> memref<128xi32, #tpu.memory_space<hbm>>
      tpu.wait_dma2 semaphore(%arg16 : memref<!tpu.dma_semaphore, #tpu.memory_space<semaphore_mem>>) src(%dma_wait3A_130 : memref<128xi32, #tpu.memory_space<hbm>>) dst(%arg10 : memref<128xi32, #tpu.memory_space<vmem>>)
      %dma_start3A_131 = arith.constant 1 : i32
      %dma_start3A_132 = arith.constant 0 : i32
      %dma_start3A_133 = arith.constant 0 : i32
      %dma_start3A_134 = tpu.memref_slice %arg7[%dma_start3A_131, %dma_start3A_132, %dma_start3A_133] : memref<2x128x128xf32, #tpu.memory_space<vmem>> -> memref<1x128x128xf32, #tpu.memory_space<vmem>>
      %dma_start3A_135 = tpu.memref_squeeze %dma_start3A_134 : memref<1x128x128xf32, #tpu.memory_space<vmem>> -> memref<128x128xf32, #tpu.memory_space<vmem>>
      %dma_start3A_136 = arith.constant 0 : i32
      %dma_start3A_137 = arith.constant 0 : i32
      %dma_start3A_138 = tpu.memref_slice %arg8[%dma_start3A_136, %dma_start3A_137] : memref<10240x128xf32, #tpu.memory_space<vmem_shared>> -> memref<10240x128xf32, #tpu.memory_space<vmem_shared>>
      tpu.enqueue_indirect_dma source(%dma_start3A_135 : memref<128x128xf32, #tpu.memory_space<vmem>>) target(%dma_start3A_138 : memref<10240x128xf32, #tpu.memory_space<vmem_shared>>) offsets(%arg10 : memref<128xi32, #tpu.memory_space<vmem>>) semaphore(%arg14 : memref<!tpu.dma_semaphore, #tpu.memory_space<semaphore_mem>>) {add = true}
      %add3A_139 = arith.constant 2 : i32
      %add3A_140 = arith.addi %add3A_113, %add3A_139 : i32
      %sub3A_141 = arith.constant 1 : i32
      %sub3A_142 = arith.subi %add3A_140, %sub3A_141 : i32
      %ge3A_143 = arith.constant 2 : i32
      %ge3A_144 = arith.cmpi sge, %sub3A_142, %ge3A_143 : i32
      %lt3A_145 = arith.constant 80 : i32
      %lt3A_146 = arith.cmpi slt, %sub3A_142, %lt3A_145 : i32
      %and3A_147 = arith.andi %ge3A_144, %lt3A_146 : i1
      %convert_element_type3A_148 = arith.extui %and3A_147 : i1 to i32
      %cond3A_149 = arith.constant 0 : i32
      %cond3A_150 = arith.cmpi ne, %convert_element_type3A_148, %cond3A_149 : i32
      scf.if %cond3A_150 {
        %dma_wait3A_151 = arith.constant 0 : i32
        %dma_wait3A_152 = arith.constant 0 : i32
        %dma_wait3A_153 = arith.constant 0 : i32
        %dma_wait3A_154 = tpu.memref_slice %arg7[%dma_wait3A_151, %dma_wait3A_152, %dma_wait3A_153] : memref<2x128x128xf32, #tpu.memory_space<vmem>> -> memref<1x128x128xf32, #tpu.memory_space<vmem>>
        %dma_wait3A_155 = tpu.memref_squeeze %dma_wait3A_154 : memref<1x128x128xf32, #tpu.memory_space<vmem>> -> memref<128x128xf32, #tpu.memory_space<vmem>>
        %dma_wait3A_156 = arith.constant 0 : i32
        %dma_wait3A_157 = arith.constant 0 : i32
        %dma_wait3A_158 = tpu.memref_slice %arg8[%dma_wait3A_156, %dma_wait3A_157] : memref<10240x128xf32, #tpu.memory_space<vmem_shared>> -> memref<10240x128xf32, #tpu.memory_space<vmem_shared>>
        tpu.wait_indirect_dma semaphore(%arg13 : memref<!tpu.dma_semaphore, #tpu.memory_space<semaphore_mem>>) src(%dma_wait3A_155 : memref<128x128xf32, #tpu.memory_space<vmem>>) dst(%dma_wait3A_158 : memref<10240x128xf32, #tpu.memory_space<vmem_shared>>)
        %dma_start3A_159 = arith.constant 0 : i32
        %dma_start3A_160 = arith.constant 0 : i32
        %dma_start3A_161 = arith.constant 0 : i32
        %dma_start3A_162 = tpu.memref_slice %arg7[%dma_start3A_159, %dma_start3A_160, %dma_start3A_161] : memref<2x128x128xf32, #tpu.memory_space<vmem>> -> memref<1x128x128xf32, #tpu.memory_space<vmem>>
        %dma_start3A_163 = tpu.memref_squeeze %dma_start3A_162 : memref<1x128x128xf32, #tpu.memory_space<vmem>> -> memref<128x128xf32, #tpu.memory_space<vmem>>
        %dma_start3A_164 = arith.constant 0 : i32
        %dma_start3A_165 = tpu.memref_slice %arg6[%sub3A_142, %dma_start3A_164] : memref<80x128xi32, #tpu.memory_space<vmem>> -> memref<1x128xi32, #tpu.memory_space<vmem>>
        %dma_start3A_166 = tpu.memref_squeeze %dma_start3A_165 : memref<1x128xi32, #tpu.memory_space<vmem>> -> memref<128xi32, #tpu.memory_space<vmem>>
        %dma_start3A_167 = arith.constant 0 : i32
        %dma_start3A_168 = arith.constant 0 : i32
        %dma_start3A_169 = tpu.memref_slice %arg2[%dma_start3A_167, %dma_start3A_168] : memref<10000x128xf32, #tpu.memory_space<hbm>> -> memref<10000x128xf32, #tpu.memory_space<hbm>>
        tpu.enqueue_indirect_dma source(%dma_start3A_169 : memref<10000x128xf32, #tpu.memory_space<hbm>>) target(%dma_start3A_163 : memref<128x128xf32, #tpu.memory_space<vmem>>) offsets(%dma_start3A_166 : memref<128xi32, #tpu.memory_space<vmem>>) semaphore(%arg11 : memref<!tpu.dma_semaphore, #tpu.memory_space<semaphore_mem>>)
        %dma_start3A_170 = arith.constant 0 : i32
        %dma_start3A_171 = tpu.memref_slice %arg4[%add3A, %sub3A_142, %dma_start3A_170] : memref<32x80x128xi32, #tpu.memory_space<hbm>> -> memref<1x1x128xi32, #tpu.memory_space<hbm>>
        %dma_start3A_172 = tpu.memref_squeeze %dma_start3A_171 : memref<1x1x128xi32, #tpu.memory_space<hbm>> -> memref<128xi32, #tpu.memory_space<hbm>>
        %dma_start3A_173 = arith.constant 0 : i32
        %dma_start3A_174 = tpu.memref_slice %arg4[%add3A, %sub3A_142, %dma_start3A_173] : memref<32x80x128xi32, #tpu.memory_space<hbm>> -> memref<1x1x128xi32, #tpu.memory_space<hbm>>
        %dma_start3A_175 = tpu.memref_squeeze %dma_start3A_174 : memref<1x1x128xi32, #tpu.memory_space<hbm>> -> memref<128xi32, #tpu.memory_space<hbm>>
        tpu.enqueue_dma source(%dma_start3A_175 : memref<128xi32, #tpu.memory_space<hbm>>) target(%arg9 : memref<128xi32, #tpu.memory_space<vmem>>) target_semaphore(%arg15 : memref<!tpu.dma_semaphore, #tpu.memory_space<semaphore_mem>>)
      } else {
      }
    }
    %scan3A_52 = arith.constant 40 : i32
    %dma_wait3A = arith.constant 0 : i32
    %dma_wait3A_53 = arith.constant 0 : i32
    %dma_wait3A_54 = arith.constant 0 : i32
    %dma_wait3A_55 = tpu.memref_slice %arg7[%dma_wait3A, %dma_wait3A_53, %dma_wait3A_54] : memref<2x128x128xf32, #tpu.memory_space<vmem>> -> memref<1x128x128xf32, #tpu.memory_space<vmem>>
    %dma_wait3A_56 = tpu.memref_squeeze %dma_wait3A_55 : memref<1x128x128xf32, #tpu.memory_space<vmem>> -> memref<128x128xf32, #tpu.memory_space<vmem>>
    %dma_wait3A_57 = arith.constant 0 : i32
    %dma_wait3A_58 = arith.constant 0 : i32
    %dma_wait3A_59 = tpu.memref_slice %arg8[%dma_wait3A_57, %dma_wait3A_58] : memref<10240x128xf32, #tpu.memory_space<vmem_shared>> -> memref<10240x128xf32, #tpu.memory_space<vmem_shared>>
    tpu.wait_indirect_dma semaphore(%arg13 : memref<!tpu.dma_semaphore, #tpu.memory_space<semaphore_mem>>) src(%dma_wait3A_56 : memref<128x128xf32, #tpu.memory_space<vmem>>) dst(%dma_wait3A_59 : memref<10240x128xf32, #tpu.memory_space<vmem_shared>>)
    %dma_wait3A_60 = arith.constant 1 : i32
    %dma_wait3A_61 = arith.constant 0 : i32
    %dma_wait3A_62 = arith.constant 0 : i32
    %dma_wait3A_63 = tpu.memref_slice %arg7[%dma_wait3A_60, %dma_wait3A_61, %dma_wait3A_62] : memref<2x128x128xf32, #tpu.memory_space<vmem>> -> memref<1x128x128xf32, #tpu.memory_space<vmem>>
    %dma_wait3A_64 = tpu.memref_squeeze %dma_wait3A_63 : memref<1x128x128xf32, #tpu.memory_space<vmem>> -> memref<128x128xf32, #tpu.memory_space<vmem>>
    %dma_wait3A_65 = arith.constant 0 : i32
    %dma_wait3A_66 = arith.constant 0 : i32
    %dma_wait3A_67 = tpu.memref_slice %arg8[%dma_wait3A_65, %dma_wait3A_66] : memref<10240x128xf32, #tpu.memory_space<vmem_shared>> -> memref<10240x128xf32, #tpu.memory_space<vmem_shared>>
    tpu.wait_indirect_dma semaphore(%arg14 : memref<!tpu.dma_semaphore, #tpu.memory_space<semaphore_mem>>) src(%dma_wait3A_64 : memref<128x128xf32, #tpu.memory_space<vmem>>) dst(%dma_wait3A_67 : memref<10240x128xf32, #tpu.memory_space<vmem_shared>>)
    %barrier3A_68 = arith.constant 0 : index
    tpu.barrier barrier_id(%barrier3A_68)
    %scan3A_69 = arith.constant 0 : i32
    %scan3A_70 = arith.constant 5 : i32
    %scan3A_71 = arith.addi %scan3A_69, %scan3A_70 : i32
    %scan3A_72 = arith.constant 1 : i32
    scf.for %scan3A_74 = %scan3A_69 to %scan3A_71 step %scan3A_72  : i32 {
      %mul3A_75 = arith.constant 640 : i32
      %mul3A_76 = arith.muli %arg1, %mul3A_75 : i32
      %mul3A_77 = arith.constant 128 : i32
      %mul3A_78 = arith.muli %scan3A_74, %mul3A_77 : i32
      %add3A_79 = arith.addi %mul3A_76, %mul3A_78 : i32
      %run_scoped3A = arith.constant 0 : i32
      "tpu.region"() ({
        %run_scoped3A_81 = tpu.sem_alloc : memref<!tpu.dma_semaphore, #tpu.memory_space<semaphore_mem>>
        %dma_start3A_82 = arith.constant 0 : i32
        %dma_start3A_83 = arith.constant 0 : i32
        %dma_start3A_84 = tpu.memref_slice %arg7[%run_scoped3A, %dma_start3A_82, %dma_start3A_83] : memref<2x128x128xf32, #tpu.memory_space<vmem>> -> memref<1x128x128xf32, #tpu.memory_space<vmem>>
        %dma_start3A_85 = tpu.memref_squeeze %dma_start3A_84 : memref<1x128x128xf32, #tpu.memory_space<vmem>> -> memref<128x128xf32, #tpu.memory_space<vmem>>
        %dma_start3A_86 = arith.constant 0 : i32
        %dma_start3A_87 = tpu.memref_slice %arg8[%add3A_79, %dma_start3A_86] : memref<10240x128xf32, #tpu.memory_space<vmem_shared>> -> memref<128x128xf32, #tpu.memory_space<vmem_shared>>
        %dma_start3A_88 = arith.constant 0 : i32
        %dma_start3A_89 = arith.constant 0 : i32
        %dma_start3A_90 = tpu.memref_slice %arg7[%run_scoped3A, %dma_start3A_88, %dma_start3A_89] : memref<2x128x128xf32, #tpu.memory_space<vmem>> -> memref<1x128x128xf32, #tpu.memory_space<vmem>>
        %dma_start3A_91 = tpu.memref_squeeze %dma_start3A_90 : memref<1x128x128xf32, #tpu.memory_space<vmem>> -> memref<128x128xf32, #tpu.memory_space<vmem>>
        %dma_start3A_92 = arith.constant 0 : i32
        %dma_start3A_93 = tpu.memref_slice %arg8[%add3A_79, %dma_start3A_92] : memref<10240x128xf32, #tpu.memory_space<vmem_shared>> -> memref<128x128xf32, #tpu.memory_space<vmem_shared>>
        tpu.enqueue_dma source(%dma_start3A_93 : memref<128x128xf32, #tpu.memory_space<vmem_shared>>) target(%dma_start3A_91 : memref<128x128xf32, #tpu.memory_space<vmem>>) target_semaphore(%run_scoped3A_81 : memref<!tpu.dma_semaphore, #tpu.memory_space<semaphore_mem>>)
        %dma_wait3A_94 = arith.constant 0 : i32
        %dma_wait3A_95 = arith.constant 0 : i32
        %dma_wait3A_96 = tpu.memref_slice %arg7[%run_scoped3A, %dma_wait3A_94, %dma_wait3A_95] : memref<2x128x128xf32, #tpu.memory_space<vmem>> -> memref<1x128x128xf32, #tpu.memory_space<vmem>>
        %dma_wait3A_97 = tpu.memref_squeeze %dma_wait3A_96 : memref<1x128x128xf32, #tpu.memory_space<vmem>> -> memref<128x128xf32, #tpu.memory_space<vmem>>
        %dma_wait3A_98 = arith.constant 0 : i32
        %dma_wait3A_99 = tpu.memref_slice %arg8[%add3A_79, %dma_wait3A_98] : memref<10240x128xf32, #tpu.memory_space<vmem_shared>> -> memref<128x128xf32, #tpu.memory_space<vmem_shared>>
        %dma_wait3A_100 = arith.constant 0 : i32
        %dma_wait3A_101 = arith.constant 0 : i32
        %dma_wait3A_102 = tpu.memref_slice %arg7[%run_scoped3A, %dma_wait3A_100, %dma_wait3A_101] : memref<2x128x128xf32, #tpu.memory_space<vmem>> -> memref<1x128x128xf32, #tpu.memory_space<vmem>>
        %dma_wait3A_103 = tpu.memref_squeeze %dma_wait3A_102 : memref<1x128x128xf32, #tpu.memory_space<vmem>> -> memref<128x128xf32, #tpu.memory_space<vmem>>
        %dma_wait3A_104 = arith.constant 0 : i32
        %dma_wait3A_105 = tpu.memref_slice %arg8[%add3A_79, %dma_wait3A_104] : memref<10240x128xf32, #tpu.memory_space<vmem_shared>> -> memref<128x128xf32, #tpu.memory_space<vmem_shared>>
        tpu.wait_dma2 semaphore(%run_scoped3A_81 : memref<!tpu.dma_semaphore, #tpu.memory_space<semaphore_mem>>) src(%dma_wait3A_105 : memref<128x128xf32, #tpu.memory_space<vmem_shared>>) dst(%dma_wait3A_103 : memref<128x128xf32, #tpu.memory_space<vmem>>)
        tpu.yield
      }) : () -> ()
      %run_scoped3A_80 = arith.constant 0 : i32
      "tpu.region"() ({
        %run_scoped3A_81 = tpu.sem_alloc : memref<!tpu.dma_semaphore, #tpu.memory_space<semaphore_mem>>
        %dma_start3A_82 = arith.constant 0 : i32
        %dma_start3A_83 = arith.constant 0 : i32
        %dma_start3A_84 = tpu.memref_slice %arg7[%run_scoped3A_80, %dma_start3A_82, %dma_start3A_83] : memref<2x128x128xf32, #tpu.memory_space<vmem>> -> memref<1x128x128xf32, #tpu.memory_space<vmem>>
        %dma_start3A_85 = tpu.memref_squeeze %dma_start3A_84 : memref<1x128x128xf32, #tpu.memory_space<vmem>> -> memref<128x128xf32, #tpu.memory_space<vmem>>
        %dma_start3A_86 = arith.constant 0 : i32
        %dma_start3A_87 = tpu.memref_slice %arg5[%arg0, %add3A_79, %dma_start3A_86] : memref<2x10240x128xf32, #tpu.memory_space<hbm>> -> memref<1x128x128xf32, #tpu.memory_space<hbm>>
        %dma_start3A_88 = tpu.memref_squeeze %dma_start3A_87 : memref<1x128x128xf32, #tpu.memory_space<hbm>> -> memref<128x128xf32, #tpu.memory_space<hbm>>
        %dma_start3A_89 = arith.constant 0 : i32
        %dma_start3A_90 = tpu.memref_slice %arg5[%arg0, %add3A_79, %dma_start3A_89] : memref<2x10240x128xf32, #tpu.memory_space<hbm>> -> memref<1x128x128xf32, #tpu.memory_space<hbm>>
        %dma_start3A_91 = tpu.memref_squeeze %dma_start3A_90 : memref<1x128x128xf32, #tpu.memory_space<hbm>> -> memref<128x128xf32, #tpu.memory_space<hbm>>
        %dma_start3A_92 = arith.constant 0 : i32
        %dma_start3A_93 = arith.constant 0 : i32
        %dma_start3A_94 = tpu.memref_slice %arg7[%run_scoped3A_80, %dma_start3A_92, %dma_start3A_93] : memref<2x128x128xf32, #tpu.memory_space<vmem>> -> memref<1x128x128xf32, #tpu.memory_space<vmem>>
        %dma_start3A_95 = tpu.memref_squeeze %dma_start3A_94 : memref<1x128x128xf32, #tpu.memory_space<vmem>> -> memref<128x128xf32, #tpu.memory_space<vmem>>
        tpu.enqueue_dma source(%dma_start3A_95 : memref<128x128xf32, #tpu.memory_space<vmem>>) target(%dma_start3A_91 : memref<128x128xf32, #tpu.memory_space<hbm>>) target_semaphore(%run_scoped3A_81 : memref<!tpu.dma_semaphore, #tpu.memory_space<semaphore_mem>>)
        %dma_wait3A_96 = arith.constant 0 : i32
        %dma_wait3A_97 = arith.constant 0 : i32
        %dma_wait3A_98 = tpu.memref_slice %arg7[%run_scoped3A_80, %dma_wait3A_96, %dma_wait3A_97] : memref<2x128x128xf32, #tpu.memory_space<vmem>> -> memref<1x128x128xf32, #tpu.memory_space<vmem>>
        %dma_wait3A_99 = tpu.memref_squeeze %dma_wait3A_98 : memref<1x128x128xf32, #tpu.memory_space<vmem>> -> memref<128x128xf32, #tpu.memory_space<vmem>>
        %dma_wait3A_100 = arith.constant 0 : i32
        %dma_wait3A_101 = tpu.memref_slice %arg5[%arg0, %add3A_79, %dma_wait3A_100] : memref<2x10240x128xf32, #tpu.memory_space<hbm>> -> memref<1x128x128xf32, #tpu.memory_space<hbm>>
        %dma_wait3A_102 = tpu.memref_squeeze %dma_wait3A_101 : memref<1x128x128xf32, #tpu.memory_space<hbm>> -> memref<128x128xf32, #tpu.memory_space<hbm>>
        %dma_wait3A_103 = arith.constant 0 : i32
        %dma_wait3A_104 = tpu.memref_slice %arg5[%arg0, %add3A_79, %dma_wait3A_103] : memref<2x10240x128xf32, #tpu.memory_space<hbm>> -> memref<1x128x128xf32, #tpu.memory_space<hbm>>
        %dma_wait3A_105 = tpu.memref_squeeze %dma_wait3A_104 : memref<1x128x128xf32, #tpu.memory_space<hbm>> -> memref<128x128xf32, #tpu.memory_space<hbm>>
        %dma_wait3A_106 = arith.constant 0 : i32
        %dma_wait3A_107 = arith.constant 0 : i32
        %dma_wait3A_108 = tpu.memref_slice %arg7[%run_scoped3A_80, %dma_wait3A_106, %dma_wait3A_107] : memref<2x128x128xf32, #tpu.memory_space<vmem>> -> memref<1x128x128xf32, #tpu.memory_space<vmem>>
        %dma_wait3A_109 = tpu.memref_squeeze %dma_wait3A_108 : memref<1x128x128xf32, #tpu.memory_space<vmem>> -> memref<128x128xf32, #tpu.memory_space<vmem>>
        tpu.wait_dma2 semaphore(%run_scoped3A_81 : memref<!tpu.dma_semaphore, #tpu.memory_space<semaphore_mem>>) src(%dma_wait3A_109 : memref<128x128xf32, #tpu.memory_space<vmem>>) dst(%dma_wait3A_105 : memref<128x128xf32, #tpu.memory_space<hbm>>)
        tpu.yield
      }) : () -> ()
    }
    %scan3A_73 = arith.constant 5 : i32
    return
  }
}

#map = affine_map<(d0, d1) -> (0, 0)>
#map1 = affine_map<(d0, d1) -> (0, 0, 0)>
module attributes {stable_mosaic.version = 14 : i64} {
  func.func @_spmm_kernel(%arg0: i32, %arg1: i32, %arg2: memref<10000x128xf32, #tpu.memory_space<hbm>>, %arg3: memref<32x80x128xi32, #tpu.memory_space<hbm>>, %arg4: memref<32x80x128xi32, #tpu.memory_space<hbm>>, %arg5: memref<2x10240x128xf32, #tpu.memory_space<hbm>>, %arg6: memref<80x128xi32, #tpu.memory_space<vmem>>, %arg7: memref<2x128x128xf32, #tpu.memory_space<vmem>>, %arg8: memref<10240x128xf32, #tpu.memory_space<vmem_shared>>, %arg9: memref<128xi32, #tpu.memory_space<vmem>>, %arg10: memref<128xi32, #tpu.memory_space<vmem>>, %arg11: memref<!tpu.dma_semaphore, #tpu.memory_space<semaphore_mem>>, %arg12: memref<!tpu.dma_semaphore, #tpu.memory_space<semaphore_mem>>, %arg13: memref<!tpu.dma_semaphore, #tpu.memory_space<semaphore_mem>>, %arg14: memref<!tpu.dma_semaphore, #tpu.memory_space<semaphore_mem>>, %arg15: memref<!tpu.dma_semaphore, #tpu.memory_space<semaphore_mem>>, %arg16: memref<!tpu.dma_semaphore, #tpu.memory_space<semaphore_mem>>) attributes {dimension_semantics = [#tpu.dimension_semantics<core_parallel>, #tpu.dimension_semantics<subcore_parallel>], iteration_bounds = array<i64: 2, 16>, scalar_prefetch = 0 : i64, scratch_operands = 11 : i64, tpu.core_type = #tpu.core_type<sc_vector_subcore>, window_params = [{transform_indices = #map}, {transform_indices = #map1}, {transform_indices = #map1}, {transform_indices = #map1}]} {
    %mul3A = arith.constant 16 : i32
    %mul3A_0 = arith.muli %arg0, %mul3A : i32
    %add3A = arith.addi %mul3A_0, %arg1 : i32
    "tpu.region"() ({
      %run_scoped3A = tpu.sem_alloc : memref<!tpu.dma_semaphore, #tpu.memory_space<semaphore_mem>>
      %dma_start3A_74 = arith.constant 0 : i32
      %dma_start3A_75 = arith.constant 0 : i32
      %dma_start3A_76 = tpu.memref_slice %arg3[%add3A, %dma_start3A_74, %dma_start3A_75] : memref<32x80x128xi32, #tpu.memory_space<hbm>> -> memref<1x80x128xi32, #tpu.memory_space<hbm>>
      %dma_start3A_77 = tpu.memref_squeeze %dma_start3A_76 : memref<1x80x128xi32, #tpu.memory_space<hbm>> -> memref<80x128xi32, #tpu.memory_space<hbm>>
      %dma_start3A_78 = arith.constant 0 : i32
      %dma_start3A_79 = arith.constant 0 : i32
      %dma_start3A_80 = tpu.memref_slice %arg3[%add3A, %dma_start3A_78, %dma_start3A_79] : memref<32x80x128xi32, #tpu.memory_space<hbm>> -> memref<1x80x128xi32, #tpu.memory_space<hbm>>
      %dma_start3A_81 = tpu.memref_squeeze %dma_start3A_80 : memref<1x80x128xi32, #tpu.memory_space<hbm>> -> memref<80x128xi32, #tpu.memory_space<hbm>>
      tpu.enqueue_dma source(%dma_start3A_81 : memref<80x128xi32, #tpu.memory_space<hbm>>) target(%arg6 : memref<80x128xi32, #tpu.memory_space<vmem>>) target_semaphore(%run_scoped3A : memref<!tpu.dma_semaphore, #tpu.memory_space<semaphore_mem>>)
      %dma_wait3A_82 = arith.constant 0 : i32
      %dma_wait3A_83 = arith.constant 0 : i32
      %dma_wait3A_84 = tpu.memref_slice %arg3[%add3A, %dma_wait3A_82, %dma_wait3A_83] : memref<32x80x128xi32, #tpu.memory_space<hbm>> -> memref<1x80x128xi32, #tpu.memory_space<hbm>>
      %dma_wait3A_85 = tpu.memref_squeeze %dma_wait3A_84 : memref<1x80x128xi32, #tpu.memory_space<hbm>> -> memref<80x128xi32, #tpu.memory_space<hbm>>
      %dma_wait3A_86 = arith.constant 0 : i32
      %dma_wait3A_87 = arith.constant 0 : i32
      %dma_wait3A_88 = tpu.memref_slice %arg3[%add3A, %dma_wait3A_86, %dma_wait3A_87] : memref<32x80x128xi32, #tpu.memory_space<hbm>> -> memref<1x80x128xi32, #tpu.memory_space<hbm>>
      %dma_wait3A_89 = tpu.memref_squeeze %dma_wait3A_88 : memref<1x80x128xi32, #tpu.memory_space<hbm>> -> memref<80x128xi32, #tpu.memory_space<hbm>>
      tpu.wait_dma2 semaphore(%run_scoped3A : memref<!tpu.dma_semaphore, #tpu.memory_space<semaphore_mem>>) src(%dma_wait3A_89 : memref<80x128xi32, #tpu.memory_space<hbm>>) dst(%arg6 : memref<80x128xi32, #tpu.memory_space<vmem>>)
      tpu.yield
    }) : () -> ()
    %broadcast_in_dim3A = arith.constant 0.000000e+00 : f32
    %broadcast_in_dim3A_1 = vector.broadcast %broadcast_in_dim3A : f32 to vector<16xf32>
    %scan3A = arith.constant 0 : i32
    %scan3A_2 = arith.constant 128 : i32
    %scan3A_3 = arith.addi %scan3A, %scan3A_2 : i32
    %scan3A_4 = arith.constant 1 : i32
    scf.for %scan3A_74 = %scan3A to %scan3A_3 step %scan3A_4  : i32 {
      %scan3A_75 = arith.constant 0 : i32
      %scan3A_76 = arith.constant 8 : i32
      %scan3A_77 = arith.addi %scan3A_75, %scan3A_76 : i32
      %scan3A_78 = arith.constant 1 : i32
      scf.for %scan3A_80 = %scan3A_75 to %scan3A_77 step %scan3A_78  : i32 {
        %mul3A_81 = arith.constant 16 : i32
        %mul3A_82 = arith.muli %scan3A_80, %mul3A_81 : i32
        %swap3A = arith.constant 0 : i32
        %swap3A_83 = arith.index_cast %swap3A : i32 to index
        %swap3A_84 = arith.index_cast %scan3A_74 : i32 to index
        %swap3A_85 = arith.index_cast %mul3A_82 : i32 to index
        %swap3A_86 = tpu.vector_load %arg7[%swap3A_83, %swap3A_84, %swap3A_85] {strides = array<i32>} : memref<2x128x128xf32, #tpu.memory_space<vmem>>, vector<16xf32>,
        tpu.vector_store %arg7[%swap3A_83, %swap3A_84, %swap3A_85], %broadcast_in_dim3A_1 {strides = array<i32>} : memref<2x128x128xf32, #tpu.memory_space<vmem>>, vector<16xf32>,
      }
      %scan3A_79 = arith.constant 8 : i32
    }
    %scan3A_5 = arith.constant 128 : i32
    %scan3A_6 = arith.constant 0 : i32
    %scan3A_7 = arith.constant 5 : i32
    %scan3A_8 = arith.addi %scan3A_6, %scan3A_7 : i32
    %scan3A_9 = arith.constant 1 : i32
    scf.for %scan3A_74 = %scan3A_6 to %scan3A_8 step %scan3A_9  : i32 {
      %mul3A_75 = arith.constant 640 : i32
      %mul3A_76 = arith.muli %arg1, %mul3A_75 : i32
      %mul3A_77 = arith.constant 128 : i32
      %mul3A_78 = arith.muli %scan3A_74, %mul3A_77 : i32
      %add3A_79 = arith.addi %mul3A_76, %mul3A_78 : i32
      %run_scoped3A = arith.constant 0 : i32
      "tpu.region"() ({
        %run_scoped3A_80 = tpu.sem_alloc : memref<!tpu.dma_semaphore, #tpu.memory_space<semaphore_mem>>
        %dma_start3A_81 = arith.constant 0 : i32
        %dma_start3A_82 = arith.constant 0 : i32
        %dma_start3A_83 = tpu.memref_slice %arg7[%run_scoped3A, %dma_start3A_81, %dma_start3A_82] : memref<2x128x128xf32, #tpu.memory_space<vmem>> -> memref<1x128x128xf32, #tpu.memory_space<vmem>>
        %dma_start3A_84 = tpu.memref_squeeze %dma_start3A_83 : memref<1x128x128xf32, #tpu.memory_space<vmem>> -> memref<128x128xf32, #tpu.memory_space<vmem>>
        %dma_start3A_85 = arith.constant 0 : i32
        %dma_start3A_86 = tpu.memref_slice %arg8[%add3A_79, %dma_start3A_85] : memref<10240x128xf32, #tpu.memory_space<vmem_shared>> -> memref<128x128xf32, #tpu.memory_space<vmem_shared>>
        %dma_start3A_87 = arith.constant 0 : i32
        %dma_start3A_88 = tpu.memref_slice %arg8[%add3A_79, %dma_start3A_87] : memref<10240x128xf32, #tpu.memory_space<vmem_shared>> -> memref<128x128xf32, #tpu.memory_space<vmem_shared>>
        %dma_start3A_89 = arith.constant 0 : i32
        %dma_start3A_90 = arith.constant 0 : i32
        %dma_start3A_91 = tpu.memref_slice %arg7[%run_scoped3A, %dma_start3A_89, %dma_start3A_90] : memref<2x128x128xf32, #tpu.memory_space<vmem>> -> memref<1x128x128xf32, #tpu.memory_space<vmem>>
        %dma_start3A_92 = tpu.memref_squeeze %dma_start3A_91 : memref<1x128x128xf32, #tpu.memory_space<vmem>> -> memref<128x128xf32, #tpu.memory_space<vmem>>
        tpu.enqueue_dma source(%dma_start3A_92 : memref<128x128xf32, #tpu.memory_space<vmem>>) target(%dma_start3A_88 : memref<128x128xf32, #tpu.memory_space<vmem_shared>>) target_semaphore(%run_scoped3A_80 : memref<!tpu.dma_semaphore, #tpu.memory_space<semaphore_mem>>)
        %dma_wait3A_93 = arith.constant 0 : i32
        %dma_wait3A_94 = arith.constant 0 : i32
        %dma_wait3A_95 = tpu.memref_slice %arg7[%run_scoped3A, %dma_wait3A_93, %dma_wait3A_94] : memref<2x128x128xf32, #tpu.memory_space<vmem>> -> memref<1x128x128xf32, #tpu.memory_space<vmem>>
        %dma_wait3A_96 = tpu.memref_squeeze %dma_wait3A_95 : memref<1x128x128xf32, #tpu.memory_space<vmem>> -> memref<128x128xf32, #tpu.memory_space<vmem>>
        %dma_wait3A_97 = arith.constant 0 : i32
        %dma_wait3A_98 = tpu.memref_slice %arg8[%add3A_79, %dma_wait3A_97] : memref<10240x128xf32, #tpu.memory_space<vmem_shared>> -> memref<128x128xf32, #tpu.memory_space<vmem_shared>>
        %dma_wait3A_99 = arith.constant 0 : i32
        %dma_wait3A_100 = tpu.memref_slice %arg8[%add3A_79, %dma_wait3A_99] : memref<10240x128xf32, #tpu.memory_space<vmem_shared>> -> memref<128x128xf32, #tpu.memory_space<vmem_shared>>
        %dma_wait3A_101 = arith.constant 0 : i32
        %dma_wait3A_102 = arith.constant 0 : i32
        %dma_wait3A_103 = tpu.memref_slice %arg7[%run_scoped3A, %dma_wait3A_101, %dma_wait3A_102] : memref<2x128x128xf32, #tpu.memory_space<vmem>> -> memref<1x128x128xf32, #tpu.memory_space<vmem>>
        %dma_wait3A_104 = tpu.memref_squeeze %dma_wait3A_103 : memref<1x128x128xf32, #tpu.memory_space<vmem>> -> memref<128x128xf32, #tpu.memory_space<vmem>>
        tpu.wait_dma2 semaphore(%run_scoped3A_80 : memref<!tpu.dma_semaphore, #tpu.memory_space<semaphore_mem>>) src(%dma_wait3A_104 : memref<128x128xf32, #tpu.memory_space<vmem>>) dst(%dma_wait3A_100 : memref<128x128xf32, #tpu.memory_space<vmem_shared>>)
        tpu.yield
      }) : () -> ()
    }
    %scan3A_10 = arith.constant 5 : i32
    %barrier3A = arith.constant 0 : index
    tpu.barrier barrier_id(%barrier3A)
    %dma_start3A = arith.constant 0 : i32
    %dma_start3A_11 = arith.constant 0 : i32
    %dma_start3A_12 = arith.constant 0 : i32
    %dma_start3A_13 = arith.constant 0 : i32
    %dma_start3A_14 = tpu.memref_slice %arg7[%dma_start3A_11, %dma_start3A_12, %dma_start3A_13] : memref<2x128x128xf32, #tpu.memory_space<vmem>> -> memref<1x128x128xf32, #tpu.memory_space<vmem>>
    %dma_start3A_15 = tpu.memref_squeeze %dma_start3A_14 : memref<1x128x128xf32, #tpu.memory_space<vmem>> -> memref<128x128xf32, #tpu.memory_space<vmem>>
    %dma_start3A_16 = arith.constant 0 : i32
    %dma_start3A_17 = tpu.memref_slice %arg6[%dma_start3A, %dma_start3A_16] : memref<80x128xi32, #tpu.memory_space<vmem>> -> memref<1x128xi32, #tpu.memory_space<vmem>>
    %dma_start3A_18 = tpu.memref_squeeze %dma_start3A_17 : memref<1x128xi32, #tpu.memory_space<vmem>> -> memref<128xi32, #tpu.memory_space<vmem>>
    %dma_start3A_19 = arith.constant 0 : i32
    %dma_start3A_20 = arith.constant 0 : i32
    %dma_start3A_21 = tpu.memref_slice %arg2[%dma_start3A_19, %dma_start3A_20] : memref<10000x128xf32, #tpu.memory_space<hbm>> -> memref<10000x128xf32, #tpu.memory_space<hbm>>
    tpu.enqueue_indirect_dma source(%dma_start3A_21 : memref<10000x128xf32, #tpu.memory_space<hbm>>) target(%dma_start3A_15 : memref<128x128xf32, #tpu.memory_space<vmem>>) offsets(%dma_start3A_18 : memref<128xi32, #tpu.memory_space<vmem>>) semaphore(%arg11 : memref<!tpu.dma_semaphore, #tpu.memory_space<semaphore_mem>>)
    %dma_start3A_22 = arith.constant 0 : i32
    %dma_start3A_23 = arith.constant 0 : i32
    %dma_start3A_24 = tpu.memref_slice %arg4[%add3A, %dma_start3A_22, %dma_start3A_23] : memref<32x80x128xi32, #tpu.memory_space<hbm>> -> memref<1x1x128xi32, #tpu.memory_space<hbm>>
    %dma_start3A_25 = tpu.memref_squeeze %dma_start3A_24 : memref<1x1x128xi32, #tpu.memory_space<hbm>> -> memref<128xi32, #tpu.memory_space<hbm>>
    %dma_start3A_26 = arith.constant 0 : i32
    %dma_start3A_27 = tpu.memref_slice %arg4[%add3A, %dma_start3A_22, %dma_start3A_26] : memref<32x80x128xi32, #tpu.memory_space<hbm>> -> memref<1x1x128xi32, #tpu.memory_space<hbm>>
    %dma_start3A_28 = tpu.memref_squeeze %dma_start3A_27 : memref<1x1x128xi32, #tpu.memory_space<hbm>> -> memref<128xi32, #tpu.memory_space<hbm>>
    tpu.enqueue_dma source(%dma_start3A_28 : memref<128xi32, #tpu.memory_space<hbm>>) target(%arg9 : memref<128xi32, #tpu.memory_space<vmem>>) target_semaphore(%arg15 : memref<!tpu.dma_semaphore, #tpu.memory_space<semaphore_mem>>)
    %dma_start3A_29 = arith.constant 1 : i32
    %dma_start3A_30 = arith.constant 1 : i32
    %dma_start3A_31 = arith.constant 0 : i32
    %dma_start3A_32 = arith.constant 0 : i32
    %dma_start3A_33 = tpu.memref_slice %arg7[%dma_start3A_30, %dma_start3A_31, %dma_start3A_32] : memref<2x128x128xf32, #tpu.memory_space<vmem>> -> memref<1x128x128xf32, #tpu.memory_space<vmem>>
    %dma_start3A_34 = tpu.memref_squeeze %dma_start3A_33 : memref<1x128x128xf32, #tpu.memory_space<vmem>> -> memref<128x128xf32, #tpu.memory_space<vmem>>
    %dma_start3A_35 = arith.constant 0 : i32
    %dma_start3A_36 = tpu.memref_slice %arg6[%dma_start3A_29, %dma_start3A_35] : memref<80x128xi32, #tpu.memory_space<vmem>> -> memref<1x128xi32, #tpu.memory_space<vmem>>
    %dma_start3A_37 = tpu.memref_squeeze %dma_start3A_36 : memref<1x128xi32, #tpu.memory_space<vmem>> -> memref<128xi32, #tpu.memory_space<vmem>>
    %dma_start3A_38 = arith.constant 0 : i32
    %dma_start3A_39 = arith.constant 0 : i32
    %dma_start3A_40 = tpu.memref_slice %arg2[%dma_start3A_38, %dma_start3A_39] : memref<10000x128xf32, #tpu.memory_space<hbm>> -> memref<10000x128xf32, #tpu.memory_space<hbm>>
    tpu.enqueue_indirect_dma source(%dma_start3A_40 : memref<10000x128xf32, #tpu.memory_space<hbm>>) target(%dma_start3A_34 : memref<128x128xf32, #tpu.memory_space<vmem>>) offsets(%dma_start3A_37 : memref<128xi32, #tpu.memory_space<vmem>>) semaphore(%arg12 : memref<!tpu.dma_semaphore, #tpu.memory_space<semaphore_mem>>)
    %dma_start3A_41 = arith.constant 1 : i32
    %dma_start3A_42 = arith.constant 0 : i32
    %dma_start3A_43 = tpu.memref_slice %arg4[%add3A, %dma_start3A_41, %dma_start3A_42] : memref<32x80x128xi32, #tpu.memory_space<hbm>> -> memref<1x1x128xi32, #tpu.memory_space<hbm>>
    %dma_start3A_44 = tpu.memref_squeeze %dma_start3A_43 : memref<1x1x128xi32, #tpu.memory_space<hbm>> -> memref<128xi32, #tpu.memory_space<hbm>>
    %dma_start3A_45 = arith.constant 0 : i32
    %dma_start3A_46 = tpu.memref_slice %arg4[%add3A, %dma_start3A_41, %dma_start3A_45] : memref<32x80x128xi32, #tpu.memory_space<hbm>> -> memref<1x1x128xi32, #tpu.memory_space<hbm>>
    %dma_start3A_47 = tpu.memref_squeeze %dma_start3A_46 : memref<1x1x128xi32, #tpu.memory_space<hbm>> -> memref<128xi32, #tpu.memory_space<hbm>>
    tpu.enqueue_dma source(%dma_start3A_47 : memref<128xi32, #tpu.memory_space<hbm>>) target(%arg10 : memref<128xi32, #tpu.memory_space<vmem>>) target_semaphore(%arg16 : memref<!tpu.dma_semaphore, #tpu.memory_space<semaphore_mem>>)
    %scan3A_48 = arith.constant 0 : i32
    %scan3A_49 = arith.constant 40 : i32
    %scan3A_50 = arith.addi %scan3A_48, %scan3A_49 : i32
    %scan3A_51 = arith.constant 1 : i32
    scf.for %scan3A_74 = %scan3A_48 to %scan3A_50 step %scan3A_51  : i32 {
      %mul3A_75 = arith.constant 2 : i32
      %mul3A_76 = arith.muli %scan3A_74, %mul3A_75 : i32
      %add3A_77 = arith.constant 0 : i32
      %add3A_78 = arith.addi %mul3A_76, %add3A_77 : i32
      %dma_wait3A_79 = arith.constant 0 : i32
      %dma_wait3A_80 = arith.constant 0 : i32
      %dma_wait3A_81 = arith.constant 0 : i32
      %dma_wait3A_82 = tpu.memref_slice %arg7[%dma_wait3A_79, %dma_wait3A_80, %dma_wait3A_81] : memref<2x128x128xf32, #tpu.memory_space<vmem>> -> memref<1x128x128xf32, #tpu.memory_space<vmem>>
      %dma_wait3A_83 = tpu.memref_squeeze %dma_wait3A_82 : memref<1x128x128xf32, #tpu.memory_space<vmem>> -> memref<128x128xf32, #tpu.memory_space<vmem>>
      %dma_wait3A_84 = arith.constant 0 : i32
      %dma_wait3A_85 = tpu.memref_slice %arg6[%add3A_78, %dma_wait3A_84] : memref<80x128xi32, #tpu.memory_space<vmem>> -> memref<1x128xi32, #tpu.memory_space<vmem>>
      %dma_wait3A_86 = tpu.memref_squeeze %dma_wait3A_85 : memref<1x128xi32, #tpu.memory_space<vmem>> -> memref<128xi32, #tpu.memory_space<vmem>>
      %dma_wait3A_87 = arith.constant 0 : i32
      %dma_wait3A_88 = arith.constant 0 : i32
      %dma_wait3A_89 = tpu.memref_slice %arg2[%dma_wait3A_87, %dma_wait3A_88] : memref<10000x128xf32, #tpu.memory_space<hbm>> -> memref<10000x128xf32, #tpu.memory_space<hbm>>
      tpu.wait_indirect_dma semaphore(%arg11 : memref<!tpu.dma_semaphore, #tpu.memory_space<semaphore_mem>>) src(%dma_wait3A_89 : memref<10000x128xf32, #tpu.memory_space<hbm>>) dst(%dma_wait3A_83 : memref<128x128xf32, #tpu.memory_space<vmem>>)
      %dma_wait3A_90 = arith.constant 0 : i32
      %dma_wait3A_91 = tpu.memref_slice %arg4[%add3A, %add3A_78, %dma_wait3A_90] : memref<32x80x128xi32, #tpu.memory_space<hbm>> -> memref<1x1x128xi32, #tpu.memory_space<hbm>>
      %dma_wait3A_92 = tpu.memref_squeeze %dma_wait3A_91 : memref<1x1x128xi32, #tpu.memory_space<hbm>> -> memref<128xi32, #tpu.memory_space<hbm>>
      %dma_wait3A_93 = arith.constant 0 : i32
      %dma_wait3A_94 = tpu.memref_slice %arg4[%add3A, %add3A_78, %dma_wait3A_93] : memref<32x80x128xi32, #tpu.memory_space<hbm>> -> memref<1x1x128xi32, #tpu.memory_space<hbm>>
      %dma_wait3A_95 = tpu.memref_squeeze %dma_wait3A_94 : memref<1x1x128xi32, #tpu.memory_space<hbm>> -> memref<128xi32, #tpu.memory_space<hbm>>
      tpu.wait_dma2 semaphore(%arg15 : memref<!tpu.dma_semaphore, #tpu.memory_space<semaphore_mem>>) src(%dma_wait3A_95 : memref<128xi32, #tpu.memory_space<hbm>>) dst(%arg9 : memref<128xi32, #tpu.memory_space<vmem>>)
      %dma_start3A_96 = arith.constant 0 : i32
      %dma_start3A_97 = arith.constant 0 : i32
      %dma_start3A_98 = arith.constant 0 : i32
      %dma_start3A_99 = tpu.memref_slice %arg7[%dma_start3A_96, %dma_start3A_97, %dma_start3A_98] : memref<2x128x128xf32, #tpu.memory_space<vmem>> -> memref<1x128x128xf32, #tpu.memory_space<vmem>>
      %dma_start3A_100 = tpu.memref_squeeze %dma_start3A_99 : memref<1x128x128xf32, #tpu.memory_space<vmem>> -> memref<128x128xf32, #tpu.memory_space<vmem>>
      %dma_start3A_101 = arith.constant 0 : i32
      %dma_start3A_102 = arith.constant 0 : i32
      %dma_start3A_103 = tpu.memref_slice %arg8[%dma_start3A_101, %dma_start3A_102] : memref<10240x128xf32, #tpu.memory_space<vmem_shared>> -> memref<10240x128xf32, #tpu.memory_space<vmem_shared>>
      tpu.enqueue_indirect_dma source(%dma_start3A_100 : memref<128x128xf32, #tpu.memory_space<vmem>>) target(%dma_start3A_103 : memref<10240x128xf32, #tpu.memory_space<vmem_shared>>) offsets(%arg9 : memref<128xi32, #tpu.memory_space<vmem>>) semaphore(%arg13 : memref<!tpu.dma_semaphore, #tpu.memory_space<semaphore_mem>>) {add = true}
      %add3A_104 = arith.constant 2 : i32
      %add3A_105 = arith.addi %add3A_78, %add3A_104 : i32
      %sub3A = arith.constant 1 : i32
      %sub3A_106 = arith.subi %add3A_105, %sub3A : i32
      %ge3A = arith.constant 2 : i32
      %ge3A_107 = arith.cmpi sge, %sub3A_106, %ge3A : i32
      %lt3A = arith.constant 80 : i32
      %lt3A_108 = arith.cmpi slt, %sub3A_106, %lt3A : i32
      %and3A = arith.andi %ge3A_107, %lt3A_108 : i1
      %convert_element_type3A = arith.extui %and3A : i1 to i32
      %cond3A = arith.constant 0 : i32
      %cond3A_109 = arith.cmpi ne, %convert_element_type3A, %cond3A : i32
      scf.if %cond3A_109 {
        %dma_wait3A_151 = arith.constant 1 : i32
        %dma_wait3A_152 = arith.constant 0 : i32
        %dma_wait3A_153 = arith.constant 0 : i32
        %dma_wait3A_154 = tpu.memref_slice %arg7[%dma_wait3A_151, %dma_wait3A_152, %dma_wait3A_153] : memref<2x128x128xf32, #tpu.memory_space<vmem>> -> memref<1x128x128xf32, #tpu.memory_space<vmem>>
        %dma_wait3A_155 = tpu.memref_squeeze %dma_wait3A_154 : memref<1x128x128xf32, #tpu.memory_space<vmem>> -> memref<128x128xf32, #tpu.memory_space<vmem>>
        %dma_wait3A_156 = arith.constant 0 : i32
        %dma_wait3A_157 = arith.constant 0 : i32
        %dma_wait3A_158 = tpu.memref_slice %arg8[%dma_wait3A_156, %dma_wait3A_157] : memref<10240x128xf32, #tpu.memory_space<vmem_shared>> -> memref<10240x128xf32, #tpu.memory_space<vmem_shared>>
        tpu.wait_indirect_dma semaphore(%arg14 : memref<!tpu.dma_semaphore, #tpu.memory_space<semaphore_mem>>) src(%dma_wait3A_155 : memref<128x128xf32, #tpu.memory_space<vmem>>) dst(%dma_wait3A_158 : memref<10240x128xf32, #tpu.memory_space<vmem_shared>>)
        %dma_start3A_159 = arith.constant 1 : i32
        %dma_start3A_160 = arith.constant 0 : i32
        %dma_start3A_161 = arith.constant 0 : i32
        %dma_start3A_162 = tpu.memref_slice %arg7[%dma_start3A_159, %dma_start3A_160, %dma_start3A_161] : memref<2x128x128xf32, #tpu.memory_space<vmem>> -> memref<1x128x128xf32, #tpu.memory_space<vmem>>
        %dma_start3A_163 = tpu.memref_squeeze %dma_start3A_162 : memref<1x128x128xf32, #tpu.memory_space<vmem>> -> memref<128x128xf32, #tpu.memory_space<vmem>>
        %dma_start3A_164 = arith.constant 0 : i32
        %dma_start3A_165 = tpu.memref_slice %arg6[%sub3A_106, %dma_start3A_164] : memref<80x128xi32, #tpu.memory_space<vmem>> -> memref<1x128xi32, #tpu.memory_space<vmem>>
        %dma_start3A_166 = tpu.memref_squeeze %dma_start3A_165 : memref<1x128xi32, #tpu.memory_space<vmem>> -> memref<128xi32, #tpu.memory_space<vmem>>
        %dma_start3A_167 = arith.constant 0 : i32
        %dma_start3A_168 = arith.constant 0 : i32
        %dma_start3A_169 = tpu.memref_slice %arg2[%dma_start3A_167, %dma_start3A_168] : memref<10000x128xf32, #tpu.memory_space<hbm>> -> memref<10000x128xf32, #tpu.memory_space<hbm>>
        tpu.enqueue_indirect_dma source(%dma_start3A_169 : memref<10000x128xf32, #tpu.memory_space<hbm>>) target(%dma_start3A_163 : memref<128x128xf32, #tpu.memory_space<vmem>>) offsets(%dma_start3A_166 : memref<128xi32, #tpu.memory_space<vmem>>) semaphore(%arg12 : memref<!tpu.dma_semaphore, #tpu.memory_space<semaphore_mem>>)
        %dma_start3A_170 = arith.constant 0 : i32
        %dma_start3A_171 = tpu.memref_slice %arg4[%add3A, %sub3A_106, %dma_start3A_170] : memref<32x80x128xi32, #tpu.memory_space<hbm>> -> memref<1x1x128xi32, #tpu.memory_space<hbm>>
        %dma_start3A_172 = tpu.memref_squeeze %dma_start3A_171 : memref<1x1x128xi32, #tpu.memory_space<hbm>> -> memref<128xi32, #tpu.memory_space<hbm>>
        %dma_start3A_173 = arith.constant 0 : i32
        %dma_start3A_174 = tpu.memref_slice %arg4[%add3A, %sub3A_106, %dma_start3A_173] : memref<32x80x128xi32, #tpu.memory_space<hbm>> -> memref<1x1x128xi32, #tpu.memory_space<hbm>>
        %dma_start3A_175 = tpu.memref_squeeze %dma_start3A_174 : memref<1x1x128xi32, #tpu.memory_space<hbm>> -> memref<128xi32, #tpu.memory_space<hbm>>
        tpu.enqueue_dma source(%dma_start3A_175 : memref<128xi32, #tpu.memory_space<hbm>>) target(%arg10 : memref<128xi32, #tpu.memory_space<vmem>>) target_semaphore(%arg16 : memref<!tpu.dma_semaphore, #tpu.memory_space<semaphore_mem>>)
      } else {
      }
      %mul3A_110 = arith.constant 2 : i32
      %mul3A_111 = arith.muli %scan3A_74, %mul3A_110 : i32
      %add3A_112 = arith.constant 1 : i32
      %add3A_113 = arith.addi %mul3A_111, %add3A_112 : i32
      %dma_wait3A_114 = arith.constant 1 : i32
      %dma_wait3A_115 = arith.constant 0 : i32
      %dma_wait3A_116 = arith.constant 0 : i32
      %dma_wait3A_117 = tpu.memref_slice %arg7[%dma_wait3A_114, %dma_wait3A_115, %dma_wait3A_116] : memref<2x128x128xf32, #tpu.memory_space<vmem>> -> memref<1x128x128xf32, #tpu.memory_space<vmem>>
      %dma_wait3A_118 = tpu.memref_squeeze %dma_wait3A_117 : memref<1x128x128xf32, #tpu.memory_space<vmem>> -> memref<128x128xf32, #tpu.memory_space<vmem>>
      %dma_wait3A_119 = arith.constant 0 : i32
      %dma_wait3A_120 = tpu.memref_slice %arg6[%add3A_113, %dma_wait3A_119] : memref<80x128xi32, #tpu.memory_space<vmem>> -> memref<1x128xi32, #tpu.memory_space<vmem>>
      %dma_wait3A_121 = tpu.memref_squeeze %dma_wait3A_120 : memref<1x128xi32, #tpu.memory_space<vmem>> -> memref<128xi32, #tpu.memory_space<vmem>>
      %dma_wait3A_122 = arith.constant 0 : i32
      %dma_wait3A_123 = arith.constant 0 : i32
      %dma_wait3A_124 = tpu.memref_slice %arg2[%dma_wait3A_122, %dma_wait3A_123] : memref<10000x128xf32, #tpu.memory_space<hbm>> -> memref<10000x128xf32, #tpu.memory_space<hbm>>
      tpu.wait_indirect_dma semaphore(%arg12 : memref<!tpu.dma_semaphore, #tpu.memory_space<semaphore_mem>>) src(%dma_wait3A_124 : memref<10000x128xf32, #tpu.memory_space<hbm>>) dst(%dma_wait3A_118 : memref<128x128xf32, #tpu.memory_space<vmem>>)
      %dma_wait3A_125 = arith.constant 0 : i32
      %dma_wait3A_126 = tpu.memref_slice %arg4[%add3A, %add3A_113, %dma_wait3A_125] : memref<32x80x128xi32, #tpu.memory_space<hbm>> -> memref<1x1x128xi32, #tpu.memory_space<hbm>>
      %dma_wait3A_127 = tpu.memref_squeeze %dma_wait3A_126 : memref<1x1x128xi32, #tpu.memory_space<hbm>> -> memref<128xi32, #tpu.memory_space<hbm>>
      %dma_wait3A_128 = arith.constant 0 : i32
      %dma_wait3A_129 = tpu.memref_slice %arg4[%add3A, %add3A_113, %dma_wait3A_128] : memref<32x80x128xi32, #tpu.memory_space<hbm>> -> memref<1x1x128xi32, #tpu.memory_space<hbm>>
      %dma_wait3A_130 = tpu.memref_squeeze %dma_wait3A_129 : memref<1x1x128xi32, #tpu.memory_space<hbm>> -> memref<128xi32, #tpu.memory_space<hbm>>
      tpu.wait_dma2 semaphore(%arg16 : memref<!tpu.dma_semaphore, #tpu.memory_space<semaphore_mem>>) src(%dma_wait3A_130 : memref<128xi32, #tpu.memory_space<hbm>>) dst(%arg10 : memref<128xi32, #tpu.memory_space<vmem>>)
      %dma_start3A_131 = arith.constant 1 : i32
      %dma_start3A_132 = arith.constant 0 : i32
      %dma_start3A_133 = arith.constant 0 : i32
      %dma_start3A_134 = tpu.memref_slice %arg7[%dma_start3A_131, %dma_start3A_132, %dma_start3A_133] : memref<2x128x128xf32, #tpu.memory_space<vmem>> -> memref<1x128x128xf32, #tpu.memory_space<vmem>>
      %dma_start3A_135 = tpu.memref_squeeze %dma_start3A_134 : memref<1x128x128xf32, #tpu.memory_space<vmem>> -> memref<128x128xf32, #tpu.memory_space<vmem>>
      %dma_start3A_136 = arith.constant 0 : i32
      %dma_start3A_137 = arith.constant 0 : i32
      %dma_start3A_138 = tpu.memref_slice %arg8[%dma_start3A_136, %dma_start3A_137] : memref<10240x128xf32, #tpu.memory_space<vmem_shared>> -> memref<10240x128xf32, #tpu.memory_space<vmem_shared>>
      tpu.enqueue_indirect_dma source(%dma_start3A_135 : memref<128x128xf32, #tpu.memory_space<vmem>>) target(%dma_start3A_138 : memref<10240x128xf32, #tpu.memory_space<vmem_shared>>) offsets(%arg10 : memref<128xi32, #tpu.memory_space<vmem>>) semaphore(%arg14 : memref<!tpu.dma_semaphore, #tpu.memory_space<semaphore_mem>>) {add = true}
      %add3A_139 = arith.constant 2 : i32
      %add3A_140 = arith.addi %add3A_113, %add3A_139 : i32
      %sub3A_141 = arith.constant 1 : i32
      %sub3A_142 = arith.subi %add3A_140, %sub3A_141 : i32
      %ge3A_143 = arith.constant 2 : i32
      %ge3A_144 = arith.cmpi sge, %sub3A_142, %ge3A_143 : i32
      %lt3A_145 = arith.constant 80 : i32
      %lt3A_146 = arith.cmpi slt, %sub3A_142, %lt3A_145 : i32
      %and3A_147 = arith.andi %ge3A_144, %lt3A_146 : i1
      %convert_element_type3A_148 = arith.extui %and3A_147 : i1 to i32
      %cond3A_149 = arith.constant 0 : i32
      %cond3A_150 = arith.cmpi ne, %convert_element_type3A_148, %cond3A_149 : i32
      scf.if %cond3A_150 {
        %dma_wait3A_151 = arith.constant 0 : i32
        %dma_wait3A_152 = arith.constant 0 : i32
        %dma_wait3A_153 = arith.constant 0 : i32
        %dma_wait3A_154 = tpu.memref_slice %arg7[%dma_wait3A_151, %dma_wait3A_152, %dma_wait3A_153] : memref<2x128x128xf32, #tpu.memory_space<vmem>> -> memref<1x128x128xf32, #tpu.memory_space<vmem>>
        %dma_wait3A_155 = tpu.memref_squeeze %dma_wait3A_154 : memref<1x128x128xf32, #tpu.memory_space<vmem>> -> memref<128x128xf32, #tpu.memory_space<vmem>>
        %dma_wait3A_156 = arith.constant 0 : i32
        %dma_wait3A_157 = arith.constant 0 : i32
        %dma_wait3A_158 = tpu.memref_slice %arg8[%dma_wait3A_156, %dma_wait3A_157] : memref<10240x128xf32, #tpu.memory_space<vmem_shared>> -> memref<10240x128xf32, #tpu.memory_space<vmem_shared>>
        tpu.wait_indirect_dma semaphore(%arg13 : memref<!tpu.dma_semaphore, #tpu.memory_space<semaphore_mem>>) src(%dma_wait3A_155 : memref<128x128xf32, #tpu.memory_space<vmem>>) dst(%dma_wait3A_158 : memref<10240x128xf32, #tpu.memory_space<vmem_shared>>)
        %dma_start3A_159 = arith.constant 0 : i32
        %dma_start3A_160 = arith.constant 0 : i32
        %dma_start3A_161 = arith.constant 0 : i32
        %dma_start3A_162 = tpu.memref_slice %arg7[%dma_start3A_159, %dma_start3A_160, %dma_start3A_161] : memref<2x128x128xf32, #tpu.memory_space<vmem>> -> memref<1x128x128xf32, #tpu.memory_space<vmem>>
        %dma_start3A_163 = tpu.memref_squeeze %dma_start3A_162 : memref<1x128x128xf32, #tpu.memory_space<vmem>> -> memref<128x128xf32, #tpu.memory_space<vmem>>
        %dma_start3A_164 = arith.constant 0 : i32
        %dma_start3A_165 = tpu.memref_slice %arg6[%sub3A_142, %dma_start3A_164] : memref<80x128xi32, #tpu.memory_space<vmem>> -> memref<1x128xi32, #tpu.memory_space<vmem>>
        %dma_start3A_166 = tpu.memref_squeeze %dma_start3A_165 : memref<1x128xi32, #tpu.memory_space<vmem>> -> memref<128xi32, #tpu.memory_space<vmem>>
        %dma_start3A_167 = arith.constant 0 : i32
        %dma_start3A_168 = arith.constant 0 : i32
        %dma_start3A_169 = tpu.memref_slice %arg2[%dma_start3A_167, %dma_start3A_168] : memref<10000x128xf32, #tpu.memory_space<hbm>> -> memref<10000x128xf32, #tpu.memory_space<hbm>>
        tpu.enqueue_indirect_dma source(%dma_start3A_169 : memref<10000x128xf32, #tpu.memory_space<hbm>>) target(%dma_start3A_163 : memref<128x128xf32, #tpu.memory_space<vmem>>) offsets(%dma_start3A_166 : memref<128xi32, #tpu.memory_space<vmem>>) semaphore(%arg11 : memref<!tpu.dma_semaphore, #tpu.memory_space<semaphore_mem>>)
        %dma_start3A_170 = arith.constant 0 : i32
        %dma_start3A_171 = tpu.memref_slice %arg4[%add3A, %sub3A_142, %dma_start3A_170] : memref<32x80x128xi32, #tpu.memory_space<hbm>> -> memref<1x1x128xi32, #tpu.memory_space<hbm>>
        %dma_start3A_172 = tpu.memref_squeeze %dma_start3A_171 : memref<1x1x128xi32, #tpu.memory_space<hbm>> -> memref<128xi32, #tpu.memory_space<hbm>>
        %dma_start3A_173 = arith.constant 0 : i32
        %dma_start3A_174 = tpu.memref_slice %arg4[%add3A, %sub3A_142, %dma_start3A_173] : memref<32x80x128xi32, #tpu.memory_space<hbm>> -> memref<1x1x128xi32, #tpu.memory_space<hbm>>
        %dma_start3A_175 = tpu.memref_squeeze %dma_start3A_174 : memref<1x1x128xi32, #tpu.memory_space<hbm>> -> memref<128xi32, #tpu.memory_space<hbm>>
        tpu.enqueue_dma source(%dma_start3A_175 : memref<128xi32, #tpu.memory_space<hbm>>) target(%arg9 : memref<128xi32, #tpu.memory_space<vmem>>) target_semaphore(%arg15 : memref<!tpu.dma_semaphore, #tpu.memory_space<semaphore_mem>>)
      } else {
      }
    }
    %scan3A_52 = arith.constant 40 : i32
    %dma_wait3A = arith.constant 0 : i32
    %dma_wait3A_53 = arith.constant 0 : i32
    %dma_wait3A_54 = arith.constant 0 : i32
    %dma_wait3A_55 = tpu.memref_slice %arg7[%dma_wait3A, %dma_wait3A_53, %dma_wait3A_54] : memref<2x128x128xf32, #tpu.memory_space<vmem>> -> memref<1x128x128xf32, #tpu.memory_space<vmem>>
    %dma_wait3A_56 = tpu.memref_squeeze %dma_wait3A_55 : memref<1x128x128xf32, #tpu.memory_space<vmem>> -> memref<128x128xf32, #tpu.memory_space<vmem>>
    %dma_wait3A_57 = arith.constant 0 : i32
    %dma_wait3A_58 = arith.constant 0 : i32
    %dma_wait3A_59 = tpu.memref_slice %arg8[%dma_wait3A_57, %dma_wait3A_58] : memref<10240x128xf32, #tpu.memory_space<vmem_shared>> -> memref<10240x128xf32, #tpu.memory_space<vmem_shared>>
    tpu.wait_indirect_dma semaphore(%arg13 : memref<!tpu.dma_semaphore, #tpu.memory_space<semaphore_mem>>) src(%dma_wait3A_56 : memref<128x128xf32, #tpu.memory_space<vmem>>) dst(%dma_wait3A_59 : memref<10240x128xf32, #tpu.memory_space<vmem_shared>>)
    %dma_wait3A_60 = arith.constant 1 : i32
    %dma_wait3A_61 = arith.constant 0 : i32
    %dma_wait3A_62 = arith.constant 0 : i32
    %dma_wait3A_63 = tpu.memref_slice %arg7[%dma_wait3A_60, %dma_wait3A_61, %dma_wait3A_62] : memref<2x128x128xf32, #tpu.memory_space<vmem>> -> memref<1x128x128xf32, #tpu.memory_space<vmem>>
    %dma_wait3A_64 = tpu.memref_squeeze %dma_wait3A_63 : memref<1x128x128xf32, #tpu.memory_space<vmem>> -> memref<128x128xf32, #tpu.memory_space<vmem>>
    %dma_wait3A_65 = arith.constant 0 : i32
    %dma_wait3A_66 = arith.constant 0 : i32
    %dma_wait3A_67 = tpu.memref_slice %arg8[%dma_wait3A_65, %dma_wait3A_66] : memref<10240x128xf32, #tpu.memory_space<vmem_shared>> -> memref<10240x128xf32, #tpu.memory_space<vmem_shared>>
    tpu.wait_indirect_dma semaphore(%arg14 : memref<!tpu.dma_semaphore, #tpu.memory_space<semaphore_mem>>) src(%dma_wait3A_64 : memref<128x128xf32, #tpu.memory_space<vmem>>) dst(%dma_wait3A_67 : memref<10240x128xf32, #tpu.memory_space<vmem_shared>>)
    %barrier3A_68 = arith.constant 0 : index
    tpu.barrier barrier_id(%barrier3A_68)
    %scan3A_69 = arith.constant 0 : i32
    %scan3A_70 = arith.constant 5 : i32
    %scan3A_71 = arith.addi %scan3A_69, %scan3A_70 : i32
    %scan3A_72 = arith.constant 1 : i32
    scf.for %scan3A_74 = %scan3A_69 to %scan3A_71 step %scan3A_72  : i32 {
      %mul3A_75 = arith.constant 640 : i32
      %mul3A_76 = arith.muli %arg1, %mul3A_75 : i32
      %mul3A_77 = arith.constant 128 : i32
      %mul3A_78 = arith.muli %scan3A_74, %mul3A_77 : i32
      %add3A_79 = arith.addi %mul3A_76, %mul3A_78 : i32
      %run_scoped3A = arith.constant 0 : i32
      "tpu.region"() ({
        %run_scoped3A_81 = tpu.sem_alloc : memref<!tpu.dma_semaphore, #tpu.memory_space<semaphore_mem>>
        %dma_start3A_82 = arith.constant 0 : i32
        %dma_start3A_83 = arith.constant 0 : i32
        %dma_start3A_84 = tpu.memref_slice %arg7[%run_scoped3A, %dma_start3A_82, %dma_start3A_83] : memref<2x128x128xf32, #tpu.memory_space<vmem>> -> memref<1x128x128xf32, #tpu.memory_space<vmem>>
        %dma_start3A_85 = tpu.memref_squeeze %dma_start3A_84 : memref<1x128x128xf32, #tpu.memory_space<vmem>> -> memref<128x128xf32, #tpu.memory_space<vmem>>
        %dma_start3A_86 = arith.constant 0 : i32
        %dma_start3A_87 = tpu.memref_slice %arg8[%add3A_79, %dma_start3A_86] : memref<10240x128xf32, #tpu.memory_space<vmem_shared>> -> memref<128x128xf32, #tpu.memory_space<vmem_shared>>
        %dma_start3A_88 = arith.constant 0 : i32
        %dma_start3A_89 = arith.constant 0 : i32
        %dma_start3A_90 = tpu.memref_slice %arg7[%run_scoped3A, %dma_start3A_88, %dma_start3A_89] : memref<2x128x128xf32, #tpu.memory_space<vmem>> -> memref<1x128x128xf32, #tpu.memory_space<vmem>>
        %dma_start3A_91 = tpu.memref_squeeze %dma_start3A_90 : memref<1x128x128xf32, #tpu.memory_space<vmem>> -> memref<128x128xf32, #tpu.memory_space<vmem>>
        %dma_start3A_92 = arith.constant 0 : i32
        %dma_start3A_93 = tpu.memref_slice %arg8[%add3A_79, %dma_start3A_92] : memref<10240x128xf32, #tpu.memory_space<vmem_shared>> -> memref<128x128xf32, #tpu.memory_space<vmem_shared>>
        tpu.enqueue_dma source(%dma_start3A_93 : memref<128x128xf32, #tpu.memory_space<vmem_shared>>) target(%dma_start3A_91 : memref<128x128xf32, #tpu.memory_space<vmem>>) target_semaphore(%run_scoped3A_81 : memref<!tpu.dma_semaphore, #tpu.memory_space<semaphore_mem>>)
        %dma_wait3A_94 = arith.constant 0 : i32
        %dma_wait3A_95 = arith.constant 0 : i32
        %dma_wait3A_96 = tpu.memref_slice %arg7[%run_scoped3A, %dma_wait3A_94, %dma_wait3A_95] : memref<2x128x128xf32, #tpu.memory_space<vmem>> -> memref<1x128x128xf32, #tpu.memory_space<vmem>>
        %dma_wait3A_97 = tpu.memref_squeeze %dma_wait3A_96 : memref<1x128x128xf32, #tpu.memory_space<vmem>> -> memref<128x128xf32, #tpu.memory_space<vmem>>
        %dma_wait3A_98 = arith.constant 0 : i32
        %dma_wait3A_99 = tpu.memref_slice %arg8[%add3A_79, %dma_wait3A_98] : memref<10240x128xf32, #tpu.memory_space<vmem_shared>> -> memref<128x128xf32, #tpu.memory_space<vmem_shared>>
        %dma_wait3A_100 = arith.constant 0 : i32
        %dma_wait3A_101 = arith.constant 0 : i32
        %dma_wait3A_102 = tpu.memref_slice %arg7[%run_scoped3A, %dma_wait3A_100, %dma_wait3A_101] : memref<2x128x128xf32, #tpu.memory_space<vmem>> -> memref<1x128x128xf32, #tpu.memory_space<vmem>>
        %dma_wait3A_103 = tpu.memref_squeeze %dma_wait3A_102 : memref<1x128x128xf32, #tpu.memory_space<vmem>> -> memref<128x128xf32, #tpu.memory_space<vmem>>
        %dma_wait3A_104 = arith.constant 0 : i32
        %dma_wait3A_105 = tpu.memref_slice %arg8[%add3A_79, %dma_wait3A_104] : memref<10240x128xf32, #tpu.memory_space<vmem_shared>> -> memref<128x128xf32, #tpu.memory_space<vmem_shared>>
        tpu.wait_dma2 semaphore(%run_scoped3A_81 : memref<!tpu.dma_semaphore, #tpu.memory_space<semaphore_mem>>) src(%dma_wait3A_105 : memref<128x128xf32, #tpu.memory_space<vmem_shared>>) dst(%dma_wait3A_103 : memref<128x128xf32, #tpu.memory_space<vmem>>)
        tpu.yield
      }) : () -> ()
      %run_scoped3A_80 = arith.constant 0 : i32
      "tpu.region"() ({
        %run_scoped3A_81 = tpu.sem_alloc : memref<!tpu.dma_semaphore, #tpu.memory_space<semaphore_mem>>
        %dma_start3A_82 = arith.constant 0 : i32
        %dma_start3A_83 = arith.constant 0 : i32
        %dma_start3A_84 = tpu.memref_slice %arg7[%run_scoped3A_80, %dma_start3A_82, %dma_start3A_83] : memref<2x128x128xf32, #tpu.memory_space<vmem>> -> memref<1x128x128xf32, #tpu.memory_space<vmem>>
        %dma_start3A_85 = tpu.memref_squeeze %dma_start3A_84 : memref<1x128x128xf32, #tpu.memory_space<vmem>> -> memref<128x128xf32, #tpu.memory_space<vmem>>
        %dma_start3A_86 = arith.constant 0 : i32
        %dma_start3A_87 = tpu.memref_slice %arg5[%arg0, %add3A_79, %dma_start3A_86] : memref<2x10240x128xf32, #tpu.memory_space<hbm>> -> memref<1x128x128xf32, #tpu.memory_space<hbm>>
        %dma_start3A_88 = tpu.memref_squeeze %dma_start3A_87 : memref<1x128x128xf32, #tpu.memory_space<hbm>> -> memref<128x128xf32, #tpu.memory_space<hbm>>
        %dma_start3A_89 = arith.constant 0 : i32
        %dma_start3A_90 = tpu.memref_slice %arg5[%arg0, %add3A_79, %dma_start3A_89] : memref<2x10240x128xf32, #tpu.memory_space<hbm>> -> memref<1x128x128xf32, #tpu.memory_space<hbm>>
        %dma_start3A_91 = tpu.memref_squeeze %dma_start3A_90 : memref<1x128x128xf32, #tpu.memory_space<hbm>> -> memref<128x128xf32, #tpu.memory_space<hbm>>
        %dma_start3A_92 = arith.constant 0 : i32
        %dma_start3A_93 = arith.constant 0 : i32
        %dma_start3A_94 = tpu.memref_slice %arg7[%run_scoped3A_80, %dma_start3A_92, %dma_start3A_93] : memref<2x128x128xf32, #tpu.memory_space<vmem>> -> memref<1x128x128xf32, #tpu.memory_space<vmem>>
        %dma_start3A_95 = tpu.memref_squeeze %dma_start3A_94 : memref<1x128x128xf32, #tpu.memory_space<vmem>> -> memref<128x128xf32, #tpu.memory_space<vmem>>
        tpu.enqueue_dma source(%dma_start3A_95 : memref<128x128xf32, #tpu.memory_space<vmem>>) target(%dma_start3A_91 : memref<128x128xf32, #tpu.memory_space<hbm>>) target_semaphore(%run_scoped3A_81 : memref<!tpu.dma_semaphore, #tpu.memory_space<semaphore_mem>>)
        %dma_wait3A_96 = arith.constant 0 : i32
        %dma_wait3A_97 = arith.constant 0 : i32
        %dma_wait3A_98 = tpu.memref_slice %arg7[%run_scoped3A_80, %dma_wait3A_96, %dma_wait3A_97] : memref<2x128x128xf32, #tpu.memory_space<vmem>> -> memref<1x128x128xf32, #tpu.memory_space<vmem>>
        %dma_wait3A_99 = tpu.memref_squeeze %dma_wait3A_98 : memref<1x128x128xf32, #tpu.memory_space<vmem>> -> memref<128x128xf32, #tpu.memory_space<vmem>>
        %dma_wait3A_100 = arith.constant 0 : i32
        %dma_wait3A_101 = tpu.memref_slice %arg5[%arg0, %add3A_79, %dma_wait3A_100] : memref<2x10240x128xf32, #tpu.memory_space<hbm>> -> memref<1x128x128xf32, #tpu.memory_space<hbm>>
        %dma_wait3A_102 = tpu.memref_squeeze %dma_wait3A_101 : memref<1x128x128xf32, #tpu.memory_space<hbm>> -> memref<128x128xf32, #tpu.memory_space<hbm>>
        %dma_wait3A_103 = arith.constant 0 : i32
        %dma_wait3A_104 = tpu.memref_slice %arg5[%arg0, %add3A_79, %dma_wait3A_103] : memref<2x10240x128xf32, #tpu.memory_space<hbm>> -> memref<1x128x128xf32, #tpu.memory_space<hbm>>
        %dma_wait3A_105 = tpu.memref_squeeze %dma_wait3A_104 : memref<1x128x128xf32, #tpu.memory_space<hbm>> -> memref<128x128xf32, #tpu.memory_space<hbm>>
        %dma_wait3A_106 = arith.constant 0 : i32
        %dma_wait3A_107 = arith.constant 0 : i32
        %dma_wait3A_108 = tpu.memref_slice %arg7[%run_scoped3A_80, %dma_wait3A_106, %dma_wait3A_107] : memref<2x128x128xf32, #tpu.memory_space<vmem>> -> memref<1x128x128xf32, #tpu.memory_space<vmem>>
        %dma_wait3A_109 = tpu.memref_squeeze %dma_wait3A_108 : memref<1x128x128xf32, #tpu.memory_space<vmem>> -> memref<128x128xf32, #tpu.memory_space<vmem>>
        tpu.wait_dma2 semaphore(%run_scoped3A_81 : memref<!tpu.dma_semaphore, #tpu.memory_space<semaphore_mem>>) src(%dma_wait3A_109 : memref<128x128xf32, #tpu.memory_space<vmem>>) dst(%dma_wait3A_105 : memref<128x128xf32, #tpu.memory_space<hbm>>)
        tpu.yield
      }) : () -> ()
    }
    %scan3A_73 = arith.constant 5 : i32
    return
  }
}

#map = affine_map<(d0, d1) -> (0, 0)>
#map1 = affine_map<(d0, d1) -> (0, 0, 0)>
module attributes {stable_mosaic.version = 14 : i64} {
  func.func @_deg_kernel(%arg0: i32, %arg1: i32, %arg2: memref<32x10240xi32, #tpu.memory_space<hbm>>, %arg3: memref<32x10240xi32, #tpu.memory_space<hbm>>, %arg4: memref<2x2x10240xf32, #tpu.memory_space<hbm>>, %arg5: memref<10240xi32, #tpu.memory_space<vmem>>, %arg6: memref<10240xi32, #tpu.memory_space<vmem>>, %arg7: memref<10240xf32, #tpu.memory_space<vmem>>, %arg8: memref<10240xf32, #tpu.memory_space<vmem>>, %arg9: memref<640xf32, #tpu.memory_space<vmem>>, %arg10: memref<640xf32, #tpu.memory_space<vmem>>, %arg11: memref<16x2x10240xf32, #tpu.memory_space<vmem_shared>>) attributes {dimension_semantics = [#tpu.dimension_semantics<core_parallel>, #tpu.dimension_semantics<subcore_parallel>], iteration_bounds = array<i64: 2, 16>, scalar_prefetch = 0 : i64, scratch_operands = 7 : i64, tpu.core_type = #tpu.core_type<sc_vector_subcore>, window_params = [{transform_indices = #map}, {transform_indices = #map}, {transform_indices = #map1}]} {
    %mul3A = arith.constant 16 : i32
    %mul3A_0 = arith.muli %arg0, %mul3A : i32
    %add3A = arith.addi %mul3A_0, %arg1 : i32
    "tpu.region"() ({
      %run_scoped3A_40 = tpu.sem_alloc : memref<!tpu.dma_semaphore, #tpu.memory_space<semaphore_mem>>
      %dma_start3A = arith.constant 0 : i32
      %dma_start3A_41 = tpu.memref_slice %arg2[%add3A, %dma_start3A] : memref<32x10240xi32, #tpu.memory_space<hbm>> -> memref<1x10240xi32, #tpu.memory_space<hbm>>
      %dma_start3A_42 = tpu.memref_squeeze %dma_start3A_41 : memref<1x10240xi32, #tpu.memory_space<hbm>> -> memref<10240xi32, #tpu.memory_space<hbm>>
      %dma_start3A_43 = arith.constant 0 : i32
      %dma_start3A_44 = tpu.memref_slice %arg2[%add3A, %dma_start3A_43] : memref<32x10240xi32, #tpu.memory_space<hbm>> -> memref<1x10240xi32, #tpu.memory_space<hbm>>
      %dma_start3A_45 = tpu.memref_squeeze %dma_start3A_44 : memref<1x10240xi32, #tpu.memory_space<hbm>> -> memref<10240xi32, #tpu.memory_space<hbm>>
      tpu.enqueue_dma source(%dma_start3A_45 : memref<10240xi32, #tpu.memory_space<hbm>>) target(%arg5 : memref<10240xi32, #tpu.memory_space<vmem>>) target_semaphore(%run_scoped3A_40 : memref<!tpu.dma_semaphore, #tpu.memory_space<semaphore_mem>>)
      %dma_wait3A = arith.constant 0 : i32
      %dma_wait3A_46 = tpu.memref_slice %arg2[%add3A, %dma_wait3A] : memref<32x10240xi32, #tpu.memory_space<hbm>> -> memref<1x10240xi32, #tpu.memory_space<hbm>>
      %dma_wait3A_47 = tpu.memref_squeeze %dma_wait3A_46 : memref<1x10240xi32, #tpu.memory_space<hbm>> -> memref<10240xi32, #tpu.memory_space<hbm>>
      %dma_wait3A_48 = arith.constant 0 : i32
      %dma_wait3A_49 = tpu.memref_slice %arg2[%add3A, %dma_wait3A_48] : memref<32x10240xi32, #tpu.memory_space<hbm>> -> memref<1x10240xi32, #tpu.memory_space<hbm>>
      %dma_wait3A_50 = tpu.memref_squeeze %dma_wait3A_49 : memref<1x10240xi32, #tpu.memory_space<hbm>> -> memref<10240xi32, #tpu.memory_space<hbm>>
      tpu.wait_dma2 semaphore(%run_scoped3A_40 : memref<!tpu.dma_semaphore, #tpu.memory_space<semaphore_mem>>) src(%dma_wait3A_50 : memref<10240xi32, #tpu.memory_space<hbm>>) dst(%arg5 : memref<10240xi32, #tpu.memory_space<vmem>>)
      tpu.yield
    }) : () -> ()
    "tpu.region"() ({
      %run_scoped3A_40 = tpu.sem_alloc : memref<!tpu.dma_semaphore, #tpu.memory_space<semaphore_mem>>
      %dma_start3A = arith.constant 0 : i32
      %dma_start3A_41 = tpu.memref_slice %arg3[%add3A, %dma_start3A] : memref<32x10240xi32, #tpu.memory_space<hbm>> -> memref<1x10240xi32, #tpu.memory_space<hbm>>
      %dma_start3A_42 = tpu.memref_squeeze %dma_start3A_41 : memref<1x10240xi32, #tpu.memory_space<hbm>> -> memref<10240xi32, #tpu.memory_space<hbm>>
      %dma_start3A_43 = arith.constant 0 : i32
      %dma_start3A_44 = tpu.memref_slice %arg3[%add3A, %dma_start3A_43] : memref<32x10240xi32, #tpu.memory_space<hbm>> -> memref<1x10240xi32, #tpu.memory_space<hbm>>
      %dma_start3A_45 = tpu.memref_squeeze %dma_start3A_44 : memref<1x10240xi32, #tpu.memory_space<hbm>> -> memref<10240xi32, #tpu.memory_space<hbm>>
      tpu.enqueue_dma source(%dma_start3A_45 : memref<10240xi32, #tpu.memory_space<hbm>>) target(%arg6 : memref<10240xi32, #tpu.memory_space<vmem>>) target_semaphore(%run_scoped3A_40 : memref<!tpu.dma_semaphore, #tpu.memory_space<semaphore_mem>>)
      %dma_wait3A = arith.constant 0 : i32
      %dma_wait3A_46 = tpu.memref_slice %arg3[%add3A, %dma_wait3A] : memref<32x10240xi32, #tpu.memory_space<hbm>> -> memref<1x10240xi32, #tpu.memory_space<hbm>>
      %dma_wait3A_47 = tpu.memref_squeeze %dma_wait3A_46 : memref<1x10240xi32, #tpu.memory_space<hbm>> -> memref<10240xi32, #tpu.memory_space<hbm>>
      %dma_wait3A_48 = arith.constant 0 : i32
      %dma_wait3A_49 = tpu.memref_slice %arg3[%add3A, %dma_wait3A_48] : memref<32x10240xi32, #tpu.memory_space<hbm>> -> memref<1x10240xi32, #tpu.memory_space<hbm>>
      %dma_wait3A_50 = tpu.memref_squeeze %dma_wait3A_49 : memref<1x10240xi32, #tpu.memory_space<hbm>> -> memref<10240xi32, #tpu.memory_space<hbm>>
      tpu.wait_dma2 semaphore(%run_scoped3A_40 : memref<!tpu.dma_semaphore, #tpu.memory_space<semaphore_mem>>) src(%dma_wait3A_50 : memref<10240xi32, #tpu.memory_space<hbm>>) dst(%arg6 : memref<10240xi32, #tpu.memory_space<vmem>>)
      tpu.yield
    }) : () -> ()
    %broadcast_in_dim3A = arith.constant 0.000000e+00 : f32
    %broadcast_in_dim3A_1 = vector.broadcast %broadcast_in_dim3A : f32 to vector<16xf32>
    %scan3A = arith.constant 0 : i32
    %scan3A_2 = arith.constant 640 : i32
    %scan3A_3 = arith.addi %scan3A, %scan3A_2 : i32
    %scan3A_4 = arith.constant 1 : i32
    scf.for %scan3A_40 = %scan3A to %scan3A_3 step %scan3A_4  : i32 {
      %mul3A_41 = arith.constant 16 : i32
      %mul3A_42 = arith.muli %scan3A_40, %mul3A_41 : i32
      %swap3A = arith.index_cast %mul3A_42 : i32 to index
      %swap3A_43 = tpu.vector_load %arg7[%swap3A] {strides = array<i32>} : memref<10240xf32, #tpu.memory_space<vmem>>, vector<16xf32>,
      tpu.vector_store %arg7[%swap3A], %broadcast_in_dim3A_1 {strides = array<i32>} : memref<10240xf32, #tpu.memory_space<vmem>>, vector<16xf32>,
      %mul3A_44 = arith.constant 16 : i32
      %mul3A_45 = arith.muli %scan3A_40, %mul3A_44 : i32
      %swap3A_46 = arith.index_cast %mul3A_45 : i32 to index
      %swap3A_47 = tpu.vector_load %arg8[%swap3A_46] {strides = array<i32>} : memref<10240xf32, #tpu.memory_space<vmem>>, vector<16xf32>,
      tpu.vector_store %arg8[%swap3A_46], %broadcast_in_dim3A_1 {strides = array<i32>} : memref<10240xf32, #tpu.memory_space<vmem>>, vector<16xf32>,
    }
    %scan3A_5 = arith.constant 640 : i32
    %broadcast_in_dim3A_6 = arith.constant 1.000000e+00 : f32
    %broadcast_in_dim3A_7 = vector.broadcast %broadcast_in_dim3A_6 : f32 to vector<16xf32>
    %scan3A_8 = arith.constant 0 : i32
    %scan3A_9 = arith.constant 640 : i32
    %scan3A_10 = arith.addi %scan3A_8, %scan3A_9 : i32
    %scan3A_11 = arith.constant 1 : i32
    scf.for %scan3A_40 = %scan3A_8 to %scan3A_10 step %scan3A_11  : i32 {
      %mul3A_41 = arith.constant 16 : i32
      %mul3A_42 = arith.muli %scan3A_40, %mul3A_41 : i32
      %get3A = arith.index_cast %mul3A_42 : i32 to index
      %get3A_43 = tpu.vector_load %arg5[%get3A] {strides = array<i32>} : memref<10240xi32, #tpu.memory_space<vmem>>, vector<16xi32>,
      tpu.vector_store_idx %arg7[%get3A_43], %broadcast_in_dim3A_7 {add = true} : memref<10240xf32, #tpu.memory_space<vmem>>[vector<16xi32>], vector<16xf32>,
      %mul3A_44 = arith.constant 16 : i32
      %mul3A_45 = arith.muli %scan3A_40, %mul3A_44 : i32
      %get3A_46 = arith.index_cast %mul3A_45 : i32 to index
      %get3A_47 = tpu.vector_load %arg6[%get3A_46] {strides = array<i32>} : memref<10240xi32, #tpu.memory_space<vmem>>, vector<16xi32>,
      tpu.vector_store_idx %arg8[%get3A_47], %broadcast_in_dim3A_7 {add = true} : memref<10240xf32, #tpu.memory_space<vmem>>[vector<16xi32>], vector<16xf32>,
    }
    %scan3A_12 = arith.constant 640 : i32
    %run_scoped3A = arith.constant 0 : i32
    "tpu.region"() ({
      %run_scoped3A_40 = tpu.sem_alloc : memref<!tpu.dma_semaphore, #tpu.memory_space<semaphore_mem>>
      %dma_start3A = arith.constant 0 : i32
      %dma_start3A_41 = tpu.memref_slice %arg11[%arg1, %run_scoped3A, %dma_start3A] : memref<16x2x10240xf32, #tpu.memory_space<vmem_shared>> -> memref<1x1x10240xf32, #tpu.memory_space<vmem_shared>>
      %dma_start3A_42 = tpu.memref_squeeze %dma_start3A_41 : memref<1x1x10240xf32, #tpu.memory_space<vmem_shared>> -> memref<10240xf32, #tpu.memory_space<vmem_shared>>
      %dma_start3A_43 = arith.constant 0 : i32
      %dma_start3A_44 = tpu.memref_slice %arg11[%arg1, %run_scoped3A, %dma_start3A_43] : memref<16x2x10240xf32, #tpu.memory_space<vmem_shared>> -> memref<1x1x10240xf32, #tpu.memory_space<vmem_shared>>
      %dma_start3A_45 = tpu.memref_squeeze %dma_start3A_44 : memref<1x1x10240xf32, #tpu.memory_space<vmem_shared>> -> memref<10240xf32, #tpu.memory_space<vmem_shared>>
      tpu.enqueue_dma source(%arg7 : memref<10240xf32, #tpu.memory_space<vmem>>) target(%dma_start3A_45 : memref<10240xf32, #tpu.memory_space<vmem_shared>>) target_semaphore(%run_scoped3A_40 : memref<!tpu.dma_semaphore, #tpu.memory_space<semaphore_mem>>)
      %dma_wait3A = arith.constant 0 : i32
      %dma_wait3A_46 = tpu.memref_slice %arg11[%arg1, %run_scoped3A, %dma_wait3A] : memref<16x2x10240xf32, #tpu.memory_space<vmem_shared>> -> memref<1x1x10240xf32, #tpu.memory_space<vmem_shared>>
      %dma_wait3A_47 = tpu.memref_squeeze %dma_wait3A_46 : memref<1x1x10240xf32, #tpu.memory_space<vmem_shared>> -> memref<10240xf32, #tpu.memory_space<vmem_shared>>
      %dma_wait3A_48 = arith.constant 0 : i32
      %dma_wait3A_49 = tpu.memref_slice %arg11[%arg1, %run_scoped3A, %dma_wait3A_48] : memref<16x2x10240xf32, #tpu.memory_space<vmem_shared>> -> memref<1x1x10240xf32, #tpu.memory_space<vmem_shared>>
      %dma_wait3A_50 = tpu.memref_squeeze %dma_wait3A_49 : memref<1x1x10240xf32, #tpu.memory_space<vmem_shared>> -> memref<10240xf32, #tpu.memory_space<vmem_shared>>
      tpu.wait_dma2 semaphore(%run_scoped3A_40 : memref<!tpu.dma_semaphore, #tpu.memory_space<semaphore_mem>>) src(%arg7 : memref<10240xf32, #tpu.memory_space<vmem>>) dst(%dma_wait3A_50 : memref<10240xf32, #tpu.memory_space<vmem_shared>>)
      tpu.yield
    }) : () -> ()
    %run_scoped3A_13 = arith.constant 1 : i32
    "tpu.region"() ({
      %run_scoped3A_40 = tpu.sem_alloc : memref<!tpu.dma_semaphore, #tpu.memory_space<semaphore_mem>>
      %dma_start3A = arith.constant 0 : i32
      %dma_start3A_41 = tpu.memref_slice %arg11[%arg1, %run_scoped3A_13, %dma_start3A] : memref<16x2x10240xf32, #tpu.memory_space<vmem_shared>> -> memref<1x1x10240xf32, #tpu.memory_space<vmem_shared>>
      %dma_start3A_42 = tpu.memref_squeeze %dma_start3A_41 : memref<1x1x10240xf32, #tpu.memory_space<vmem_shared>> -> memref<10240xf32, #tpu.memory_space<vmem_shared>>
      %dma_start3A_43 = arith.constant 0 : i32
      %dma_start3A_44 = tpu.memref_slice %arg11[%arg1, %run_scoped3A_13, %dma_start3A_43] : memref<16x2x10240xf32, #tpu.memory_space<vmem_shared>> -> memref<1x1x10240xf32, #tpu.memory_space<vmem_shared>>
      %dma_start3A_45 = tpu.memref_squeeze %dma_start3A_44 : memref<1x1x10240xf32, #tpu.memory_space<vmem_shared>> -> memref<10240xf32, #tpu.memory_space<vmem_shared>>
      tpu.enqueue_dma source(%arg8 : memref<10240xf32, #tpu.memory_space<vmem>>) target(%dma_start3A_45 : memref<10240xf32, #tpu.memory_space<vmem_shared>>) target_semaphore(%run_scoped3A_40 : memref<!tpu.dma_semaphore, #tpu.memory_space<semaphore_mem>>)
      %dma_wait3A = arith.constant 0 : i32
      %dma_wait3A_46 = tpu.memref_slice %arg11[%arg1, %run_scoped3A_13, %dma_wait3A] : memref<16x2x10240xf32, #tpu.memory_space<vmem_shared>> -> memref<1x1x10240xf32, #tpu.memory_space<vmem_shared>>
      %dma_wait3A_47 = tpu.memref_squeeze %dma_wait3A_46 : memref<1x1x10240xf32, #tpu.memory_space<vmem_shared>> -> memref<10240xf32, #tpu.memory_space<vmem_shared>>
      %dma_wait3A_48 = arith.constant 0 : i32
      %dma_wait3A_49 = tpu.memref_slice %arg11[%arg1, %run_scoped3A_13, %dma_wait3A_48] : memref<16x2x10240xf32, #tpu.memory_space<vmem_shared>> -> memref<1x1x10240xf32, #tpu.memory_space<vmem_shared>>
      %dma_wait3A_50 = tpu.memref_squeeze %dma_wait3A_49 : memref<1x1x10240xf32, #tpu.memory_space<vmem_shared>> -> memref<10240xf32, #tpu.memory_space<vmem_shared>>
      tpu.wait_dma2 semaphore(%run_scoped3A_40 : memref<!tpu.dma_semaphore, #tpu.memory_space<semaphore_mem>>) src(%arg8 : memref<10240xf32, #tpu.memory_space<vmem>>) dst(%dma_wait3A_50 : memref<10240xf32, #tpu.memory_space<vmem_shared>>)
      tpu.yield
    }) : () -> ()
    %barrier3A = arith.constant 0 : index
    tpu.barrier barrier_id(%barrier3A)
    %scan3A_14 = arith.constant 0 : i32
    %scan3A_15 = arith.constant 40 : i32
    %scan3A_16 = arith.addi %scan3A_14, %scan3A_15 : i32
    %scan3A_17 = arith.constant 1 : i32
    scf.for %scan3A_40 = %scan3A_14 to %scan3A_16 step %scan3A_17  : i32 {
      %mul3A_41 = arith.constant 16 : i32
      %mul3A_42 = arith.muli %scan3A_40, %mul3A_41 : i32
      %swap3A = arith.index_cast %mul3A_42 : i32 to index
      %swap3A_43 = tpu.vector_load %arg10[%swap3A] {strides = array<i32>} : memref<640xf32, #tpu.memory_space<vmem>>, vector<16xf32>,
      tpu.vector_store %arg10[%swap3A], %broadcast_in_dim3A_1 {strides = array<i32>} : memref<640xf32, #tpu.memory_space<vmem>>, vector<16xf32>,
    }
    %scan3A_18 = arith.constant 40 : i32
    %scan3A_19 = arith.constant 0 : i32
    %scan3A_20 = arith.constant 16 : i32
    %scan3A_21 = arith.addi %scan3A_19, %scan3A_20 : i32
    %scan3A_22 = arith.constant 1 : i32
    scf.for %scan3A_40 = %scan3A_19 to %scan3A_21 step %scan3A_22  : i32 {
      %mul3A_41 = arith.constant 640 : i32
      %mul3A_42 = arith.muli %arg1, %mul3A_41 : i32
      %run_scoped3A_43 = arith.constant 0 : i32
      "tpu.region"() ({
        %run_scoped3A_49 = tpu.sem_alloc : memref<!tpu.dma_semaphore, #tpu.memory_space<semaphore_mem>>
        %dma_start3A = tpu.memref_slice %arg11[%scan3A_40, %run_scoped3A_43, %mul3A_42] : memref<16x2x10240xf32, #tpu.memory_space<vmem_shared>> -> memref<1x1x640xf32, #tpu.memory_space<vmem_shared>>
        %dma_start3A_50 = tpu.memref_squeeze %dma_start3A : memref<1x1x640xf32, #tpu.memory_space<vmem_shared>> -> memref<640xf32, #tpu.memory_space<vmem_shared>>
        %dma_start3A_51 = tpu.memref_slice %arg11[%scan3A_40, %run_scoped3A_43, %mul3A_42] : memref<16x2x10240xf32, #tpu.memory_space<vmem_shared>> -> memref<1x1x640xf32, #tpu.memory_space<vmem_shared>>
        %dma_start3A_52 = tpu.memref_squeeze %dma_start3A_51 : memref<1x1x640xf32, #tpu.memory_space<vmem_shared>> -> memref<640xf32, #tpu.memory_space<vmem_shared>>
        tpu.enqueue_dma source(%dma_start3A_52 : memref<640xf32, #tpu.memory_space<vmem_shared>>) target(%arg9 : memref<640xf32, #tpu.memory_space<vmem>>) target_semaphore(%run_scoped3A_49 : memref<!tpu.dma_semaphore, #tpu.memory_space<semaphore_mem>>)
        %dma_wait3A = tpu.memref_slice %arg11[%scan3A_40, %run_scoped3A_43, %mul3A_42] : memref<16x2x10240xf32, #tpu.memory_space<vmem_shared>> -> memref<1x1x640xf32, #tpu.memory_space<vmem_shared>>
        %dma_wait3A_53 = tpu.memref_squeeze %dma_wait3A : memref<1x1x640xf32, #tpu.memory_space<vmem_shared>> -> memref<640xf32, #tpu.memory_space<vmem_shared>>
        %dma_wait3A_54 = tpu.memref_slice %arg11[%scan3A_40, %run_scoped3A_43, %mul3A_42] : memref<16x2x10240xf32, #tpu.memory_space<vmem_shared>> -> memref<1x1x640xf32, #tpu.memory_space<vmem_shared>>
        %dma_wait3A_55 = tpu.memref_squeeze %dma_wait3A_54 : memref<1x1x640xf32, #tpu.memory_space<vmem_shared>> -> memref<640xf32, #tpu.memory_space<vmem_shared>>
        tpu.wait_dma2 semaphore(%run_scoped3A_49 : memref<!tpu.dma_semaphore, #tpu.memory_space<semaphore_mem>>) src(%dma_wait3A_55 : memref<640xf32, #tpu.memory_space<vmem_shared>>) dst(%arg9 : memref<640xf32, #tpu.memory_space<vmem>>)
        tpu.yield
      }) : () -> ()
      %scan3A_44 = arith.constant 0 : i32
      %scan3A_45 = arith.constant 40 : i32
      %scan3A_46 = arith.addi %scan3A_44, %scan3A_45 : i32
      %scan3A_47 = arith.constant 1 : i32
      scf.for %scan3A_49 = %scan3A_44 to %scan3A_46 step %scan3A_47  : i32 {
        %mul3A_50 = arith.constant 16 : i32
        %mul3A_51 = arith.muli %scan3A_49, %mul3A_50 : i32
        %get3A = arith.index_cast %mul3A_51 : i32 to index
        %get3A_52 = tpu.vector_load %arg10[%get3A] {strides = array<i32>} : memref<640xf32, #tpu.memory_space<vmem>>, vector<16xf32>,
        %mul3A_53 = arith.constant 16 : i32
        %mul3A_54 = arith.muli %scan3A_49, %mul3A_53 : i32
        %get3A_55 = arith.index_cast %mul3A_54 : i32 to index
        %get3A_56 = tpu.vector_load %arg9[%get3A_55] {strides = array<i32>} : memref<640xf32, #tpu.memory_space<vmem>>, vector<16xf32>,
        %add3A_57 = arith.addf %get3A_52, %get3A_56 : vector<16xf32>
        %swap3A = arith.index_cast %mul3A_51 : i32 to index
        %swap3A_58 = tpu.vector_load %arg10[%swap3A] {strides = array<i32>} : memref<640xf32, #tpu.memory_space<vmem>>, vector<16xf32>,
        tpu.vector_store %arg10[%swap3A], %add3A_57 {strides = array<i32>} : memref<640xf32, #tpu.memory_space<vmem>>, vector<16xf32>,
      }
      %scan3A_48 = arith.constant 40 : i32
    }
    %scan3A_23 = arith.constant 16 : i32
    %mul3A_24 = arith.constant 640 : i32
    %mul3A_25 = arith.muli %arg1, %mul3A_24 : i32
    %run_scoped3A_26 = arith.constant 0 : i32
    "tpu.region"() ({
      %run_scoped3A_40 = tpu.sem_alloc : memref<!tpu.dma_semaphore, #tpu.memory_space<semaphore_mem>>
      %dma_start3A = tpu.memref_slice %arg4[%arg0, %run_scoped3A_26, %mul3A_25] : memref<2x2x10240xf32, #tpu.memory_space<hbm>> -> memref<1x1x640xf32, #tpu.memory_space<hbm>>
      %dma_start3A_41 = tpu.memref_squeeze %dma_start3A : memref<1x1x640xf32, #tpu.memory_space<hbm>> -> memref<640xf32, #tpu.memory_space<hbm>>
      %dma_start3A_42 = tpu.memref_slice %arg4[%arg0, %run_scoped3A_26, %mul3A_25] : memref<2x2x10240xf32, #tpu.memory_space<hbm>> -> memref<1x1x640xf32, #tpu.memory_space<hbm>>
      %dma_start3A_43 = tpu.memref_squeeze %dma_start3A_42 : memref<1x1x640xf32, #tpu.memory_space<hbm>> -> memref<640xf32, #tpu.memory_space<hbm>>
      tpu.enqueue_dma source(%arg10 : memref<640xf32, #tpu.memory_space<vmem>>) target(%dma_start3A_43 : memref<640xf32, #tpu.memory_space<hbm>>) target_semaphore(%run_scoped3A_40 : memref<!tpu.dma_semaphore, #tpu.memory_space<semaphore_mem>>)
      %dma_wait3A = tpu.memref_slice %arg4[%arg0, %run_scoped3A_26, %mul3A_25] : memref<2x2x10240xf32, #tpu.memory_space<hbm>> -> memref<1x1x640xf32, #tpu.memory_space<hbm>>
      %dma_wait3A_44 = tpu.memref_squeeze %dma_wait3A : memref<1x1x640xf32, #tpu.memory_space<hbm>> -> memref<640xf32, #tpu.memory_space<hbm>>
      %dma_wait3A_45 = tpu.memref_slice %arg4[%arg0, %run_scoped3A_26, %mul3A_25] : memref<2x2x10240xf32, #tpu.memory_space<hbm>> -> memref<1x1x640xf32, #tpu.memory_space<hbm>>
      %dma_wait3A_46 = tpu.memref_squeeze %dma_wait3A_45 : memref<1x1x640xf32, #tpu.memory_space<hbm>> -> memref<640xf32, #tpu.memory_space<hbm>>
      tpu.wait_dma2 semaphore(%run_scoped3A_40 : memref<!tpu.dma_semaphore, #tpu.memory_space<semaphore_mem>>) src(%arg10 : memref<640xf32, #tpu.memory_space<vmem>>) dst(%dma_wait3A_46 : memref<640xf32, #tpu.memory_space<hbm>>)
      tpu.yield
    }) : () -> ()
    %scan3A_27 = arith.constant 0 : i32
    %scan3A_28 = arith.constant 40 : i32
    %scan3A_29 = arith.addi %scan3A_27, %scan3A_28 : i32
    %scan3A_30 = arith.constant 1 : i32
    scf.for %scan3A_40 = %scan3A_27 to %scan3A_29 step %scan3A_30  : i32 {
      %mul3A_41 = arith.constant 16 : i32
      %mul3A_42 = arith.muli %scan3A_40, %mul3A_41 : i32
      %swap3A = arith.index_cast %mul3A_42 : i32 to index
      %swap3A_43 = tpu.vector_load %arg10[%swap3A] {strides = array<i32>} : memref<640xf32, #tpu.memory_space<vmem>>, vector<16xf32>,
      tpu.vector_store %arg10[%swap3A], %broadcast_in_dim3A_1 {strides = array<i32>} : memref<640xf32, #tpu.memory_space<vmem>>, vector<16xf32>,
    }
    %scan3A_31 = arith.constant 40 : i32
    %scan3A_32 = arith.constant 0 : i32
    %scan3A_33 = arith.constant 16 : i32
    %scan3A_34 = arith.addi %scan3A_32, %scan3A_33 : i32
    %scan3A_35 = arith.constant 1 : i32
    scf.for %scan3A_40 = %scan3A_32 to %scan3A_34 step %scan3A_35  : i32 {
      %mul3A_41 = arith.constant 640 : i32
      %mul3A_42 = arith.muli %arg1, %mul3A_41 : i32
      %run_scoped3A_43 = arith.constant 1 : i32
      "tpu.region"() ({
        %run_scoped3A_49 = tpu.sem_alloc : memref<!tpu.dma_semaphore, #tpu.memory_space<semaphore_mem>>
        %dma_start3A = tpu.memref_slice %arg11[%scan3A_40, %run_scoped3A_43, %mul3A_42] : memref<16x2x10240xf32, #tpu.memory_space<vmem_shared>> -> memref<1x1x640xf32, #tpu.memory_space<vmem_shared>>
        %dma_start3A_50 = tpu.memref_squeeze %dma_start3A : memref<1x1x640xf32, #tpu.memory_space<vmem_shared>> -> memref<640xf32, #tpu.memory_space<vmem_shared>>
        %dma_start3A_51 = tpu.memref_slice %arg11[%scan3A_40, %run_scoped3A_43, %mul3A_42] : memref<16x2x10240xf32, #tpu.memory_space<vmem_shared>> -> memref<1x1x640xf32, #tpu.memory_space<vmem_shared>>
        %dma_start3A_52 = tpu.memref_squeeze %dma_start3A_51 : memref<1x1x640xf32, #tpu.memory_space<vmem_shared>> -> memref<640xf32, #tpu.memory_space<vmem_shared>>
        tpu.enqueue_dma source(%dma_start3A_52 : memref<640xf32, #tpu.memory_space<vmem_shared>>) target(%arg9 : memref<640xf32, #tpu.memory_space<vmem>>) target_semaphore(%run_scoped3A_49 : memref<!tpu.dma_semaphore, #tpu.memory_space<semaphore_mem>>)
        %dma_wait3A = tpu.memref_slice %arg11[%scan3A_40, %run_scoped3A_43, %mul3A_42] : memref<16x2x10240xf32, #tpu.memory_space<vmem_shared>> -> memref<1x1x640xf32, #tpu.memory_space<vmem_shared>>
        %dma_wait3A_53 = tpu.memref_squeeze %dma_wait3A : memref<1x1x640xf32, #tpu.memory_space<vmem_shared>> -> memref<640xf32, #tpu.memory_space<vmem_shared>>
        %dma_wait3A_54 = tpu.memref_slice %arg11[%scan3A_40, %run_scoped3A_43, %mul3A_42] : memref<16x2x10240xf32, #tpu.memory_space<vmem_shared>> -> memref<1x1x640xf32, #tpu.memory_space<vmem_shared>>
        %dma_wait3A_55 = tpu.memref_squeeze %dma_wait3A_54 : memref<1x1x640xf32, #tpu.memory_space<vmem_shared>> -> memref<640xf32, #tpu.memory_space<vmem_shared>>
        tpu.wait_dma2 semaphore(%run_scoped3A_49 : memref<!tpu.dma_semaphore, #tpu.memory_space<semaphore_mem>>) src(%dma_wait3A_55 : memref<640xf32, #tpu.memory_space<vmem_shared>>) dst(%arg9 : memref<640xf32, #tpu.memory_space<vmem>>)
        tpu.yield
      }) : () -> ()
      %scan3A_44 = arith.constant 0 : i32
      %scan3A_45 = arith.constant 40 : i32
      %scan3A_46 = arith.addi %scan3A_44, %scan3A_45 : i32
      %scan3A_47 = arith.constant 1 : i32
      scf.for %scan3A_49 = %scan3A_44 to %scan3A_46 step %scan3A_47  : i32 {
        %mul3A_50 = arith.constant 16 : i32
        %mul3A_51 = arith.muli %scan3A_49, %mul3A_50 : i32
        %get3A = arith.index_cast %mul3A_51 : i32 to index
        %get3A_52 = tpu.vector_load %arg10[%get3A] {strides = array<i32>} : memref<640xf32, #tpu.memory_space<vmem>>, vector<16xf32>,
        %mul3A_53 = arith.constant 16 : i32
        %mul3A_54 = arith.muli %scan3A_49, %mul3A_53 : i32
        %get3A_55 = arith.index_cast %mul3A_54 : i32 to index
        %get3A_56 = tpu.vector_load %arg9[%get3A_55] {strides = array<i32>} : memref<640xf32, #tpu.memory_space<vmem>>, vector<16xf32>,
        %add3A_57 = arith.addf %get3A_52, %get3A_56 : vector<16xf32>
        %swap3A = arith.index_cast %mul3A_51 : i32 to index
        %swap3A_58 = tpu.vector_load %arg10[%swap3A] {strides = array<i32>} : memref<640xf32, #tpu.memory_space<vmem>>, vector<16xf32>,
        tpu.vector_store %arg10[%swap3A], %add3A_57 {strides = array<i32>} : memref<640xf32, #tpu.memory_space<vmem>>, vector<16xf32>,
      }
      %scan3A_48 = arith.constant 40 : i32
    }
    %scan3A_36 = arith.constant 16 : i32
    %mul3A_37 = arith.constant 640 : i32
    %mul3A_38 = arith.muli %arg1, %mul3A_37 : i32
    %run_scoped3A_39 = arith.constant 1 : i32
    "tpu.region"() ({
      %run_scoped3A_40 = tpu.sem_alloc : memref<!tpu.dma_semaphore, #tpu.memory_space<semaphore_mem>>
      %dma_start3A = tpu.memref_slice %arg4[%arg0, %run_scoped3A_39, %mul3A_38] : memref<2x2x10240xf32, #tpu.memory_space<hbm>> -> memref<1x1x640xf32, #tpu.memory_space<hbm>>
      %dma_start3A_41 = tpu.memref_squeeze %dma_start3A : memref<1x1x640xf32, #tpu.memory_space<hbm>> -> memref<640xf32, #tpu.memory_space<hbm>>
      %dma_start3A_42 = tpu.memref_slice %arg4[%arg0, %run_scoped3A_39, %mul3A_38] : memref<2x2x10240xf32, #tpu.memory_space<hbm>> -> memref<1x1x640xf32, #tpu.memory_space<hbm>>
      %dma_start3A_43 = tpu.memref_squeeze %dma_start3A_42 : memref<1x1x640xf32, #tpu.memory_space<hbm>> -> memref<640xf32, #tpu.memory_space<hbm>>
      tpu.enqueue_dma source(%arg10 : memref<640xf32, #tpu.memory_space<vmem>>) target(%dma_start3A_43 : memref<640xf32, #tpu.memory_space<hbm>>) target_semaphore(%run_scoped3A_40 : memref<!tpu.dma_semaphore, #tpu.memory_space<semaphore_mem>>)
      %dma_wait3A = tpu.memref_slice %arg4[%arg0, %run_scoped3A_39, %mul3A_38] : memref<2x2x10240xf32, #tpu.memory_space<hbm>> -> memref<1x1x640xf32, #tpu.memory_space<hbm>>
      %dma_wait3A_44 = tpu.memref_squeeze %dma_wait3A : memref<1x1x640xf32, #tpu.memory_space<hbm>> -> memref<640xf32, #tpu.memory_space<hbm>>
      %dma_wait3A_45 = tpu.memref_slice %arg4[%arg0, %run_scoped3A_39, %mul3A_38] : memref<2x2x10240xf32, #tpu.memory_space<hbm>> -> memref<1x1x640xf32, #tpu.memory_space<hbm>>
      %dma_wait3A_46 = tpu.memref_squeeze %dma_wait3A_45 : memref<1x1x640xf32, #tpu.memory_space<hbm>> -> memref<640xf32, #tpu.memory_space<hbm>>
      tpu.wait_dma2 semaphore(%run_scoped3A_40 : memref<!tpu.dma_semaphore, #tpu.memory_space<semaphore_mem>>) src(%arg10 : memref<640xf32, #tpu.memory_space<vmem>>) dst(%dma_wait3A_46 : memref<640xf32, #tpu.memory_space<hbm>>)
      tpu.yield
    }) : () -> ()
    return
  }
}

#map = affine_map<(d0, d1) -> (0, 0)>
#map1 = affine_map<(d0, d1) -> (0, 0, 0)>
module attributes {stable_mosaic.version = 14 : i64} {
  func.func @_spmm_kernel(%arg0: i32, %arg1: i32, %arg2: memref<10000x128xf32, #tpu.memory_space<hbm>>, %arg3: memref<32x80x128xi32, #tpu.memory_space<hbm>>, %arg4: memref<32x80x128xi32, #tpu.memory_space<hbm>>, %arg5: memref<2x10240x128xf32, #tpu.memory_space<hbm>>, %arg6: memref<80x128xi32, #tpu.memory_space<vmem>>, %arg7: memref<2x128x128xf32, #tpu.memory_space<vmem>>, %arg8: memref<10240x128xf32, #tpu.memory_space<vmem_shared>>, %arg9: memref<128xi32, #tpu.memory_space<vmem>>, %arg10: memref<128xi32, #tpu.memory_space<vmem>>, %arg11: memref<!tpu.dma_semaphore, #tpu.memory_space<semaphore_mem>>, %arg12: memref<!tpu.dma_semaphore, #tpu.memory_space<semaphore_mem>>, %arg13: memref<!tpu.dma_semaphore, #tpu.memory_space<semaphore_mem>>, %arg14: memref<!tpu.dma_semaphore, #tpu.memory_space<semaphore_mem>>, %arg15: memref<!tpu.dma_semaphore, #tpu.memory_space<semaphore_mem>>, %arg16: memref<!tpu.dma_semaphore, #tpu.memory_space<semaphore_mem>>) attributes {dimension_semantics = [#tpu.dimension_semantics<core_parallel>, #tpu.dimension_semantics<subcore_parallel>], iteration_bounds = array<i64: 2, 16>, scalar_prefetch = 0 : i64, scratch_operands = 11 : i64, tpu.core_type = #tpu.core_type<sc_vector_subcore>, window_params = [{transform_indices = #map}, {transform_indices = #map1}, {transform_indices = #map1}, {transform_indices = #map1}]} {
    %mul3A = arith.constant 16 : i32
    %mul3A_0 = arith.muli %arg0, %mul3A : i32
    %add3A = arith.addi %mul3A_0, %arg1 : i32
    "tpu.region"() ({
      %run_scoped3A = tpu.sem_alloc : memref<!tpu.dma_semaphore, #tpu.memory_space<semaphore_mem>>
      %dma_start3A_74 = arith.constant 0 : i32
      %dma_start3A_75 = arith.constant 0 : i32
      %dma_start3A_76 = tpu.memref_slice %arg3[%add3A, %dma_start3A_74, %dma_start3A_75] : memref<32x80x128xi32, #tpu.memory_space<hbm>> -> memref<1x80x128xi32, #tpu.memory_space<hbm>>
      %dma_start3A_77 = tpu.memref_squeeze %dma_start3A_76 : memref<1x80x128xi32, #tpu.memory_space<hbm>> -> memref<80x128xi32, #tpu.memory_space<hbm>>
      %dma_start3A_78 = arith.constant 0 : i32
      %dma_start3A_79 = arith.constant 0 : i32
      %dma_start3A_80 = tpu.memref_slice %arg3[%add3A, %dma_start3A_78, %dma_start3A_79] : memref<32x80x128xi32, #tpu.memory_space<hbm>> -> memref<1x80x128xi32, #tpu.memory_space<hbm>>
      %dma_start3A_81 = tpu.memref_squeeze %dma_start3A_80 : memref<1x80x128xi32, #tpu.memory_space<hbm>> -> memref<80x128xi32, #tpu.memory_space<hbm>>
      tpu.enqueue_dma source(%dma_start3A_81 : memref<80x128xi32, #tpu.memory_space<hbm>>) target(%arg6 : memref<80x128xi32, #tpu.memory_space<vmem>>) target_semaphore(%run_scoped3A : memref<!tpu.dma_semaphore, #tpu.memory_space<semaphore_mem>>)
      %dma_wait3A_82 = arith.constant 0 : i32
      %dma_wait3A_83 = arith.constant 0 : i32
      %dma_wait3A_84 = tpu.memref_slice %arg3[%add3A, %dma_wait3A_82, %dma_wait3A_83] : memref<32x80x128xi32, #tpu.memory_space<hbm>> -> memref<1x80x128xi32, #tpu.memory_space<hbm>>
      %dma_wait3A_85 = tpu.memref_squeeze %dma_wait3A_84 : memref<1x80x128xi32, #tpu.memory_space<hbm>> -> memref<80x128xi32, #tpu.memory_space<hbm>>
      %dma_wait3A_86 = arith.constant 0 : i32
      %dma_wait3A_87 = arith.constant 0 : i32
      %dma_wait3A_88 = tpu.memref_slice %arg3[%add3A, %dma_wait3A_86, %dma_wait3A_87] : memref<32x80x128xi32, #tpu.memory_space<hbm>> -> memref<1x80x128xi32, #tpu.memory_space<hbm>>
      %dma_wait3A_89 = tpu.memref_squeeze %dma_wait3A_88 : memref<1x80x128xi32, #tpu.memory_space<hbm>> -> memref<80x128xi32, #tpu.memory_space<hbm>>
      tpu.wait_dma2 semaphore(%run_scoped3A : memref<!tpu.dma_semaphore, #tpu.memory_space<semaphore_mem>>) src(%dma_wait3A_89 : memref<80x128xi32, #tpu.memory_space<hbm>>) dst(%arg6 : memref<80x128xi32, #tpu.memory_space<vmem>>)
      tpu.yield
    }) : () -> ()
    %broadcast_in_dim3A = arith.constant 0.000000e+00 : f32
    %broadcast_in_dim3A_1 = vector.broadcast %broadcast_in_dim3A : f32 to vector<16xf32>
    %scan3A = arith.constant 0 : i32
    %scan3A_2 = arith.constant 128 : i32
    %scan3A_3 = arith.addi %scan3A, %scan3A_2 : i32
    %scan3A_4 = arith.constant 1 : i32
    scf.for %scan3A_74 = %scan3A to %scan3A_3 step %scan3A_4  : i32 {
      %scan3A_75 = arith.constant 0 : i32
      %scan3A_76 = arith.constant 8 : i32
      %scan3A_77 = arith.addi %scan3A_75, %scan3A_76 : i32
      %scan3A_78 = arith.constant 1 : i32
      scf.for %scan3A_80 = %scan3A_75 to %scan3A_77 step %scan3A_78  : i32 {
        %mul3A_81 = arith.constant 16 : i32
        %mul3A_82 = arith.muli %scan3A_80, %mul3A_81 : i32
        %swap3A = arith.constant 0 : i32
        %swap3A_83 = arith.index_cast %swap3A : i32 to index
        %swap3A_84 = arith.index_cast %scan3A_74 : i32 to index
        %swap3A_85 = arith.index_cast %mul3A_82 : i32 to index
        %swap3A_86 = tpu.vector_load %arg7[%swap3A_83, %swap3A_84, %swap3A_85] {strides = array<i32>} : memref<2x128x128xf32, #tpu.memory_space<vmem>>, vector<16xf32>,
        tpu.vector_store %arg7[%swap3A_83, %swap3A_84, %swap3A_85], %broadcast_in_dim3A_1 {strides = array<i32>} : memref<2x128x128xf32, #tpu.memory_space<vmem>>, vector<16xf32>,
      }
      %scan3A_79 = arith.constant 8 : i32
    }
    %scan3A_5 = arith.constant 128 : i32
    %scan3A_6 = arith.constant 0 : i32
    %scan3A_7 = arith.constant 5 : i32
    %scan3A_8 = arith.addi %scan3A_6, %scan3A_7 : i32
    %scan3A_9 = arith.constant 1 : i32
    scf.for %scan3A_74 = %scan3A_6 to %scan3A_8 step %scan3A_9  : i32 {
      %mul3A_75 = arith.constant 640 : i32
      %mul3A_76 = arith.muli %arg1, %mul3A_75 : i32
      %mul3A_77 = arith.constant 128 : i32
      %mul3A_78 = arith.muli %scan3A_74, %mul3A_77 : i32
      %add3A_79 = arith.addi %mul3A_76, %mul3A_78 : i32
      %run_scoped3A = arith.constant 0 : i32
      "tpu.region"() ({
        %run_scoped3A_80 = tpu.sem_alloc : memref<!tpu.dma_semaphore, #tpu.memory_space<semaphore_mem>>
        %dma_start3A_81 = arith.constant 0 : i32
        %dma_start3A_82 = arith.constant 0 : i32
        %dma_start3A_83 = tpu.memref_slice %arg7[%run_scoped3A, %dma_start3A_81, %dma_start3A_82] : memref<2x128x128xf32, #tpu.memory_space<vmem>> -> memref<1x128x128xf32, #tpu.memory_space<vmem>>
        %dma_start3A_84 = tpu.memref_squeeze %dma_start3A_83 : memref<1x128x128xf32, #tpu.memory_space<vmem>> -> memref<128x128xf32, #tpu.memory_space<vmem>>
        %dma_start3A_85 = arith.constant 0 : i32
        %dma_start3A_86 = tpu.memref_slice %arg8[%add3A_79, %dma_start3A_85] : memref<10240x128xf32, #tpu.memory_space<vmem_shared>> -> memref<128x128xf32, #tpu.memory_space<vmem_shared>>
        %dma_start3A_87 = arith.constant 0 : i32
        %dma_start3A_88 = tpu.memref_slice %arg8[%add3A_79, %dma_start3A_87] : memref<10240x128xf32, #tpu.memory_space<vmem_shared>> -> memref<128x128xf32, #tpu.memory_space<vmem_shared>>
        %dma_start3A_89 = arith.constant 0 : i32
        %dma_start3A_90 = arith.constant 0 : i32
        %dma_start3A_91 = tpu.memref_slice %arg7[%run_scoped3A, %dma_start3A_89, %dma_start3A_90] : memref<2x128x128xf32, #tpu.memory_space<vmem>> -> memref<1x128x128xf32, #tpu.memory_space<vmem>>
        %dma_start3A_92 = tpu.memref_squeeze %dma_start3A_91 : memref<1x128x128xf32, #tpu.memory_space<vmem>> -> memref<128x128xf32, #tpu.memory_space<vmem>>
        tpu.enqueue_dma source(%dma_start3A_92 : memref<128x128xf32, #tpu.memory_space<vmem>>) target(%dma_start3A_88 : memref<128x128xf32, #tpu.memory_space<vmem_shared>>) target_semaphore(%run_scoped3A_80 : memref<!tpu.dma_semaphore, #tpu.memory_space<semaphore_mem>>)
        %dma_wait3A_93 = arith.constant 0 : i32
        %dma_wait3A_94 = arith.constant 0 : i32
        %dma_wait3A_95 = tpu.memref_slice %arg7[%run_scoped3A, %dma_wait3A_93, %dma_wait3A_94] : memref<2x128x128xf32, #tpu.memory_space<vmem>> -> memref<1x128x128xf32, #tpu.memory_space<vmem>>
        %dma_wait3A_96 = tpu.memref_squeeze %dma_wait3A_95 : memref<1x128x128xf32, #tpu.memory_space<vmem>> -> memref<128x128xf32, #tpu.memory_space<vmem>>
        %dma_wait3A_97 = arith.constant 0 : i32
        %dma_wait3A_98 = tpu.memref_slice %arg8[%add3A_79, %dma_wait3A_97] : memref<10240x128xf32, #tpu.memory_space<vmem_shared>> -> memref<128x128xf32, #tpu.memory_space<vmem_shared>>
        %dma_wait3A_99 = arith.constant 0 : i32
        %dma_wait3A_100 = tpu.memref_slice %arg8[%add3A_79, %dma_wait3A_99] : memref<10240x128xf32, #tpu.memory_space<vmem_shared>> -> memref<128x128xf32, #tpu.memory_space<vmem_shared>>
        %dma_wait3A_101 = arith.constant 0 : i32
        %dma_wait3A_102 = arith.constant 0 : i32
        %dma_wait3A_103 = tpu.memref_slice %arg7[%run_scoped3A, %dma_wait3A_101, %dma_wait3A_102] : memref<2x128x128xf32, #tpu.memory_space<vmem>> -> memref<1x128x128xf32, #tpu.memory_space<vmem>>
        %dma_wait3A_104 = tpu.memref_squeeze %dma_wait3A_103 : memref<1x128x128xf32, #tpu.memory_space<vmem>> -> memref<128x128xf32, #tpu.memory_space<vmem>>
        tpu.wait_dma2 semaphore(%run_scoped3A_80 : memref<!tpu.dma_semaphore, #tpu.memory_space<semaphore_mem>>) src(%dma_wait3A_104 : memref<128x128xf32, #tpu.memory_space<vmem>>) dst(%dma_wait3A_100 : memref<128x128xf32, #tpu.memory_space<vmem_shared>>)
        tpu.yield
      }) : () -> ()
    }
    %scan3A_10 = arith.constant 5 : i32
    %barrier3A = arith.constant 0 : index
    tpu.barrier barrier_id(%barrier3A)
    %dma_start3A = arith.constant 0 : i32
    %dma_start3A_11 = arith.constant 0 : i32
    %dma_start3A_12 = arith.constant 0 : i32
    %dma_start3A_13 = arith.constant 0 : i32
    %dma_start3A_14 = tpu.memref_slice %arg7[%dma_start3A_11, %dma_start3A_12, %dma_start3A_13] : memref<2x128x128xf32, #tpu.memory_space<vmem>> -> memref<1x128x128xf32, #tpu.memory_space<vmem>>
    %dma_start3A_15 = tpu.memref_squeeze %dma_start3A_14 : memref<1x128x128xf32, #tpu.memory_space<vmem>> -> memref<128x128xf32, #tpu.memory_space<vmem>>
    %dma_start3A_16 = arith.constant 0 : i32
    %dma_start3A_17 = tpu.memref_slice %arg6[%dma_start3A, %dma_start3A_16] : memref<80x128xi32, #tpu.memory_space<vmem>> -> memref<1x128xi32, #tpu.memory_space<vmem>>
    %dma_start3A_18 = tpu.memref_squeeze %dma_start3A_17 : memref<1x128xi32, #tpu.memory_space<vmem>> -> memref<128xi32, #tpu.memory_space<vmem>>
    %dma_start3A_19 = arith.constant 0 : i32
    %dma_start3A_20 = arith.constant 0 : i32
    %dma_start3A_21 = tpu.memref_slice %arg2[%dma_start3A_19, %dma_start3A_20] : memref<10000x128xf32, #tpu.memory_space<hbm>> -> memref<10000x128xf32, #tpu.memory_space<hbm>>
    tpu.enqueue_indirect_dma source(%dma_start3A_21 : memref<10000x128xf32, #tpu.memory_space<hbm>>) target(%dma_start3A_15 : memref<128x128xf32, #tpu.memory_space<vmem>>) offsets(%dma_start3A_18 : memref<128xi32, #tpu.memory_space<vmem>>) semaphore(%arg11 : memref<!tpu.dma_semaphore, #tpu.memory_space<semaphore_mem>>)
    %dma_start3A_22 = arith.constant 0 : i32
    %dma_start3A_23 = arith.constant 0 : i32
    %dma_start3A_24 = tpu.memref_slice %arg4[%add3A, %dma_start3A_22, %dma_start3A_23] : memref<32x80x128xi32, #tpu.memory_space<hbm>> -> memref<1x1x128xi32, #tpu.memory_space<hbm>>
    %dma_start3A_25 = tpu.memref_squeeze %dma_start3A_24 : memref<1x1x128xi32, #tpu.memory_space<hbm>> -> memref<128xi32, #tpu.memory_space<hbm>>
    %dma_start3A_26 = arith.constant 0 : i32
    %dma_start3A_27 = tpu.memref_slice %arg4[%add3A, %dma_start3A_22, %dma_start3A_26] : memref<32x80x128xi32, #tpu.memory_space<hbm>> -> memref<1x1x128xi32, #tpu.memory_space<hbm>>
    %dma_start3A_28 = tpu.memref_squeeze %dma_start3A_27 : memref<1x1x128xi32, #tpu.memory_space<hbm>> -> memref<128xi32, #tpu.memory_space<hbm>>
    tpu.enqueue_dma source(%dma_start3A_28 : memref<128xi32, #tpu.memory_space<hbm>>) target(%arg9 : memref<128xi32, #tpu.memory_space<vmem>>) target_semaphore(%arg15 : memref<!tpu.dma_semaphore, #tpu.memory_space<semaphore_mem>>)
    %dma_start3A_29 = arith.constant 1 : i32
    %dma_start3A_30 = arith.constant 1 : i32
    %dma_start3A_31 = arith.constant 0 : i32
    %dma_start3A_32 = arith.constant 0 : i32
    %dma_start3A_33 = tpu.memref_slice %arg7[%dma_start3A_30, %dma_start3A_31, %dma_start3A_32] : memref<2x128x128xf32, #tpu.memory_space<vmem>> -> memref<1x128x128xf32, #tpu.memory_space<vmem>>
    %dma_start3A_34 = tpu.memref_squeeze %dma_start3A_33 : memref<1x128x128xf32, #tpu.memory_space<vmem>> -> memref<128x128xf32, #tpu.memory_space<vmem>>
    %dma_start3A_35 = arith.constant 0 : i32
    %dma_start3A_36 = tpu.memref_slice %arg6[%dma_start3A_29, %dma_start3A_35] : memref<80x128xi32, #tpu.memory_space<vmem>> -> memref<1x128xi32, #tpu.memory_space<vmem>>
    %dma_start3A_37 = tpu.memref_squeeze %dma_start3A_36 : memref<1x128xi32, #tpu.memory_space<vmem>> -> memref<128xi32, #tpu.memory_space<vmem>>
    %dma_start3A_38 = arith.constant 0 : i32
    %dma_start3A_39 = arith.constant 0 : i32
    %dma_start3A_40 = tpu.memref_slice %arg2[%dma_start3A_38, %dma_start3A_39] : memref<10000x128xf32, #tpu.memory_space<hbm>> -> memref<10000x128xf32, #tpu.memory_space<hbm>>
    tpu.enqueue_indirect_dma source(%dma_start3A_40 : memref<10000x128xf32, #tpu.memory_space<hbm>>) target(%dma_start3A_34 : memref<128x128xf32, #tpu.memory_space<vmem>>) offsets(%dma_start3A_37 : memref<128xi32, #tpu.memory_space<vmem>>) semaphore(%arg12 : memref<!tpu.dma_semaphore, #tpu.memory_space<semaphore_mem>>)
    %dma_start3A_41 = arith.constant 1 : i32
    %dma_start3A_42 = arith.constant 0 : i32
    %dma_start3A_43 = tpu.memref_slice %arg4[%add3A, %dma_start3A_41, %dma_start3A_42] : memref<32x80x128xi32, #tpu.memory_space<hbm>> -> memref<1x1x128xi32, #tpu.memory_space<hbm>>
    %dma_start3A_44 = tpu.memref_squeeze %dma_start3A_43 : memref<1x1x128xi32, #tpu.memory_space<hbm>> -> memref<128xi32, #tpu.memory_space<hbm>>
    %dma_start3A_45 = arith.constant 0 : i32
    %dma_start3A_46 = tpu.memref_slice %arg4[%add3A, %dma_start3A_41, %dma_start3A_45] : memref<32x80x128xi32, #tpu.memory_space<hbm>> -> memref<1x1x128xi32, #tpu.memory_space<hbm>>
    %dma_start3A_47 = tpu.memref_squeeze %dma_start3A_46 : memref<1x1x128xi32, #tpu.memory_space<hbm>> -> memref<128xi32, #tpu.memory_space<hbm>>
    tpu.enqueue_dma source(%dma_start3A_47 : memref<128xi32, #tpu.memory_space<hbm>>) target(%arg10 : memref<128xi32, #tpu.memory_space<vmem>>) target_semaphore(%arg16 : memref<!tpu.dma_semaphore, #tpu.memory_space<semaphore_mem>>)
    %scan3A_48 = arith.constant 0 : i32
    %scan3A_49 = arith.constant 40 : i32
    %scan3A_50 = arith.addi %scan3A_48, %scan3A_49 : i32
    %scan3A_51 = arith.constant 1 : i32
    scf.for %scan3A_74 = %scan3A_48 to %scan3A_50 step %scan3A_51  : i32 {
      %mul3A_75 = arith.constant 2 : i32
      %mul3A_76 = arith.muli %scan3A_74, %mul3A_75 : i32
      %add3A_77 = arith.constant 0 : i32
      %add3A_78 = arith.addi %mul3A_76, %add3A_77 : i32
      %dma_wait3A_79 = arith.constant 0 : i32
      %dma_wait3A_80 = arith.constant 0 : i32
      %dma_wait3A_81 = arith.constant 0 : i32
      %dma_wait3A_82 = tpu.memref_slice %arg7[%dma_wait3A_79, %dma_wait3A_80, %dma_wait3A_81] : memref<2x128x128xf32, #tpu.memory_space<vmem>> -> memref<1x128x128xf32, #tpu.memory_space<vmem>>
      %dma_wait3A_83 = tpu.memref_squeeze %dma_wait3A_82 : memref<1x128x128xf32, #tpu.memory_space<vmem>> -> memref<128x128xf32, #tpu.memory_space<vmem>>
      %dma_wait3A_84 = arith.constant 0 : i32
      %dma_wait3A_85 = tpu.memref_slice %arg6[%add3A_78, %dma_wait3A_84] : memref<80x128xi32, #tpu.memory_space<vmem>> -> memref<1x128xi32, #tpu.memory_space<vmem>>
      %dma_wait3A_86 = tpu.memref_squeeze %dma_wait3A_85 : memref<1x128xi32, #tpu.memory_space<vmem>> -> memref<128xi32, #tpu.memory_space<vmem>>
      %dma_wait3A_87 = arith.constant 0 : i32
      %dma_wait3A_88 = arith.constant 0 : i32
      %dma_wait3A_89 = tpu.memref_slice %arg2[%dma_wait3A_87, %dma_wait3A_88] : memref<10000x128xf32, #tpu.memory_space<hbm>> -> memref<10000x128xf32, #tpu.memory_space<hbm>>
      tpu.wait_indirect_dma semaphore(%arg11 : memref<!tpu.dma_semaphore, #tpu.memory_space<semaphore_mem>>) src(%dma_wait3A_89 : memref<10000x128xf32, #tpu.memory_space<hbm>>) dst(%dma_wait3A_83 : memref<128x128xf32, #tpu.memory_space<vmem>>)
      %dma_wait3A_90 = arith.constant 0 : i32
      %dma_wait3A_91 = tpu.memref_slice %arg4[%add3A, %add3A_78, %dma_wait3A_90] : memref<32x80x128xi32, #tpu.memory_space<hbm>> -> memref<1x1x128xi32, #tpu.memory_space<hbm>>
      %dma_wait3A_92 = tpu.memref_squeeze %dma_wait3A_91 : memref<1x1x128xi32, #tpu.memory_space<hbm>> -> memref<128xi32, #tpu.memory_space<hbm>>
      %dma_wait3A_93 = arith.constant 0 : i32
      %dma_wait3A_94 = tpu.memref_slice %arg4[%add3A, %add3A_78, %dma_wait3A_93] : memref<32x80x128xi32, #tpu.memory_space<hbm>> -> memref<1x1x128xi32, #tpu.memory_space<hbm>>
      %dma_wait3A_95 = tpu.memref_squeeze %dma_wait3A_94 : memref<1x1x128xi32, #tpu.memory_space<hbm>> -> memref<128xi32, #tpu.memory_space<hbm>>
      tpu.wait_dma2 semaphore(%arg15 : memref<!tpu.dma_semaphore, #tpu.memory_space<semaphore_mem>>) src(%dma_wait3A_95 : memref<128xi32, #tpu.memory_space<hbm>>) dst(%arg9 : memref<128xi32, #tpu.memory_space<vmem>>)
      %dma_start3A_96 = arith.constant 0 : i32
      %dma_start3A_97 = arith.constant 0 : i32
      %dma_start3A_98 = arith.constant 0 : i32
      %dma_start3A_99 = tpu.memref_slice %arg7[%dma_start3A_96, %dma_start3A_97, %dma_start3A_98] : memref<2x128x128xf32, #tpu.memory_space<vmem>> -> memref<1x128x128xf32, #tpu.memory_space<vmem>>
      %dma_start3A_100 = tpu.memref_squeeze %dma_start3A_99 : memref<1x128x128xf32, #tpu.memory_space<vmem>> -> memref<128x128xf32, #tpu.memory_space<vmem>>
      %dma_start3A_101 = arith.constant 0 : i32
      %dma_start3A_102 = arith.constant 0 : i32
      %dma_start3A_103 = tpu.memref_slice %arg8[%dma_start3A_101, %dma_start3A_102] : memref<10240x128xf32, #tpu.memory_space<vmem_shared>> -> memref<10240x128xf32, #tpu.memory_space<vmem_shared>>
      tpu.enqueue_indirect_dma source(%dma_start3A_100 : memref<128x128xf32, #tpu.memory_space<vmem>>) target(%dma_start3A_103 : memref<10240x128xf32, #tpu.memory_space<vmem_shared>>) offsets(%arg9 : memref<128xi32, #tpu.memory_space<vmem>>) semaphore(%arg13 : memref<!tpu.dma_semaphore, #tpu.memory_space<semaphore_mem>>) {add = true}
      %add3A_104 = arith.constant 2 : i32
      %add3A_105 = arith.addi %add3A_78, %add3A_104 : i32
      %sub3A = arith.constant 1 : i32
      %sub3A_106 = arith.subi %add3A_105, %sub3A : i32
      %ge3A = arith.constant 2 : i32
      %ge3A_107 = arith.cmpi sge, %sub3A_106, %ge3A : i32
      %lt3A = arith.constant 80 : i32
      %lt3A_108 = arith.cmpi slt, %sub3A_106, %lt3A : i32
      %and3A = arith.andi %ge3A_107, %lt3A_108 : i1
      %convert_element_type3A = arith.extui %and3A : i1 to i32
      %cond3A = arith.constant 0 : i32
      %cond3A_109 = arith.cmpi ne, %convert_element_type3A, %cond3A : i32
      scf.if %cond3A_109 {
        %dma_wait3A_151 = arith.constant 1 : i32
        %dma_wait3A_152 = arith.constant 0 : i32
        %dma_wait3A_153 = arith.constant 0 : i32
        %dma_wait3A_154 = tpu.memref_slice %arg7[%dma_wait3A_151, %dma_wait3A_152, %dma_wait3A_153] : memref<2x128x128xf32, #tpu.memory_space<vmem>> -> memref<1x128x128xf32, #tpu.memory_space<vmem>>
        %dma_wait3A_155 = tpu.memref_squeeze %dma_wait3A_154 : memref<1x128x128xf32, #tpu.memory_space<vmem>> -> memref<128x128xf32, #tpu.memory_space<vmem>>
        %dma_wait3A_156 = arith.constant 0 : i32
        %dma_wait3A_157 = arith.constant 0 : i32
        %dma_wait3A_158 = tpu.memref_slice %arg8[%dma_wait3A_156, %dma_wait3A_157] : memref<10240x128xf32, #tpu.memory_space<vmem_shared>> -> memref<10240x128xf32, #tpu.memory_space<vmem_shared>>
        tpu.wait_indirect_dma semaphore(%arg14 : memref<!tpu.dma_semaphore, #tpu.memory_space<semaphore_mem>>) src(%dma_wait3A_155 : memref<128x128xf32, #tpu.memory_space<vmem>>) dst(%dma_wait3A_158 : memref<10240x128xf32, #tpu.memory_space<vmem_shared>>)
        %dma_start3A_159 = arith.constant 1 : i32
        %dma_start3A_160 = arith.constant 0 : i32
        %dma_start3A_161 = arith.constant 0 : i32
        %dma_start3A_162 = tpu.memref_slice %arg7[%dma_start3A_159, %dma_start3A_160, %dma_start3A_161] : memref<2x128x128xf32, #tpu.memory_space<vmem>> -> memref<1x128x128xf32, #tpu.memory_space<vmem>>
        %dma_start3A_163 = tpu.memref_squeeze %dma_start3A_162 : memref<1x128x128xf32, #tpu.memory_space<vmem>> -> memref<128x128xf32, #tpu.memory_space<vmem>>
        %dma_start3A_164 = arith.constant 0 : i32
        %dma_start3A_165 = tpu.memref_slice %arg6[%sub3A_106, %dma_start3A_164] : memref<80x128xi32, #tpu.memory_space<vmem>> -> memref<1x128xi32, #tpu.memory_space<vmem>>
        %dma_start3A_166 = tpu.memref_squeeze %dma_start3A_165 : memref<1x128xi32, #tpu.memory_space<vmem>> -> memref<128xi32, #tpu.memory_space<vmem>>
        %dma_start3A_167 = arith.constant 0 : i32
        %dma_start3A_168 = arith.constant 0 : i32
        %dma_start3A_169 = tpu.memref_slice %arg2[%dma_start3A_167, %dma_start3A_168] : memref<10000x128xf32, #tpu.memory_space<hbm>> -> memref<10000x128xf32, #tpu.memory_space<hbm>>
        tpu.enqueue_indirect_dma source(%dma_start3A_169 : memref<10000x128xf32, #tpu.memory_space<hbm>>) target(%dma_start3A_163 : memref<128x128xf32, #tpu.memory_space<vmem>>) offsets(%dma_start3A_166 : memref<128xi32, #tpu.memory_space<vmem>>) semaphore(%arg12 : memref<!tpu.dma_semaphore, #tpu.memory_space<semaphore_mem>>)
        %dma_start3A_170 = arith.constant 0 : i32
        %dma_start3A_171 = tpu.memref_slice %arg4[%add3A, %sub3A_106, %dma_start3A_170] : memref<32x80x128xi32, #tpu.memory_space<hbm>> -> memref<1x1x128xi32, #tpu.memory_space<hbm>>
        %dma_start3A_172 = tpu.memref_squeeze %dma_start3A_171 : memref<1x1x128xi32, #tpu.memory_space<hbm>> -> memref<128xi32, #tpu.memory_space<hbm>>
        %dma_start3A_173 = arith.constant 0 : i32
        %dma_start3A_174 = tpu.memref_slice %arg4[%add3A, %sub3A_106, %dma_start3A_173] : memref<32x80x128xi32, #tpu.memory_space<hbm>> -> memref<1x1x128xi32, #tpu.memory_space<hbm>>
        %dma_start3A_175 = tpu.memref_squeeze %dma_start3A_174 : memref<1x1x128xi32, #tpu.memory_space<hbm>> -> memref<128xi32, #tpu.memory_space<hbm>>
        tpu.enqueue_dma source(%dma_start3A_175 : memref<128xi32, #tpu.memory_space<hbm>>) target(%arg10 : memref<128xi32, #tpu.memory_space<vmem>>) target_semaphore(%arg16 : memref<!tpu.dma_semaphore, #tpu.memory_space<semaphore_mem>>)
      } else {
      }
      %mul3A_110 = arith.constant 2 : i32
      %mul3A_111 = arith.muli %scan3A_74, %mul3A_110 : i32
      %add3A_112 = arith.constant 1 : i32
      %add3A_113 = arith.addi %mul3A_111, %add3A_112 : i32
      %dma_wait3A_114 = arith.constant 1 : i32
      %dma_wait3A_115 = arith.constant 0 : i32
      %dma_wait3A_116 = arith.constant 0 : i32
      %dma_wait3A_117 = tpu.memref_slice %arg7[%dma_wait3A_114, %dma_wait3A_115, %dma_wait3A_116] : memref<2x128x128xf32, #tpu.memory_space<vmem>> -> memref<1x128x128xf32, #tpu.memory_space<vmem>>
      %dma_wait3A_118 = tpu.memref_squeeze %dma_wait3A_117 : memref<1x128x128xf32, #tpu.memory_space<vmem>> -> memref<128x128xf32, #tpu.memory_space<vmem>>
      %dma_wait3A_119 = arith.constant 0 : i32
      %dma_wait3A_120 = tpu.memref_slice %arg6[%add3A_113, %dma_wait3A_119] : memref<80x128xi32, #tpu.memory_space<vmem>> -> memref<1x128xi32, #tpu.memory_space<vmem>>
      %dma_wait3A_121 = tpu.memref_squeeze %dma_wait3A_120 : memref<1x128xi32, #tpu.memory_space<vmem>> -> memref<128xi32, #tpu.memory_space<vmem>>
      %dma_wait3A_122 = arith.constant 0 : i32
      %dma_wait3A_123 = arith.constant 0 : i32
      %dma_wait3A_124 = tpu.memref_slice %arg2[%dma_wait3A_122, %dma_wait3A_123] : memref<10000x128xf32, #tpu.memory_space<hbm>> -> memref<10000x128xf32, #tpu.memory_space<hbm>>
      tpu.wait_indirect_dma semaphore(%arg12 : memref<!tpu.dma_semaphore, #tpu.memory_space<semaphore_mem>>) src(%dma_wait3A_124 : memref<10000x128xf32, #tpu.memory_space<hbm>>) dst(%dma_wait3A_118 : memref<128x128xf32, #tpu.memory_space<vmem>>)
      %dma_wait3A_125 = arith.constant 0 : i32
      %dma_wait3A_126 = tpu.memref_slice %arg4[%add3A, %add3A_113, %dma_wait3A_125] : memref<32x80x128xi32, #tpu.memory_space<hbm>> -> memref<1x1x128xi32, #tpu.memory_space<hbm>>
      %dma_wait3A_127 = tpu.memref_squeeze %dma_wait3A_126 : memref<1x1x128xi32, #tpu.memory_space<hbm>> -> memref<128xi32, #tpu.memory_space<hbm>>
      %dma_wait3A_128 = arith.constant 0 : i32
      %dma_wait3A_129 = tpu.memref_slice %arg4[%add3A, %add3A_113, %dma_wait3A_128] : memref<32x80x128xi32, #tpu.memory_space<hbm>> -> memref<1x1x128xi32, #tpu.memory_space<hbm>>
      %dma_wait3A_130 = tpu.memref_squeeze %dma_wait3A_129 : memref<1x1x128xi32, #tpu.memory_space<hbm>> -> memref<128xi32, #tpu.memory_space<hbm>>
      tpu.wait_dma2 semaphore(%arg16 : memref<!tpu.dma_semaphore, #tpu.memory_space<semaphore_mem>>) src(%dma_wait3A_130 : memref<128xi32, #tpu.memory_space<hbm>>) dst(%arg10 : memref<128xi32, #tpu.memory_space<vmem>>)
      %dma_start3A_131 = arith.constant 1 : i32
      %dma_start3A_132 = arith.constant 0 : i32
      %dma_start3A_133 = arith.constant 0 : i32
      %dma_start3A_134 = tpu.memref_slice %arg7[%dma_start3A_131, %dma_start3A_132, %dma_start3A_133] : memref<2x128x128xf32, #tpu.memory_space<vmem>> -> memref<1x128x128xf32, #tpu.memory_space<vmem>>
      %dma_start3A_135 = tpu.memref_squeeze %dma_start3A_134 : memref<1x128x128xf32, #tpu.memory_space<vmem>> -> memref<128x128xf32, #tpu.memory_space<vmem>>
      %dma_start3A_136 = arith.constant 0 : i32
      %dma_start3A_137 = arith.constant 0 : i32
      %dma_start3A_138 = tpu.memref_slice %arg8[%dma_start3A_136, %dma_start3A_137] : memref<10240x128xf32, #tpu.memory_space<vmem_shared>> -> memref<10240x128xf32, #tpu.memory_space<vmem_shared>>
      tpu.enqueue_indirect_dma source(%dma_start3A_135 : memref<128x128xf32, #tpu.memory_space<vmem>>) target(%dma_start3A_138 : memref<10240x128xf32, #tpu.memory_space<vmem_shared>>) offsets(%arg10 : memref<128xi32, #tpu.memory_space<vmem>>) semaphore(%arg14 : memref<!tpu.dma_semaphore, #tpu.memory_space<semaphore_mem>>) {add = true}
      %add3A_139 = arith.constant 2 : i32
      %add3A_140 = arith.addi %add3A_113, %add3A_139 : i32
      %sub3A_141 = arith.constant 1 : i32
      %sub3A_142 = arith.subi %add3A_140, %sub3A_141 : i32
      %ge3A_143 = arith.constant 2 : i32
      %ge3A_144 = arith.cmpi sge, %sub3A_142, %ge3A_143 : i32
      %lt3A_145 = arith.constant 80 : i32
      %lt3A_146 = arith.cmpi slt, %sub3A_142, %lt3A_145 : i32
      %and3A_147 = arith.andi %ge3A_144, %lt3A_146 : i1
      %convert_element_type3A_148 = arith.extui %and3A_147 : i1 to i32
      %cond3A_149 = arith.constant 0 : i32
      %cond3A_150 = arith.cmpi ne, %convert_element_type3A_148, %cond3A_149 : i32
      scf.if %cond3A_150 {
        %dma_wait3A_151 = arith.constant 0 : i32
        %dma_wait3A_152 = arith.constant 0 : i32
        %dma_wait3A_153 = arith.constant 0 : i32
        %dma_wait3A_154 = tpu.memref_slice %arg7[%dma_wait3A_151, %dma_wait3A_152, %dma_wait3A_153] : memref<2x128x128xf32, #tpu.memory_space<vmem>> -> memref<1x128x128xf32, #tpu.memory_space<vmem>>
        %dma_wait3A_155 = tpu.memref_squeeze %dma_wait3A_154 : memref<1x128x128xf32, #tpu.memory_space<vmem>> -> memref<128x128xf32, #tpu.memory_space<vmem>>
        %dma_wait3A_156 = arith.constant 0 : i32
        %dma_wait3A_157 = arith.constant 0 : i32
        %dma_wait3A_158 = tpu.memref_slice %arg8[%dma_wait3A_156, %dma_wait3A_157] : memref<10240x128xf32, #tpu.memory_space<vmem_shared>> -> memref<10240x128xf32, #tpu.memory_space<vmem_shared>>
        tpu.wait_indirect_dma semaphore(%arg13 : memref<!tpu.dma_semaphore, #tpu.memory_space<semaphore_mem>>) src(%dma_wait3A_155 : memref<128x128xf32, #tpu.memory_space<vmem>>) dst(%dma_wait3A_158 : memref<10240x128xf32, #tpu.memory_space<vmem_shared>>)
        %dma_start3A_159 = arith.constant 0 : i32
        %dma_start3A_160 = arith.constant 0 : i32
        %dma_start3A_161 = arith.constant 0 : i32
        %dma_start3A_162 = tpu.memref_slice %arg7[%dma_start3A_159, %dma_start3A_160, %dma_start3A_161] : memref<2x128x128xf32, #tpu.memory_space<vmem>> -> memref<1x128x128xf32, #tpu.memory_space<vmem>>
        %dma_start3A_163 = tpu.memref_squeeze %dma_start3A_162 : memref<1x128x128xf32, #tpu.memory_space<vmem>> -> memref<128x128xf32, #tpu.memory_space<vmem>>
        %dma_start3A_164 = arith.constant 0 : i32
        %dma_start3A_165 = tpu.memref_slice %arg6[%sub3A_142, %dma_start3A_164] : memref<80x128xi32, #tpu.memory_space<vmem>> -> memref<1x128xi32, #tpu.memory_space<vmem>>
        %dma_start3A_166 = tpu.memref_squeeze %dma_start3A_165 : memref<1x128xi32, #tpu.memory_space<vmem>> -> memref<128xi32, #tpu.memory_space<vmem>>
        %dma_start3A_167 = arith.constant 0 : i32
        %dma_start3A_168 = arith.constant 0 : i32
        %dma_start3A_169 = tpu.memref_slice %arg2[%dma_start3A_167, %dma_start3A_168] : memref<10000x128xf32, #tpu.memory_space<hbm>> -> memref<10000x128xf32, #tpu.memory_space<hbm>>
        tpu.enqueue_indirect_dma source(%dma_start3A_169 : memref<10000x128xf32, #tpu.memory_space<hbm>>) target(%dma_start3A_163 : memref<128x128xf32, #tpu.memory_space<vmem>>) offsets(%dma_start3A_166 : memref<128xi32, #tpu.memory_space<vmem>>) semaphore(%arg11 : memref<!tpu.dma_semaphore, #tpu.memory_space<semaphore_mem>>)
        %dma_start3A_170 = arith.constant 0 : i32
        %dma_start3A_171 = tpu.memref_slice %arg4[%add3A, %sub3A_142, %dma_start3A_170] : memref<32x80x128xi32, #tpu.memory_space<hbm>> -> memref<1x1x128xi32, #tpu.memory_space<hbm>>
        %dma_start3A_172 = tpu.memref_squeeze %dma_start3A_171 : memref<1x1x128xi32, #tpu.memory_space<hbm>> -> memref<128xi32, #tpu.memory_space<hbm>>
        %dma_start3A_173 = arith.constant 0 : i32
        %dma_start3A_174 = tpu.memref_slice %arg4[%add3A, %sub3A_142, %dma_start3A_173] : memref<32x80x128xi32, #tpu.memory_space<hbm>> -> memref<1x1x128xi32, #tpu.memory_space<hbm>>
        %dma_start3A_175 = tpu.memref_squeeze %dma_start3A_174 : memref<1x1x128xi32, #tpu.memory_space<hbm>> -> memref<128xi32, #tpu.memory_space<hbm>>
        tpu.enqueue_dma source(%dma_start3A_175 : memref<128xi32, #tpu.memory_space<hbm>>) target(%arg9 : memref<128xi32, #tpu.memory_space<vmem>>) target_semaphore(%arg15 : memref<!tpu.dma_semaphore, #tpu.memory_space<semaphore_mem>>)
      } else {
      }
    }
    %scan3A_52 = arith.constant 40 : i32
    %dma_wait3A = arith.constant 0 : i32
    %dma_wait3A_53 = arith.constant 0 : i32
    %dma_wait3A_54 = arith.constant 0 : i32
    %dma_wait3A_55 = tpu.memref_slice %arg7[%dma_wait3A, %dma_wait3A_53, %dma_wait3A_54] : memref<2x128x128xf32, #tpu.memory_space<vmem>> -> memref<1x128x128xf32, #tpu.memory_space<vmem>>
    %dma_wait3A_56 = tpu.memref_squeeze %dma_wait3A_55 : memref<1x128x128xf32, #tpu.memory_space<vmem>> -> memref<128x128xf32, #tpu.memory_space<vmem>>
    %dma_wait3A_57 = arith.constant 0 : i32
    %dma_wait3A_58 = arith.constant 0 : i32
    %dma_wait3A_59 = tpu.memref_slice %arg8[%dma_wait3A_57, %dma_wait3A_58] : memref<10240x128xf32, #tpu.memory_space<vmem_shared>> -> memref<10240x128xf32, #tpu.memory_space<vmem_shared>>
    tpu.wait_indirect_dma semaphore(%arg13 : memref<!tpu.dma_semaphore, #tpu.memory_space<semaphore_mem>>) src(%dma_wait3A_56 : memref<128x128xf32, #tpu.memory_space<vmem>>) dst(%dma_wait3A_59 : memref<10240x128xf32, #tpu.memory_space<vmem_shared>>)
    %dma_wait3A_60 = arith.constant 1 : i32
    %dma_wait3A_61 = arith.constant 0 : i32
    %dma_wait3A_62 = arith.constant 0 : i32
    %dma_wait3A_63 = tpu.memref_slice %arg7[%dma_wait3A_60, %dma_wait3A_61, %dma_wait3A_62] : memref<2x128x128xf32, #tpu.memory_space<vmem>> -> memref<1x128x128xf32, #tpu.memory_space<vmem>>
    %dma_wait3A_64 = tpu.memref_squeeze %dma_wait3A_63 : memref<1x128x128xf32, #tpu.memory_space<vmem>> -> memref<128x128xf32, #tpu.memory_space<vmem>>
    %dma_wait3A_65 = arith.constant 0 : i32
    %dma_wait3A_66 = arith.constant 0 : i32
    %dma_wait3A_67 = tpu.memref_slice %arg8[%dma_wait3A_65, %dma_wait3A_66] : memref<10240x128xf32, #tpu.memory_space<vmem_shared>> -> memref<10240x128xf32, #tpu.memory_space<vmem_shared>>
    tpu.wait_indirect_dma semaphore(%arg14 : memref<!tpu.dma_semaphore, #tpu.memory_space<semaphore_mem>>) src(%dma_wait3A_64 : memref<128x128xf32, #tpu.memory_space<vmem>>) dst(%dma_wait3A_67 : memref<10240x128xf32, #tpu.memory_space<vmem_shared>>)
    %barrier3A_68 = arith.constant 0 : index
    tpu.barrier barrier_id(%barrier3A_68)
    %scan3A_69 = arith.constant 0 : i32
    %scan3A_70 = arith.constant 5 : i32
    %scan3A_71 = arith.addi %scan3A_69, %scan3A_70 : i32
    %scan3A_72 = arith.constant 1 : i32
    scf.for %scan3A_74 = %scan3A_69 to %scan3A_71 step %scan3A_72  : i32 {
      %mul3A_75 = arith.constant 640 : i32
      %mul3A_76 = arith.muli %arg1, %mul3A_75 : i32
      %mul3A_77 = arith.constant 128 : i32
      %mul3A_78 = arith.muli %scan3A_74, %mul3A_77 : i32
      %add3A_79 = arith.addi %mul3A_76, %mul3A_78 : i32
      %run_scoped3A = arith.constant 0 : i32
      "tpu.region"() ({
        %run_scoped3A_81 = tpu.sem_alloc : memref<!tpu.dma_semaphore, #tpu.memory_space<semaphore_mem>>
        %dma_start3A_82 = arith.constant 0 : i32
        %dma_start3A_83 = arith.constant 0 : i32
        %dma_start3A_84 = tpu.memref_slice %arg7[%run_scoped3A, %dma_start3A_82, %dma_start3A_83] : memref<2x128x128xf32, #tpu.memory_space<vmem>> -> memref<1x128x128xf32, #tpu.memory_space<vmem>>
        %dma_start3A_85 = tpu.memref_squeeze %dma_start3A_84 : memref<1x128x128xf32, #tpu.memory_space<vmem>> -> memref<128x128xf32, #tpu.memory_space<vmem>>
        %dma_start3A_86 = arith.constant 0 : i32
        %dma_start3A_87 = tpu.memref_slice %arg8[%add3A_79, %dma_start3A_86] : memref<10240x128xf32, #tpu.memory_space<vmem_shared>> -> memref<128x128xf32, #tpu.memory_space<vmem_shared>>
        %dma_start3A_88 = arith.constant 0 : i32
        %dma_start3A_89 = arith.constant 0 : i32
        %dma_start3A_90 = tpu.memref_slice %arg7[%run_scoped3A, %dma_start3A_88, %dma_start3A_89] : memref<2x128x128xf32, #tpu.memory_space<vmem>> -> memref<1x128x128xf32, #tpu.memory_space<vmem>>
        %dma_start3A_91 = tpu.memref_squeeze %dma_start3A_90 : memref<1x128x128xf32, #tpu.memory_space<vmem>> -> memref<128x128xf32, #tpu.memory_space<vmem>>
        %dma_start3A_92 = arith.constant 0 : i32
        %dma_start3A_93 = tpu.memref_slice %arg8[%add3A_79, %dma_start3A_92] : memref<10240x128xf32, #tpu.memory_space<vmem_shared>> -> memref<128x128xf32, #tpu.memory_space<vmem_shared>>
        tpu.enqueue_dma source(%dma_start3A_93 : memref<128x128xf32, #tpu.memory_space<vmem_shared>>) target(%dma_start3A_91 : memref<128x128xf32, #tpu.memory_space<vmem>>) target_semaphore(%run_scoped3A_81 : memref<!tpu.dma_semaphore, #tpu.memory_space<semaphore_mem>>)
        %dma_wait3A_94 = arith.constant 0 : i32
        %dma_wait3A_95 = arith.constant 0 : i32
        %dma_wait3A_96 = tpu.memref_slice %arg7[%run_scoped3A, %dma_wait3A_94, %dma_wait3A_95] : memref<2x128x128xf32, #tpu.memory_space<vmem>> -> memref<1x128x128xf32, #tpu.memory_space<vmem>>
        %dma_wait3A_97 = tpu.memref_squeeze %dma_wait3A_96 : memref<1x128x128xf32, #tpu.memory_space<vmem>> -> memref<128x128xf32, #tpu.memory_space<vmem>>
        %dma_wait3A_98 = arith.constant 0 : i32
        %dma_wait3A_99 = tpu.memref_slice %arg8[%add3A_79, %dma_wait3A_98] : memref<10240x128xf32, #tpu.memory_space<vmem_shared>> -> memref<128x128xf32, #tpu.memory_space<vmem_shared>>
        %dma_wait3A_100 = arith.constant 0 : i32
        %dma_wait3A_101 = arith.constant 0 : i32
        %dma_wait3A_102 = tpu.memref_slice %arg7[%run_scoped3A, %dma_wait3A_100, %dma_wait3A_101] : memref<2x128x128xf32, #tpu.memory_space<vmem>> -> memref<1x128x128xf32, #tpu.memory_space<vmem>>
        %dma_wait3A_103 = tpu.memref_squeeze %dma_wait3A_102 : memref<1x128x128xf32, #tpu.memory_space<vmem>> -> memref<128x128xf32, #tpu.memory_space<vmem>>
        %dma_wait3A_104 = arith.constant 0 : i32
        %dma_wait3A_105 = tpu.memref_slice %arg8[%add3A_79, %dma_wait3A_104] : memref<10240x128xf32, #tpu.memory_space<vmem_shared>> -> memref<128x128xf32, #tpu.memory_space<vmem_shared>>
        tpu.wait_dma2 semaphore(%run_scoped3A_81 : memref<!tpu.dma_semaphore, #tpu.memory_space<semaphore_mem>>) src(%dma_wait3A_105 : memref<128x128xf32, #tpu.memory_space<vmem_shared>>) dst(%dma_wait3A_103 : memref<128x128xf32, #tpu.memory_space<vmem>>)
        tpu.yield
      }) : () -> ()
      %run_scoped3A_80 = arith.constant 0 : i32
      "tpu.region"() ({
        %run_scoped3A_81 = tpu.sem_alloc : memref<!tpu.dma_semaphore, #tpu.memory_space<semaphore_mem>>
        %dma_start3A_82 = arith.constant 0 : i32
        %dma_start3A_83 = arith.constant 0 : i32
        %dma_start3A_84 = tpu.memref_slice %arg7[%run_scoped3A_80, %dma_start3A_82, %dma_start3A_83] : memref<2x128x128xf32, #tpu.memory_space<vmem>> -> memref<1x128x128xf32, #tpu.memory_space<vmem>>
        %dma_start3A_85 = tpu.memref_squeeze %dma_start3A_84 : memref<1x128x128xf32, #tpu.memory_space<vmem>> -> memref<128x128xf32, #tpu.memory_space<vmem>>
        %dma_start3A_86 = arith.constant 0 : i32
        %dma_start3A_87 = tpu.memref_slice %arg5[%arg0, %add3A_79, %dma_start3A_86] : memref<2x10240x128xf32, #tpu.memory_space<hbm>> -> memref<1x128x128xf32, #tpu.memory_space<hbm>>
        %dma_start3A_88 = tpu.memref_squeeze %dma_start3A_87 : memref<1x128x128xf32, #tpu.memory_space<hbm>> -> memref<128x128xf32, #tpu.memory_space<hbm>>
        %dma_start3A_89 = arith.constant 0 : i32
        %dma_start3A_90 = tpu.memref_slice %arg5[%arg0, %add3A_79, %dma_start3A_89] : memref<2x10240x128xf32, #tpu.memory_space<hbm>> -> memref<1x128x128xf32, #tpu.memory_space<hbm>>
        %dma_start3A_91 = tpu.memref_squeeze %dma_start3A_90 : memref<1x128x128xf32, #tpu.memory_space<hbm>> -> memref<128x128xf32, #tpu.memory_space<hbm>>
        %dma_start3A_92 = arith.constant 0 : i32
        %dma_start3A_93 = arith.constant 0 : i32
        %dma_start3A_94 = tpu.memref_slice %arg7[%run_scoped3A_80, %dma_start3A_92, %dma_start3A_93] : memref<2x128x128xf32, #tpu.memory_space<vmem>> -> memref<1x128x128xf32, #tpu.memory_space<vmem>>
        %dma_start3A_95 = tpu.memref_squeeze %dma_start3A_94 : memref<1x128x128xf32, #tpu.memory_space<vmem>> -> memref<128x128xf32, #tpu.memory_space<vmem>>
        tpu.enqueue_dma source(%dma_start3A_95 : memref<128x128xf32, #tpu.memory_space<vmem>>) target(%dma_start3A_91 : memref<128x128xf32, #tpu.memory_space<hbm>>) target_semaphore(%run_scoped3A_81 : memref<!tpu.dma_semaphore, #tpu.memory_space<semaphore_mem>>)
        %dma_wait3A_96 = arith.constant 0 : i32
        %dma_wait3A_97 = arith.constant 0 : i32
        %dma_wait3A_98 = tpu.memref_slice %arg7[%run_scoped3A_80, %dma_wait3A_96, %dma_wait3A_97] : memref<2x128x128xf32, #tpu.memory_space<vmem>> -> memref<1x128x128xf32, #tpu.memory_space<vmem>>
        %dma_wait3A_99 = tpu.memref_squeeze %dma_wait3A_98 : memref<1x128x128xf32, #tpu.memory_space<vmem>> -> memref<128x128xf32, #tpu.memory_space<vmem>>
        %dma_wait3A_100 = arith.constant 0 : i32
        %dma_wait3A_101 = tpu.memref_slice %arg5[%arg0, %add3A_79, %dma_wait3A_100] : memref<2x10240x128xf32, #tpu.memory_space<hbm>> -> memref<1x128x128xf32, #tpu.memory_space<hbm>>
        %dma_wait3A_102 = tpu.memref_squeeze %dma_wait3A_101 : memref<1x128x128xf32, #tpu.memory_space<hbm>> -> memref<128x128xf32, #tpu.memory_space<hbm>>
        %dma_wait3A_103 = arith.constant 0 : i32
        %dma_wait3A_104 = tpu.memref_slice %arg5[%arg0, %add3A_79, %dma_wait3A_103] : memref<2x10240x128xf32, #tpu.memory_space<hbm>> -> memref<1x128x128xf32, #tpu.memory_space<hbm>>
        %dma_wait3A_105 = tpu.memref_squeeze %dma_wait3A_104 : memref<1x128x128xf32, #tpu.memory_space<hbm>> -> memref<128x128xf32, #tpu.memory_space<hbm>>
        %dma_wait3A_106 = arith.constant 0 : i32
        %dma_wait3A_107 = arith.constant 0 : i32
        %dma_wait3A_108 = tpu.memref_slice %arg7[%run_scoped3A_80, %dma_wait3A_106, %dma_wait3A_107] : memref<2x128x128xf32, #tpu.memory_space<vmem>> -> memref<1x128x128xf32, #tpu.memory_space<vmem>>
        %dma_wait3A_109 = tpu.memref_squeeze %dma_wait3A_108 : memref<1x128x128xf32, #tpu.memory_space<vmem>> -> memref<128x128xf32, #tpu.memory_space<vmem>>
        tpu.wait_dma2 semaphore(%run_scoped3A_81 : memref<!tpu.dma_semaphore, #tpu.memory_space<semaphore_mem>>) src(%dma_wait3A_109 : memref<128x128xf32, #tpu.memory_space<vmem>>) dst(%dma_wait3A_105 : memref<128x128xf32, #tpu.memory_space<hbm>>)
        tpu.yield
      }) : () -> ()
    }
    %scan3A_73 = arith.constant 5 : i32
    return
  }
}

module attributes {stable_mosaic.version = 14 : i64} {
  func.func @_tc_first_body(%arg0: i32, %arg1: memref<1000x128xf32, #tpu.memory_space<vmem>>, %arg2: memref<2x2x1000x1xf32, #tpu.memory_space<vmem>>, %arg3: memref<128x128xf32, #tpu.memory_space<vmem>>, %arg4: memref<1000x128xf32, #tpu.memory_space<vmem>>) attributes {dimension_semantics = [#tpu.dimension_semantics<arbitrary>], iteration_bounds = array<i64: 10>, scalar_prefetch = 0 : i64, scratch_operands = 0 : i64, tpu.core_type = #tpu.core_type<tc>, window_params = [{transform_indices = @transform_0, window_bounds = array<i64: 1000, 128>}, {transform_indices = @transform_1, window_bounds = array<i64: 2, 2, 1000, 1>}, {pipeline_mode = #tpu.pipeline_mode<synchronous>, transform_indices = @transform_2, window_bounds = array<i64: 128, 128>}, {transform_indices = @transform_3, window_bounds = array<i64: 1000, 128>}]} {
    %get3A = arith.constant 0 : index
    %get3A_0 = arith.constant 0 : index
    %get3A_1 = arith.constant 0 : index
    %get3A_2 = arith.constant 0 : index
    %get3A_3 = vector.load %arg2[%get3A, %get3A_0, %get3A_1, %get3A_2] : memref<2x2x1000x1xf32, #tpu.memory_space<vmem>>, vector<1x1x1000x1xf32>
    %get3A_4 = vector.shape_cast %get3A_3 : vector<1x1x1000x1xf32> to vector<1000x1xf32>
    %get3A_5 = arith.constant 1 : index
    %get3A_6 = arith.constant 0 : index
    %get3A_7 = arith.constant 0 : index
    %get3A_8 = arith.constant 0 : index
    %get3A_9 = vector.load %arg2[%get3A_5, %get3A_6, %get3A_7, %get3A_8] : memref<2x2x1000x1xf32, #tpu.memory_space<vmem>>, vector<1x1x1000x1xf32>
    %get3A_10 = vector.shape_cast %get3A_9 : vector<1x1x1000x1xf32> to vector<1000x1xf32>
    %add3A = arith.addf %get3A_4, %get3A_10 : vector<1000x1xf32>
    %jit3A = arith.constant 1.000000e+00 : f32
    %max3A = vector.broadcast %jit3A : f32 to vector<1000x1xf32>
    %max3A_11 = arith.maximumf %max3A, %add3A : vector<1000x1xf32>
    %rsqrt3A = math.rsqrt %max3A_11 : vector<1000x1xf32>
    %get3A_12 = arith.constant 0 : index
    %get3A_13 = arith.constant 0 : index
    %get3A_14 = vector.load %arg1[%get3A_12, %get3A_13] : memref<1000x128xf32, #tpu.memory_space<vmem>>, vector<1000x128xf32>
    %get3A_15 = arith.constant 0 : index
    %get3A_16 = arith.constant 0 : index
    %get3A_17 = vector.load %arg3[%get3A_15, %get3A_16] : memref<128x128xf32, #tpu.memory_space<vmem>>, vector<128x128xf32>
    %dot_general3A = arith.constant dense<0.000000e+00> : vector<1000x128xf32>
    %dot_general3A_18 = tpu.matmul %get3A_14, %get3A_17, %dot_general3A {dimension_numbers = #tpu.dot_dimension_numbers<[1], [0], [0], [1], [0, 0, 1, 1], [], []>, transpose_lhs_hint = false} : vector<1000x128xf32>, vector<128x128xf32>, vector<1000x128xf32> -> vector<1000x128xf32>
    %mul3A = vector.broadcast %rsqrt3A : vector<1000x1xf32> to vector<1000x128xf32>
    %mul3A_19 = arith.mulf %dot_general3A_18, %mul3A : vector<1000x128xf32>
    %swap3A = arith.constant 0 : index
    %swap3A_20 = arith.constant 0 : index
    %swap3A_21 = vector.load %arg4[%swap3A, %swap3A_20] : memref<1000x128xf32, #tpu.memory_space<vmem>>, vector<1000x128xf32>
    tpu.vector_store %arg4[%swap3A, %swap3A_20], %mul3A_19 {strides = array<i32>} : memref<1000x128xf32, #tpu.memory_space<vmem>>, vector<1000x128xf32>,
    return
  }
  func.func @transform_0(%arg0: i32) -> (i32, i32) {
    %c0_i32 = arith.constant 0 : i32
    %c0_i32_0 = arith.constant 0 : i32
    return %arg0, %c0_i32 : i32, i32
  }
  func.func @transform_1(%arg0: i32) -> (i32, i32, i32, i32) {
    %c0_i32 = arith.constant 0 : i32
    %c0_i32_0 = arith.constant 0 : i32
    %c0_i32_1 = arith.constant 0 : i32
    %c0_i32_2 = arith.constant 0 : i32
    return %c0_i32, %c0_i32_0, %arg0, %c0_i32_1 : i32, i32, i32, i32
  }
  func.func @transform_2(%arg0: i32) -> (i32, i32) {
    %c0_i32 = arith.constant 0 : i32
    %c0_i32_0 = arith.constant 0 : i32
    %c0_i32_1 = arith.constant 0 : i32
    return %c0_i32, %c0_i32_0 : i32, i32
  }
  func.func @transform_3(%arg0: i32) -> (i32, i32) {
    %c0_i32 = arith.constant 0 : i32
    %c0_i32_0 = arith.constant 0 : i32
    return %arg0, %c0_i32 : i32, i32
  }
}

module attributes {stable_mosaic.version = 14 : i64} {
  func.func @_tc_mid_body(%arg0: i32, %arg1: memref<2x1000x128xf32, #tpu.memory_space<vmem>>, %arg2: memref<2x2x1000x1xf32, #tpu.memory_space<vmem>>, %arg3: memref<1x128xf32, #tpu.memory_space<vmem>>, %arg4: memref<128x128xf32, #tpu.memory_space<vmem>>, %arg5: memref<1000x128xf32, #tpu.memory_space<vmem>>) attributes {dimension_semantics = [#tpu.dimension_semantics<arbitrary>], iteration_bounds = array<i64: 10>, scalar_prefetch = 0 : i64, scratch_operands = 0 : i64, tpu.core_type = #tpu.core_type<tc>, window_params = [{transform_indices = @transform_0, window_bounds = array<i64: 2, 1000, 128>}, {transform_indices = @transform_1, window_bounds = array<i64: 2, 2, 1000, 1>}, {pipeline_mode = #tpu.pipeline_mode<synchronous>, transform_indices = @transform_2, window_bounds = array<i64: 1, 128>}, {pipeline_mode = #tpu.pipeline_mode<synchronous>, transform_indices = @transform_3, window_bounds = array<i64: 128, 128>}, {transform_indices = @transform_4, window_bounds = array<i64: 1000, 128>}]} {
    %get3A = arith.constant 0 : index
    %get3A_0 = arith.constant 0 : index
    %get3A_1 = arith.constant 0 : index
    %get3A_2 = arith.constant 0 : index
    %get3A_3 = vector.load %arg2[%get3A, %get3A_0, %get3A_1, %get3A_2] : memref<2x2x1000x1xf32, #tpu.memory_space<vmem>>, vector<1x1x1000x1xf32>
    %get3A_4 = vector.shape_cast %get3A_3 : vector<1x1x1000x1xf32> to vector<1000x1xf32>
    %get3A_5 = arith.constant 1 : index
    %get3A_6 = arith.constant 0 : index
    %get3A_7 = arith.constant 0 : index
    %get3A_8 = arith.constant 0 : index
    %get3A_9 = vector.load %arg2[%get3A_5, %get3A_6, %get3A_7, %get3A_8] : memref<2x2x1000x1xf32, #tpu.memory_space<vmem>>, vector<1x1x1000x1xf32>
    %get3A_10 = vector.shape_cast %get3A_9 : vector<1x1x1000x1xf32> to vector<1000x1xf32>
    %add3A = arith.addf %get3A_4, %get3A_10 : vector<1000x1xf32>
    %jit3A = arith.constant 1.000000e+00 : f32
    %max3A = vector.broadcast %jit3A : f32 to vector<1000x1xf32>
    %max3A_11 = arith.maximumf %max3A, %add3A : vector<1000x1xf32>
    %rsqrt3A = math.rsqrt %max3A_11 : vector<1000x1xf32>
    %get3A_12 = arith.constant 0 : index
    %get3A_13 = arith.constant 1 : index
    %get3A_14 = arith.constant 0 : index
    %get3A_15 = arith.constant 0 : index
    %get3A_16 = vector.load %arg2[%get3A_12, %get3A_13, %get3A_14, %get3A_15] : memref<2x2x1000x1xf32, #tpu.memory_space<vmem>>, vector<1x1x1000x1xf32>
    %get3A_17 = vector.shape_cast %get3A_16 : vector<1x1x1000x1xf32> to vector<1000x1xf32>
    %get3A_18 = arith.constant 1 : index
    %get3A_19 = arith.constant 1 : index
    %get3A_20 = arith.constant 0 : index
    %get3A_21 = arith.constant 0 : index
    %get3A_22 = vector.load %arg2[%get3A_18, %get3A_19, %get3A_20, %get3A_21] : memref<2x2x1000x1xf32, #tpu.memory_space<vmem>>, vector<1x1x1000x1xf32>
    %get3A_23 = vector.shape_cast %get3A_22 : vector<1x1x1000x1xf32> to vector<1000x1xf32>
    %add3A_24 = arith.addf %get3A_17, %get3A_23 : vector<1000x1xf32>
    %jit3A_25 = arith.constant 1.000000e+00 : f32
    %max3A_26 = vector.broadcast %jit3A_25 : f32 to vector<1000x1xf32>
    %max3A_27 = arith.maximumf %max3A_26, %add3A_24 : vector<1000x1xf32>
    %rsqrt3A_28 = math.rsqrt %max3A_27 : vector<1000x1xf32>
    %get3A_29 = arith.constant 0 : index
    %get3A_30 = arith.constant 0 : index
    %get3A_31 = arith.constant 0 : index
    %get3A_32 = vector.load %arg1[%get3A_29, %get3A_30, %get3A_31] : memref<2x1000x128xf32, #tpu.memory_space<vmem>>, vector<1x1000x128xf32>
    %get3A_33 = vector.shape_cast %get3A_32 : vector<1x1000x128xf32> to vector<1000x128xf32>
    %get3A_34 = arith.constant 1 : index
    %get3A_35 = arith.constant 0 : index
    %get3A_36 = arith.constant 0 : index
    %get3A_37 = vector.load %arg1[%get3A_34, %get3A_35, %get3A_36] : memref<2x1000x128xf32, #tpu.memory_space<vmem>>, vector<1x1000x128xf32>
    %get3A_38 = vector.shape_cast %get3A_37 : vector<1x1000x128xf32> to vector<1000x128xf32>
    %add3A_39 = arith.addf %get3A_33, %get3A_38 : vector<1000x128xf32>
    %mul3A = vector.broadcast %rsqrt3A_28 : vector<1000x1xf32> to vector<1000x128xf32>
    %mul3A_40 = arith.mulf %add3A_39, %mul3A : vector<1000x128xf32>
    %get3A_41 = arith.constant 0 : index
    %get3A_42 = arith.constant 0 : index
    %get3A_43 = vector.load %arg3[%get3A_41, %get3A_42] : memref<1x128xf32, #tpu.memory_space<vmem>>, vector<1x128xf32>
    %add3A_44 = vector.broadcast %get3A_43 : vector<1x128xf32> to vector<1000x128xf32>
    %add3A_45 = arith.addf %mul3A_40, %add3A_44 : vector<1000x128xf32>
    %max3A_46 = arith.constant 0.000000e+00 : f32
    %max3A_47 = vector.broadcast %max3A_46 : f32 to vector<1000x128xf32>
    %max3A_48 = arith.maximumf %add3A_45, %max3A_47 : vector<1000x128xf32>
    %get3A_49 = arith.constant 0 : index
    %get3A_50 = arith.constant 0 : index
    %get3A_51 = vector.load %arg4[%get3A_49, %get3A_50] : memref<128x128xf32, #tpu.memory_space<vmem>>, vector<128x128xf32>
    %dot_general3A = arith.constant dense<0.000000e+00> : vector<1000x128xf32>
    %dot_general3A_52 = tpu.matmul %max3A_48, %get3A_51, %dot_general3A {dimension_numbers = #tpu.dot_dimension_numbers<[1], [0], [0], [1], [0, 0, 1, 1], [], []>, transpose_lhs_hint = false} : vector<1000x128xf32>, vector<128x128xf32>, vector<1000x128xf32> -> vector<1000x128xf32>
    %mul3A_53 = vector.broadcast %rsqrt3A : vector<1000x1xf32> to vector<1000x128xf32>
    %mul3A_54 = arith.mulf %dot_general3A_52, %mul3A_53 : vector<1000x128xf32>
    %swap3A = arith.constant 0 : index
    %swap3A_55 = arith.constant 0 : index
    %swap3A_56 = vector.load %arg5[%swap3A, %swap3A_55] : memref<1000x128xf32, #tpu.memory_space<vmem>>, vector<1000x128xf32>
    tpu.vector_store %arg5[%swap3A, %swap3A_55], %mul3A_54 {strides = array<i32>} : memref<1000x128xf32, #tpu.memory_space<vmem>>, vector<1000x128xf32>,
    return
  }
  func.func @transform_0(%arg0: i32) -> (i32, i32, i32) {
    %c0_i32 = arith.constant 0 : i32
    %c0_i32_0 = arith.constant 0 : i32
    %c0_i32_1 = arith.constant 0 : i32
    return %c0_i32, %arg0, %c0_i32_0 : i32, i32, i32
  }
  func.func @transform_1(%arg0: i32) -> (i32, i32, i32, i32) {
    %c0_i32 = arith.constant 0 : i32
    %c0_i32_0 = arith.constant 0 : i32
    %c0_i32_1 = arith.constant 0 : i32
    %c0_i32_2 = arith.constant 0 : i32
    return %c0_i32, %c0_i32_0, %arg0, %c0_i32_1 : i32, i32, i32, i32
  }
  func.func @transform_2(%arg0: i32) -> (i32, i32) {
    %c0_i32 = arith.constant 0 : i32
    %c0_i32_0 = arith.constant 0 : i32
    %c0_i32_1 = arith.constant 0 : i32
    return %c0_i32, %c0_i32_0 : i32, i32
  }
  func.func @transform_3(%arg0: i32) -> (i32, i32) {
    %c0_i32 = arith.constant 0 : i32
    %c0_i32_0 = arith.constant 0 : i32
    %c0_i32_1 = arith.constant 0 : i32
    return %c0_i32, %c0_i32_0 : i32, i32
  }
  func.func @transform_4(%arg0: i32) -> (i32, i32) {
    %c0_i32 = arith.constant 0 : i32
    %c0_i32_0 = arith.constant 0 : i32
    return %arg0, %c0_i32 : i32, i32
  }
}

module attributes {stable_mosaic.version = 14 : i64} {
  func.func @_tc_final_body(%arg0: i32, %arg1: memref<2x1000x128xf32, #tpu.memory_space<vmem>>, %arg2: memref<2x2x1000x1xf32, #tpu.memory_space<vmem>>, %arg3: memref<1x128xf32, #tpu.memory_space<vmem>>, %arg4: memref<1000x128xf32, #tpu.memory_space<vmem>>) attributes {dimension_semantics = [#tpu.dimension_semantics<arbitrary>], iteration_bounds = array<i64: 10>, scalar_prefetch = 0 : i64, scratch_operands = 0 : i64, tpu.core_type = #tpu.core_type<tc>, window_params = [{transform_indices = @transform_0, window_bounds = array<i64: 2, 1000, 128>}, {transform_indices = @transform_1, window_bounds = array<i64: 2, 2, 1000, 1>}, {pipeline_mode = #tpu.pipeline_mode<synchronous>, transform_indices = @transform_2, window_bounds = array<i64: 1, 128>}, {transform_indices = @transform_3, window_bounds = array<i64: 1000, 128>}]} {
    %get3A = arith.constant 0 : index
    %get3A_0 = arith.constant 1 : index
    %get3A_1 = arith.constant 0 : index
    %get3A_2 = arith.constant 0 : index
    %get3A_3 = vector.load %arg2[%get3A, %get3A_0, %get3A_1, %get3A_2] : memref<2x2x1000x1xf32, #tpu.memory_space<vmem>>, vector<1x1x1000x1xf32>
    %get3A_4 = vector.shape_cast %get3A_3 : vector<1x1x1000x1xf32> to vector<1000x1xf32>
    %get3A_5 = arith.constant 1 : index
    %get3A_6 = arith.constant 1 : index
    %get3A_7 = arith.constant 0 : index
    %get3A_8 = arith.constant 0 : index
    %get3A_9 = vector.load %arg2[%get3A_5, %get3A_6, %get3A_7, %get3A_8] : memref<2x2x1000x1xf32, #tpu.memory_space<vmem>>, vector<1x1x1000x1xf32>
    %get3A_10 = vector.shape_cast %get3A_9 : vector<1x1x1000x1xf32> to vector<1000x1xf32>
    %add3A = arith.addf %get3A_4, %get3A_10 : vector<1000x1xf32>
    %jit3A = arith.constant 1.000000e+00 : f32
    %max3A = vector.broadcast %jit3A : f32 to vector<1000x1xf32>
    %max3A_11 = arith.maximumf %max3A, %add3A : vector<1000x1xf32>
    %rsqrt3A = math.rsqrt %max3A_11 : vector<1000x1xf32>
    %get3A_12 = arith.constant 0 : index
    %get3A_13 = arith.constant 0 : index
    %get3A_14 = arith.constant 0 : index
    %get3A_15 = vector.load %arg1[%get3A_12, %get3A_13, %get3A_14] : memref<2x1000x128xf32, #tpu.memory_space<vmem>>, vector<1x1000x128xf32>
    %get3A_16 = vector.shape_cast %get3A_15 : vector<1x1000x128xf32> to vector<1000x128xf32>
    %get3A_17 = arith.constant 1 : index
    %get3A_18 = arith.constant 0 : index
    %get3A_19 = arith.constant 0 : index
    %get3A_20 = vector.load %arg1[%get3A_17, %get3A_18, %get3A_19] : memref<2x1000x128xf32, #tpu.memory_space<vmem>>, vector<1x1000x128xf32>
    %get3A_21 = vector.shape_cast %get3A_20 : vector<1x1000x128xf32> to vector<1000x128xf32>
    %add3A_22 = arith.addf %get3A_16, %get3A_21 : vector<1000x128xf32>
    %mul3A = vector.broadcast %rsqrt3A : vector<1000x1xf32> to vector<1000x128xf32>
    %mul3A_23 = arith.mulf %add3A_22, %mul3A : vector<1000x128xf32>
    %get3A_24 = arith.constant 0 : index
    %get3A_25 = arith.constant 0 : index
    %get3A_26 = vector.load %arg3[%get3A_24, %get3A_25] : memref<1x128xf32, #tpu.memory_space<vmem>>, vector<1x128xf32>
    %add3A_27 = vector.broadcast %get3A_26 : vector<1x128xf32> to vector<1000x128xf32>
    %add3A_28 = arith.addf %mul3A_23, %add3A_27 : vector<1000x128xf32>
    %swap3A = arith.constant 0 : index
    %swap3A_29 = arith.constant 0 : index
    %swap3A_30 = vector.load %arg4[%swap3A, %swap3A_29] : memref<1000x128xf32, #tpu.memory_space<vmem>>, vector<1000x128xf32>
    tpu.vector_store %arg4[%swap3A, %swap3A_29], %add3A_28 {strides = array<i32>} : memref<1000x128xf32, #tpu.memory_space<vmem>>, vector<1000x128xf32>,
    return
  }
  func.func @transform_0(%arg0: i32) -> (i32, i32, i32) {
    %c0_i32 = arith.constant 0 : i32
    %c0_i32_0 = arith.constant 0 : i32
    %c0_i32_1 = arith.constant 0 : i32
    return %c0_i32, %arg0, %c0_i32_0 : i32, i32, i32
  }
  func.func @transform_1(%arg0: i32) -> (i32, i32, i32, i32) {
    %c0_i32 = arith.constant 0 : i32
    %c0_i32_0 = arith.constant 0 : i32
    %c0_i32_1 = arith.constant 0 : i32
    %c0_i32_2 = arith.constant 0 : i32
    return %c0_i32, %c0_i32_0, %arg0, %c0_i32_1 : i32, i32, i32, i32
  }
  func.func @transform_2(%arg0: i32) -> (i32, i32) {
    %c0_i32 = arith.constant 0 : i32
    %c0_i32_0 = arith.constant 0 : i32
    %c0_i32_1 = arith.constant 0 : i32
    return %c0_i32, %c0_i32_0 : i32, i32
  }
  func.func @transform_3(%arg0: i32) -> (i32, i32) {
    %c0_i32 = arith.constant 0 : i32
    %c0_i32_0 = arith.constant 0 : i32
    return %arg0, %c0_i32 : i32, i32
  }
}

</mosaic_0001>

<sc_bundles>
// kernel: kernel.10.cloned.1.call-start
scs
__scs_entry_jumppad:
0x0: {  	(pc) =	sbr.rel $0x88, $3  }
0x1: {  	(tag) =	ssettag $0x0;
	lr =	simm.s32 $0x1  }
0x2: {  	[smem:$0x3F99] =	sst lr;
	_ =	strace $0xD0000000  }
0x3: {  	_ = 	snop  }
0x4: {  	_ = 	snop  }
0x5: {  	_ = 	snop  }
0x6: {  	_ = 	snop  }
0x7: {  	_ = 	snop  }
__scs_overlays_trampoline_lowered:
0x8: {  	[smem:$0x3FA8] =	sst s0  }
0x9: {  	[smem:$0x3FA9] =	sst s1  }
0xa: {  	[smem:$0x3FAA] =	sst s2  }
0xb: {  	[smem:$0x3FAB] =	sst s3  }
0xc: {  	[smem:$0x3FAC] =	sst s4  }
0xd: {  	[smem:$0x3FAD] =	sst s5  }
0xe: {  	[smem:$0x3FAE] =	sst s6  }
0xf: {  	[smem:$0x3FAF] =	sst s7  }
0x10: {  	[smem:$0x3FB0] =	sst s8  }
0x11: {  	[smem:$0x3FB1] =	sst s9;
	s0 =	simm.s32 @!p0 $0x0  }
0x12: {  	s1 =	sld [smem:$0x3F97];
	s0 =	simm.s32 @p0 $0x1  }
0x13: {  	[smem:$0x3FB2] =	sst s0;
	s0 =	simm.s32 @!p1 $0x0  }
0x14: {  	s2 =	sld [smem:$0x3F96];
	s0 =	simm.s32 @p1 $0x1  }
0x15: {  	[smem:$0x3FB3] =	sst s0;
	s0 =	simm.s32 @!p2 $0x0  }
0x16: {  	s3 =	sld [smem:$0x3FDB];
	s0 =	simm.s32 @p2 $0x1  }
0x17: {  	s4 =	simm.s32 $0x1BF5;
	[smem:$0x3FB5] =	sst s0  }
0x18: {  	s0 =	sld [smem:$0x3F98];
	_ =	swait.ge [sflag:s4], $0x0  }
0x19: {  	s7 =	sld [smem:$0x3F99]  }
0x1a: {  	s8 =	sadd.s32 $0xFFFFE003, lr  }
0x1b: {  	s9 =	sadd.s32 $0xFFFFFEF7, lr;
	s5 =	simm.s32 $0xFFFFFFFF;
	p2 =	slt.u32 s8, $0xFFFFF086  }
0x1c: {  	p1 =	slt.u32 s9, $0xF7A;
	s5 =	simm.s32 @!p2 $0x0  }
0x1d: {  	s5 =	simm.s32 @p1 $0x1;
	p0 =	seq.s32 s7, s2  }
0x1e: {  	s7 =	smul.u32 @!p0 $0xF7A, s2;
	p2 =	seq.s32 @!p0 s5, $0x0  }
0x1f: {  	s9 =	smul.u32 $0xF7A, s1;
	s8 =	simm.s32 @!p0 $0x1BF5;
	p2 =	por !p2, p0  }
0x20: {  	[sflag:s8] =	ssyncset.s32 @!p0 $0xFFFFF086;
	s6 =	sadd.s32 @!p0 s3, s7;
	s7 =	simm.s32 @!p0 $0x108  }
0x21: {  	s3 =	sadd.s32 s3, s9;
	s6 =	sadd.s32 @!p0 $0x88, s6;
	s7 =	simm.s32 @p2 $0x1082  }
0x22: {  	[simem:s7], [sflag:s8] =	dma.local @!p0 [hbm:s6], $0xF7A  }
0x23: {  	s9 =	sor.u32 $0xD0000000, s2;
	s6 =	simm.s32 $0x108;
	_ =	swait.ge @!p0 [sflag:s8], $0x0  }
0x24: {  	s3 =	sadd.s32 $0x88, s3;
	s6 =	simm.s32 @!p1 $0x1082;
	[sflag:s4] =	ssyncset.s32 $0xFFFFF086  }
0x25: {  	[simem:s6], [sflag:s4] =	dma.local [hbm:s3], $0xF7A  }
0x26: {  	[smem:$0x3F99] =	sst s1;
	(tag) =	ssettag s2;
	_ =	strace s9  }
0x27: {  	s1 =	sld [smem:$0x3FA9]  }
0x28: {  	s2 =	sld [smem:$0x3FAA]  }
0x29: {  	s4 =	sld [smem:$0x3FAC]  }
0x2a: {  	p0 =	seq.s32 s5, $0x0;
	s5 =	sld [smem:$0x3FAD]  }
0x2b: {  	s6 =	sld [smem:$0x3FAE]  }
0x2c: {  	s7 =	sld [smem:$0x3FAF]  }
0x2d: {  	s3 =	simm.s32 $0x108;
	s8 =	sld [smem:$0x3FB0]  }
0x2e: {  	s3 =	simm.s32 @!p0 $0x1082;
	s9 =	sld [smem:$0x3FB1]  }
0x2f: {  	lr =	sadd.s32 s0, s3;
	s0 =	sld [smem:$0x3FA8]  }
0x30: {  	s3 =	sld [smem:$0x3FAB]  }
0x31: {  	[smem:$0x3FB4] =	sst s10  }
0x32: {  	s10 =	sld [smem:$0x3FB2];
	_ =	sdelay $0x3  }
0x33: {  	p0 =	seq.s32 s10, $0x1;
	s10 =	sld [smem:$0x3FB4];
	_ =	sdelay $0x3  }
0x34: {  	[smem:$0x3FB4] =	sst s10  }
0x35: {  	s10 =	sld [smem:$0x3FB3];
	_ =	sdelay $0x3  }
0x36: {  	p1 =	seq.s32 s10, $0x1;
	s10 =	sld [smem:$0x3FB4];
	_ =	sdelay $0x3  }
0x37: {  	[smem:$0x3FB4] =	sst s10  }
0x38: {  	s10 =	sld [smem:$0x3FB5]  }
0x39: {  	_ = 	snop;
	(pc) =	sbr.ind lr, $3  }
0x3a: {  	_ = 	snop  }
0x3b: {  	_ = 	snop  }
0x3c: {  	p2 =	seq.s32 s10, $0x1;
	s10 =	sld [smem:$0x3FB4]  }
0x3d: {  	_ =	shalt  }
0x3e: {  	_ =	shalt  }
0x3f: {  	_ =	shalt  }
0x40: {  	_ =	shalt  }
0x41: {  	_ =	shalt  }
0x42: {  	_ =	shalt  }
0x43: {  	_ =	shalt  }
0x44: {  	_ =	shalt  }
0x45: {  	_ =	shalt  }
0x46: {  	_ =	shalt  }
0x47: {  	_ =	shalt  }
0x48: {  	_ =	shalt  }
0x49: {  	_ =	shalt  }
0x4a: {  	_ =	shalt  }
0x4b: {  	_ =	shalt  }
0x4c: {  	_ =	shalt  }
0x4d: {  	_ =	shalt  }
0x4e: {  	_ =	shalt  }
0x4f: {  	_ =	shalt  }
0x50: {  	_ =	shalt  }
0x51: {  	_ =	shalt  }
0x52: {  	_ =	shalt  }
0x53: {  	_ =	shalt  }
0x54: {  	_ =	shalt  }
0x55: {  	_ =	shalt  }
0x56: {  	_ =	shalt  }
0x57: {  	_ =	shalt  }
0x58: {  	_ =	shalt  }
0x59: {  	_ =	shalt  }
0x5a: {  	_ =	shalt  }
0x5b: {  	_ =	shalt  }
0x5c: {  	_ =	shalt  }
0x5d: {  	_ =	shalt  }
0x5e: {  	_ =	shalt  }
0x5f: {  	_ =	shalt  }
0x60: {  	_ =	shalt  }
0x61: {  	_ =	shalt  }
0x62: {  	_ =	shalt  }
0x63: {  	_ =	shalt  }
0x64: {  	_ =	shalt  }
0x65: {  	_ =	shalt  }
0x66: {  	_ =	shalt  }
0x67: {  	_ =	shalt  }
0x68: {  	_ =	shalt  }
0x69: {  	_ =	shalt  }
0x6a: {  	_ =	shalt  }
0x6b: {  	_ =	shalt  }
0x6c: {  	_ =	shalt  }
0x6d: {  	_ =	shalt  }
0x6e: {  	_ =	shalt  }
0x6f: {  	_ =	shalt  }
0x70: {  	_ =	shalt  }
0x71: {  	_ =	shalt  }
0x72: {  	_ =	shalt  }
0x73: {  	_ =	shalt  }
0x74: {  	_ =	shalt  }
0x75: {  	_ =	shalt  }
0x76: {  	_ =	shalt  }
0x77: {  	_ =	shalt  }
0x78: {  	_ =	shalt  }
0x79: {  	_ =	shalt  }
0x7a: {  	_ =	shalt  }
0x7b: {  	_ =	shalt  }
0x7c: {  	_ =	shalt  }
0x7d: {  	_ =	shalt  }
0x7e: {  	_ =	shalt  }
0x7f: {  	_ =	shalt  }
0x80: {  	_ =	shalt  }
0x81: {  	_ =	shalt  }
0x82: {  	_ =	shalt  }
0x83: {  	_ =	shalt  }
0x84: {  	_ =	shalt  }
0x85: {  	_ =	shalt  }
0x86: {  	_ =	shalt  }
0x87: {  	_ =	shalt  }
.Lfunc_end0:
.L_simem_size_0:
called_computation_lowered:
.L_overlay_start_0:
0x88: {  	s2 =	sld [smem:$0x3FD9]  }
0x89: {  	s3 =	sld [smem:$0x3FFE];
	_ =	sdelay $0x1  }
0x8a: {  	s1 =	srdreg.scid  }
0x8b: {  	s0 =	sand.u32 $0x1, s1  }
0x8c: {  	s17 =	sshll.u32 s0, $0xA;
	s2 =	sadd.s32 s3, s2  }
0x8d: {  	s2 =	sadd.s32 s2, s17  }
0x8e: {  	[smem:$0x3FC0] =	sst s2  }
0x8f: {  	_ = 	snop  }
0x90: {  	s2 =	sld [smem:$0x3FD0];
	(tm) =	ssettm $0x1  }
0x91: {  	s18 =	sld [smem:$0x3FFB];
	_ =	sdelay $0x3  }
0x92: {  	_ =	strace s18  }
0x93: {  	s3 =	sld [smem:$0x3FFC];
	_ =	sdelay $0x3  }
0x94: {  	_ =	strace s3  }
0x95: {  	s3 =	sld [smem:$0x3FFD];
	_ =	sdelay $0x3  }
0x96: {  	_ =	strace s3  }
0x97: {  	_ =	strace $0x8FFFFFFF  }
0x98: {  	s19 =	sld [smem:$0x3FDB];
	_ =	sdelay $0x1  }
0x99: {  	s4 =	simm.s32 $_scs_section_size  }
0x9a: {  	s5 =	simm.s32 $_size__tile_overlayer_lowered;
	s6 =	simm.s32 $_tile_overlayer_lowered  }
0x9b: {  	s22 =	simm.s32 $0x1BFF;
	s21 =	sshll.u32 s6, $0x1;
	s3 =	sadd.s32 s4, s19  }
0x9c: {  	s7 =	simm.s32 $0x0;
	s20 =	sshll.u32 s5, $0x1;
	s5 =	sadd.s32 s21, s3  }
0x9d: {  	[timem:s7], [sflag:s22] =	dma.local [hbm:s5], s20  }
0x9e: {  	_ =	swait.ge [sflag:s22], s20  }
0x9f: {  	s4 =	ssub.s32 $0x0, s20;
	[sflag:s22] =	ssyncset.done $0x0  }
0xa0: {  	[sflag:s22] =	ssyncadd.s32 s4;
	_ =	sdelay $0x1  }
0xa1: {  	s23 =	simm.s32 $0x1B8B  }
0xa2: {  	_ =	swait.ge [sflag:s23], $0x1  }
0xa3: {  	[sflag:s23] =	ssyncset.done $0x0  }
0xa4: {  	s25 =	simm.s32 $0x1B8E;
	s24 =	sld [smem:$0x3FFE];
	[sflag:s23] =	ssyncadd.s32 $0xFFFFFFFF  }
0xa5: {  	s26 =	simm.s32 $execute0_lowered;
	[smem:$0x3FD2] =	sst s25  }
0xa6: {  	s5 =	sshll.u32 s26, $0x1;
	_ =	strace $0x80000046;
	[dreg:$0x1] =	wrdreg $0xFFFFFFFF  }
0xa7: {  	s28 =	simm.s32 $_size_execute0_lowered;
	s3 =	sadd.s32 s3, s5;
	[dreg:$0x0] =	wrdreg $0x0  }
0xa8: {  	s5 =	sshll.u32 s28, $0x1;
	[dreg:$0x2] =	wrdreg s3  }
0xa9: {  	[dreg:$0x3] =	wrdreg s5  }
0xaa: {  	[dreg:$0x4] =	wrdreg $0xC0  }
0xab: {  	_ =	task [dreg:s7], $0x5FFFF  }
0xac: {  	[dreg:$0x1] =	wrdreg $0xFFFFFFFF  }
0xad: {  	[dreg:$0x0] =	wrdreg $0x60  }
0xae: {  	[dreg:$0x2] =	wrdreg s2  }
0xaf: {  	[dreg:$0x3] =	wrdreg s24  }
0xb0: {  	[dreg:$0x4] =	wrdreg $0xA5000  }
0xb1: {  	[dreg:$0x5] =	wrdreg $0x9  }
0xb2: {  	_ =	task.clear_ibuf [dreg:s7], $0x6FFFF;
	_ =	strace $0x90000046  }
0xb3: {  	s29 =	simm.s32 $0x9;
	_ =	strace $0x80000048  }
0xb4: {  	_ =	swait.ge [sflag:s29], $0x1  }
0xb5: {  	[sflag:s29] =	ssyncadd.s32 $0xFFFFFFFF  }
0xb6: {  	_ =	strace $0x90000048  }
0xb7: {  	_ =	sfence  }
0xb8: {  	s30 =	sld [smem:$0x0];
	_ =	sdelay $0x2  }
0xb9: {  	s31 =	sshll.u32 s1, $0xD;
	s1 =	sshrl.u32 s1, $0x2  }
0xba: {  	s3 =	sand.u32 $0x4000, s31;
	s1 =	sadd.s32 s1, s30  }
0xbb: {  	s0 =	sor.u32 s3, s0;
	s1 =	sshll.u32 s1, $0x11  }
0xbc: {  	s0 =	sor.u32 s1, s0  }
0xbd: {  	s0 =	sadd.s32 $0x8F2B, s0  }
0xbe: {  	[sflag:s0] =	ssyncadd.remote.s32 $0x1  }
0xbf: {  	_ =	sfence.sel $0xFFFF  }
0xc0: {  	[dreg:$0x0] =	wrdreg $0xFFFFFFFF;
	(pc) =	sbr.abs _section_cstart, $3  }
0xc1: {  	[dreg:$0x1] =	wrdreg $0xFFFFFFFF  }
0xc2: {  	_ =	task.clear_ibuf [dreg:s7], $0x2FFFF;
	_ =	strace $0x9FFFFFFF  }
0xc3: {  	(tm) =	ssettm $0x7FFFFFFF  }
tec
execute0_lowered:
.L_overlay_start_1:
0x0: {  	(tag) =	ssettag $0x1  }
0x1: {  	s4 =	rddreg [dreg:$0x0]  }
0x2: {  	s5 =	rddreg [dreg:$0x1]  }
0x3: {  	s0 =	srdreg.scid;
	s9 =	rddreg [dreg:$0x2];
	s2 =	simm.s32 $0x0  }
0x4: {  	s14 =	simm.s32 $0x1;
	s15 =	simm.s32 $0x2800;
	s16 =	simm.s32 $0x5000  }
0x5: {  	s17 =	simm.s32 $0x7800;
	s18 =	simm.s32 $0x100;
	s19 =	simm.s32 $0xA000  }
0x6: {  	s20 =	simm.s32 $0xA280;
	s3 =	sand.u32 $0x1, s0;
	s0 =	stileid.u32  }
0x7: {  	s21 =	simm.s32 $0x0;
	[smem:$0x7FF] =	sst s2;
	s7 =	smul.u32 $0x5000, s3  }
0x8: {  	s1 =	sshll.u32 s3, $0x4;
	s8 =	sshll.u32 s0, $0x7;
	s10 =	smul.u32 $0x500, s0  }
0x9: {  	s26 =	smul.u32 $0x14000, s0;
	s3 =	ssub.s32 $0x2, s3;
	s1 =	sor.u32 s0, s1  }
0xa: {  	s30 =	smul.u32 $0x1400, s0;
	s8 =	sand.u32 $0x380, s8;
	s1 =	sshrl.u32 s1, $0x3  }
0xb: {  	s28 =	sshrl.u32 s3, $0x1;
	s7 =	sadd.s32 s10, s7;
	s6 =	smul.u32 $0x14000, s1  }
0xc: {  	s29 =	sshrl.u32 s26, $0x2;
	s13 =	ssub.s32 s3, s28;
	s31 =	sshrl.u32 s30, $0x2  }
0xd: {  	s1 =	rddreg [dreg:$0x3];
	s7 =	sshrl.u32 s7, $0x3;
	s6 =	sor.u32 s8, s6  }
0xe: {  	_ =	strace $0x80000047;
	s12 =	sadd.s32 s7, s5;
	s6 =	sshrl.u32 s6, $0x3  }
0xf: {  	s7 =	sadd.s32 s31, s9;
	s8 =	sadd.s32 $0xCA00, s12;
	s11 =	sadd.s32 s6, s5  }
0x10: {  	s3 =	sadd.s32 s4, s6;
	s4 =	sadd.s32 s29, s9;
	s9 =	sadd.s32 s10, s9  }
0x11: {  	s10 =	sadd.s32 $0xCA10, s12;
	s12 =	simm.s32 $0x80;
	s5 =	sadd.s32 $0x2A00, s11  }
0x12: {  	v0 =	vimm.f32 $0.0e+00;
	v1 =	vimm.f32 $1.000000000e+00;
	s6 =	sadd.s32 $0x80, s4;
	s11 =	smax.u32 s13, $0x1;
	s13 =	simm.s32 $0x400  }
.LBB2_1:
0x13: {  	[tilespmem:s2], [sflag:$0x1] =	stream.strided.gather [hbm4b:s3+s12], $0x2800, s13, s12, $0x38;
	[tilespmem:$0xF500] =	vst v63  }
0x14: {  	_ =	swait.ge [sflag:s14], $0x2800  }
0x15: {  	[sflag:s14] =	ssyncset.done $0x0  }
0x16: {  	[sflag:s14] =	ssyncadd.s32 $0xFFFFD800  }
0x17: {  	[tilespmem:s15], [sflag:$0x1] =	stream.strided.gather [hbm4b:s5+s12], $0x2800, s13, s12, $0x38;
	[tilespmem:$0xF500] =	vst v63  }
0x18: {  	_ =	swait.ge [sflag:s14], $0x2800  }
0x19: {  	[sflag:s14] =	ssyncset.done $0x0  }
0x1a: {  	s22 =	simm.s32 $0x0;
	[sflag:s14] =	ssyncadd.s32 $0xFFFFD800  }
.LBB2_2:
0x1b: {  	p0 =	sne.s32 s22, $0x9FC0  }
.Ltmp0:
0x1c: {  	_ = 	snop;
	(pc) =	sbr.rel @p0 .LBB2_2-.Ltmp0, $4  }
0x1d: {  	_ = 	snop  }
0x1e: {  	s23 =	sshra.s32 s22, $0x2  }
0x1f: {  	[tilespmem:s23+$0x5000] =	vst v0  }
0x20: {  	s22 =	sadd.s32 $0x40, s22;
	[tilespmem:s23+$0x7800] =	vst v0  }
0x21: {  	s23 =	simm.s32 $0x0;
	s22 =	simm.s32 $0x40  }
.LBB2_4:
0x22: {  	p0 =	sne.s32 s22, $0x9FC0;
	v2 =	vld [tilespmem:s23+$0x0];
	_ =	sdelay $0x7  }
0x23: {  	[tilespmem:v2+s16+$0x0] =	vst.idx.add.f32.msk $0xffff, v1  }
0x24: {  	v2 =	vld [tilespmem:s23+$0x2800];
	_ =	sdelay $0x3  }
.Ltmp1:
0x25: {  	(pc) =	sbr.rel @p0 .LBB2_4-.Ltmp1, $2  }
0x26: {  	_ =	sdelay $0x2  }
0x27: {  	s23 =	sshra.s32 s22, $0x2;
	s22 =	sadd.s32 $0x40, s22;
	[tilespmem:v2+s17+$0x0] =	vst.idx.add.f32.msk $0xffff, v1  }
0x28: {  	v2 =	vld [tilespmem:s23+$0x0];
	_ =	sdelay $0x7  }
0x29: {  	[tilespmem:v2+s16+$0x0] =	vst.idx.add.f32.msk $0xffff, v1  }
0x2a: {  	v2 =	vld [tilespmem:s23+$0x2800];
	_ =	sdelay $0x7  }
0x2b: {  	[tilespmem:v2+s17+$0x0] =	vst.idx.add.f32.msk $0xffff, v1  }
0x2c: {  	[spmem:s4] =	stream.strided.scatter [tilespmem:s16], [sflag:$0x1], $0x2800, s18, s12, $0x38;
	[tilespmem:$0xF500] =	vst v63  }
0x2d: {  	_ =	swait.ge [sflag:s14], $0x2800  }
0x2e: {  	[sflag:s14] =	ssyncset.done $0x0  }
0x2f: {  	[sflag:s14] =	ssyncadd.s32 $0xFFFFD800  }
0x30: {  	[spmem:s6] =	stream.strided.scatter [tilespmem:s17], [sflag:$0x1], $0x2800, s18, s12, $0x38;
	[tilespmem:$0xF500] =	vst v63  }
0x31: {  	_ =	swait.ge [sflag:s14], $0x2800  }
0x32: {  	[sflag:s14] =	ssyncset.done $0x0  }
0x33: {  	[sflag:s14] =	ssyncadd.s32 $0xFFFFD800  }
0x34: {  	[bflag:$0x0] =	sbarrier.arrive $0xFFFF  }
0x35: {  	[tilespmem:$0xA280] =	vst v0  }
0x36: {  	[tilespmem:$0xA290] =	vst v0  }
0x37: {  	[tilespmem:$0xA2A0] =	vst v0  }
0x38: {  	[tilespmem:$0xA2B0] =	vst v0  }
0x39: {  	[tilespmem:$0xA2C0] =	vst v0  }
0x3a: {  	[tilespmem:$0xA2D0] =	vst v0  }
0x3b: {  	[tilespmem:$0xA2E0] =	vst v0  }
0x3c: {  	[tilespmem:$0xA2F0] =	vst v0  }
0x3d: {  	[tilespmem:$0xA300] =	vst v0  }
0x3e: {  	[tilespmem:$0xA310] =	vst v0  }
0x3f: {  	[tilespmem:$0xA320] =	vst v0  }
0x40: {  	[tilespmem:$0xA330] =	vst v0  }
0x41: {  	[tilespmem:$0xA340] =	vst v0  }
0x42: {  	[tilespmem:$0xA350] =	vst v0  }
0x43: {  	[tilespmem:$0xA360] =	vst v0  }
0x44: {  	[tilespmem:$0xA370] =	vst v0  }
0x45: {  	[tilespmem:$0xA380] =	vst v0  }
0x46: {  	[tilespmem:$0xA390] =	vst v0  }
0x47: {  	[tilespmem:$0xA3A0] =	vst v0  }
0x48: {  	[tilespmem:$0xA3B0] =	vst v0  }
0x49: {  	[tilespmem:$0xA3C0] =	vst v0  }
0x4a: {  	[tilespmem:$0xA3D0] =	vst v0  }
0x4b: {  	[tilespmem:$0xA3E0] =	vst v0  }
0x4c: {  	[tilespmem:$0xA3F0] =	vst v0  }
0x4d: {  	[tilespmem:$0xA400] =	vst v0  }
0x4e: {  	[tilespmem:$0xA410] =	vst v0  }
0x4f: {  	[tilespmem:$0xA420] =	vst v0  }
0x50: {  	[tilespmem:$0xA430] =	vst v0  }
0x51: {  	[tilespmem:$0xA440] =	vst v0  }
0x52: {  	[tilespmem:$0xA450] =	vst v0  }
0x53: {  	[tilespmem:$0xA460] =	vst v0  }
0x54: {  	[tilespmem:$0xA470] =	vst v0  }
0x55: {  	[tilespmem:$0xA480] =	vst v0  }
0x56: {  	[tilespmem:$0xA490] =	vst v0  }
0x57: {  	[tilespmem:$0xA4A0] =	vst v0  }
0x58: {  	[tilespmem:$0xA4B0] =	vst v0  }
0x59: {  	[tilespmem:$0xA4C0] =	vst v0  }
0x5a: {  	[tilespmem:$0xA4D0] =	vst v0  }
0x5b: {  	[tilespmem:$0xA4E0] =	vst v0  }
0x5c: {  	s22 =	simm.s32 $0x0;
	[tilespmem:$0xA4F0] =	vst v0  }
.LBB2_6:
0x5d: {  	s23 =	smul.u32 $0x14000, s22;
	_ =	sdelay $0x1  }
0x5e: {  	s23 =	sshra.s32 s23, $0x2  }
0x5f: {  	s23 =	sadd.s32 s23, s7  }
0x60: {  	[tilespmem:s19], [sflag:$0x1] =	stream.strided.gather [spmem:s23], $0x280, s18, s12, $0x38;
	[tilespmem:$0xF500] =	vst v63  }
0x61: {  	_ =	swait.ge [sflag:s14], $0x280  }
0x62: {  	[sflag:s14] =	ssyncset.done $0x0  }
0x63: {  	s23 =	simm.s32 $0x0;
	[sflag:s14] =	ssyncadd.s32 $0xFFFFFD80  }
0x64: {  	s24 =	simm.s32 $0x40;
	v2 =	vld [tilespmem:s23+$0xA000]  }
.LBB2_7:
0x65: {  	p0 =	sne.s32 s24, $0x9C0;
	v3 =	vld [tilespmem:s23+$0xA280];
	_ =	sdelay $0x2  }
.Ltmp2:
0x66: {  	(pc) =	sbr.rel @p0 .LBB2_7-.Ltmp2, $4  }
0x67: {  	_ = 	snop  }
0x68: {  	v3 =	vadd.f32 v2, v3  }
0x69: {  	s25 =	sshra.s32 s24, $0x2  }
0x6a: {  	s24 =	sadd.s32 $0x40, s24;
	v2 =	vld [tilespmem:s25+$0xA000];
	[tilespmem:s23+$0xA280] =	vst v3;
	s23 =	smov.u32 s25  }
0x6b: {  	v3 =	vld [tilespmem:s23+$0xA280]  }
0x6c: {  	s22 =	sadd.s32 $0x1, s22  }
0x6d: {  	p0 =	sne.s32 s22, $0x10  }
.Ltmp3:
0x6e: {  	_ = 	snop;
	(pc) =	sbr.rel @p0 .LBB2_6-.Ltmp3, $3  }
0x6f: {  	_ = 	snop  }
0x70: {  	v2 =	vadd.f32 v2, v3;
	_ =	sdelay $0x1  }
0x71: {  	[tilespmem:s23+$0xA280] =	vst v2  }
0x72: {  	[hbm4b:s8+s12] =	stream.strided.scatter [tilespmem:s20], [sflag:$0x1], $0x280, s18, s12, $0x38;
	[tilespmem:$0xF500] =	vst v63  }
0x73: {  	_ =	swait.ge [sflag:s14], $0x280  }
0x74: {  	[sflag:s14] =	ssyncset.done $0x0  }
0x75: {  	[sflag:s14] =	ssyncadd.s32 $0xFFFFFD80  }
0x76: {  	[tilespmem:$0xA280] =	vst v0  }
0x77: {  	[tilespmem:$0xA290] =	vst v0  }
0x78: {  	[tilespmem:$0xA2A0] =	vst v0  }
0x79: {  	[tilespmem:$0xA2B0] =	vst v0  }
0x7a: {  	[tilespmem:$0xA2C0] =	vst v0  }
0x7b: {  	[tilespmem:$0xA2D0] =	vst v0  }
0x7c: {  	[tilespmem:$0xA2E0] =	vst v0  }
0x7d: {  	[tilespmem:$0xA2F0] =	vst v0  }
0x7e: {  	[tilespmem:$0xA300] =	vst v0  }
0x7f: {  	[tilespmem:$0xA310] =	vst v0  }
0x80: {  	[tilespmem:$0xA320] =	vst v0  }
0x81: {  	[tilespmem:$0xA330] =	vst v0  }
0x82: {  	[tilespmem:$0xA340] =	vst v0  }
0x83: {  	[tilespmem:$0xA350] =	vst v0  }
0x84: {  	[tilespmem:$0xA360] =	vst v0  }
0x85: {  	[tilespmem:$0xA370] =	vst v0  }
0x86: {  	[tilespmem:$0xA380] =	vst v0  }
0x87: {  	[tilespmem:$0xA390] =	vst v0  }
0x88: {  	[tilespmem:$0xA3A0] =	vst v0  }
0x89: {  	[tilespmem:$0xA3B0] =	vst v0  }
0x8a: {  	[tilespmem:$0xA3C0] =	vst v0  }
0x8b: {  	[tilespmem:$0xA3D0] =	vst v0  }
0x8c: {  	[tilespmem:$0xA3E0] =	vst v0  }
0x8d: {  	[tilespmem:$0xA3F0] =	vst v0  }
0x8e: {  	[tilespmem:$0xA400] =	vst v0  }
0x8f: {  	[tilespmem:$0xA410] =	vst v0  }
0x90: {  	[tilespmem:$0xA420] =	vst v0  }
0x91: {  	[tilespmem:$0xA430] =	vst v0  }
0x92: {  	[tilespmem:$0xA440] =	vst v0  }
0x93: {  	[tilespmem:$0xA450] =	vst v0  }
0x94: {  	[tilespmem:$0xA460] =	vst v0  }
0x95: {  	[tilespmem:$0xA470] =	vst v0  }
0x96: {  	[tilespmem:$0xA480] =	vst v0  }
0x97: {  	[tilespmem:$0xA490] =	vst v0  }
0x98: {  	[tilespmem:$0xA4A0] =	vst v0  }
0x99: {  	[tilespmem:$0xA4B0] =	vst v0  }
0x9a: {  	[tilespmem:$0xA4C0] =	vst v0  }
0x9b: {  	[tilespmem:$0xA4D0] =	vst v0  }
0x9c: {  	[tilespmem:$0xA4E0] =	vst v0  }
0x9d: {  	s22 =	simm.s32 $0x0;
	[tilespmem:$0xA4F0] =	vst v0  }
.LBB2_10:
0x9e: {  	s23 =	smul.u32 $0x14000, s22;
	_ =	sdelay $0x1  }
0x9f: {  	s23 =	sshra.s32 s23, $0x2  }
0xa0: {  	s23 =	sadd.s32 s23, s9  }
0xa1: {  	s23 =	sadd.s32 $0x80, s23  }
0xa2: {  	[tilespmem:s19], [sflag:$0x1] =	stream.strided.gather [spmem:s23], $0x280, s18, s12, $0x38;
	[tilespmem:$0xF500] =	vst v63  }
0xa3: {  	_ =	swait.ge [sflag:s14], $0x280  }
0xa4: {  	[sflag:s14] =	ssyncset.done $0x0  }
0xa5: {  	s23 =	simm.s32 $0x0;
	[sflag:s14] =	ssyncadd.s32 $0xFFFFFD80  }
0xa6: {  	s24 =	simm.s32 $0x40;
	v2 =	vld [tilespmem:s23+$0xA000]  }
.LBB2_11:
0xa7: {  	p0 =	sne.s32 s24, $0x9C0;
	v3 =	vld [tilespmem:s23+$0xA280];
	_ =	sdelay $0x2  }
.Ltmp4:
0xa8: {  	(pc) =	sbr.rel @p0 .LBB2_11-.Ltmp4, $4  }
0xa9: {  	_ = 	snop  }
0xaa: {  	v3 =	vadd.f32 v2, v3  }
0xab: {  	s25 =	sshra.s32 s24, $0x2  }
0xac: {  	s24 =	sadd.s32 $0x40, s24;
	v2 =	vld [tilespmem:s25+$0xA000];
	[tilespmem:s23+$0xA280] =	vst v3;
	s23 =	smov.u32 s25  }
0xad: {  	v3 =	vld [tilespmem:s23+$0xA280]  }
0xae: {  	s22 =	sadd.s32 $0x1, s22  }
0xaf: {  	p0 =	sne.s32 s22, $0x10  }
.Ltmp5:
0xb0: {  	_ = 	snop;
	(pc) =	sbr.rel @p0 .LBB2_10-.Ltmp5, $3  }
0xb1: {  	_ = 	snop  }
0xb2: {  	v2 =	vadd.f32 v2, v3;
	_ =	sdelay $0x1  }
0xb3: {  	[tilespmem:s23+$0xA280] =	vst v2  }
0xb4: {  	s21 =	sadd.s32 $0x1, s21  }
0xb5: {  	p0 =	sne.s32 s21, s11  }
.Ltmp6:
0xb6: {  	_ = 	snop;
	(pc) =	sbr.rel @p0 .LBB2_1-.Ltmp6, $4  }
0xb7: {  	[hbm4b:s10+s12] =	stream.strided.scatter [tilespmem:s20], [sflag:$0x1], $0x280, s18, s12, $0x38;
	[tilespmem:$0xF500] =	vst v63  }
0xb8: {  	_ =	swait.ge [sflag:s14], $0x280  }
0xb9: {  	[sflag:s14] =	ssyncset.done $0x0  }
0xba: {  	[sflag:s14] =	ssyncadd.s32 $0xFFFFFD80  }
0xbb: {  	_ =	sfence.sel $0x180000  }
0xbc: {  	[bflag:$0x0] =	sbarrier.arrive $0xFFFF  }
0xbd: {  	p0 =	sne.s32 s0, $0x0;
	_ =	strace $0x90000047  }
0xbe: {  	s0 =	sadd.s32 @!p0 $0x100000, s1;
	[bflag:$0x2] =	sbarrier.arrive $0xFFFF  }
0xbf: {  	[sflag:s0] =	ssyncadd.tile.s32 @!p0 $0x1;
	_ =	shalt  }
.Lfunc_end2:
_tile_overlayer_lowered:
.L_overlay_start_2:
0xc0: {  	(tag) =	ssettag $0x2  }
0xc1: {  	s0 =	rddreg [dreg:$0x0];
	s2 =	stileid.u32  }
0xc2: {  	s1 =	rddreg [dreg:$0x1];
	p0 =	sne.s32 s2, $0x0  }
0xc3: {  	s3 =	rddreg [dreg:$0x2];
	[bflag:$0x3] =	sbarrier.arrive $0xFFFF;
	s2 =	simm.s32 @!p0 $0x1C01  }
0xc4: {  	[timem:s3], [sflag:s2] =	dma.local @!p0 [hbm:s0], s1  }
0xc5: {  	s0 =	simm.s32 @!p0 $0x1  }
0xc6: {  	_ =	swait.ge @!p0 [sflag:s0], s1  }
0xc7: {  	s1 =	ssub.s32 @!p0 $0x0, s1;
	[sflag:s0] =	ssyncset.done @!p0 $0x0  }
0xc8: {  	[sflag:s0] =	ssyncadd.s32 @!p0 s1  }
0xc9: {  	[bflag:$0x3] =	sbarrier.arrive $0xFFFF  }
0xca: {  	_ =	shalt  }

// kernel: kernel.13.cloned.1.call-start
scs
__scs_entry_jumppad:
0x0: {  	(pc) =	sbr.rel $0x88, $3  }
0x1: {  	(tag) =	ssettag $0x0;
	lr =	simm.s32 $0x1  }
0x2: {  	[smem:$0x3F99] =	sst lr;
	_ =	strace $0xD0000000  }
0x3: {  	_ = 	snop  }
0x4: {  	_ = 	snop  }
0x5: {  	_ = 	snop  }
0x6: {  	_ = 	snop  }
0x7: {  	_ = 	snop  }
__scs_overlays_trampoline_lowered:
0x8: {  	[smem:$0x3FA8] =	sst s0  }
0x9: {  	[smem:$0x3FA9] =	sst s1  }
0xa: {  	[smem:$0x3FAA] =	sst s2  }
0xb: {  	[smem:$0x3FAB] =	sst s3  }
0xc: {  	[smem:$0x3FAC] =	sst s4  }
0xd: {  	[smem:$0x3FAD] =	sst s5  }
0xe: {  	[smem:$0x3FAE] =	sst s6  }
0xf: {  	[smem:$0x3FAF] =	sst s7  }
0x10: {  	[smem:$0x3FB0] =	sst s8  }
0x11: {  	[smem:$0x3FB1] =	sst s9;
	s0 =	simm.s32 @!p0 $0x0  }
0x12: {  	s1 =	sld [smem:$0x3F97];
	s0 =	simm.s32 @p0 $0x1  }
0x13: {  	[smem:$0x3FB2] =	sst s0;
	s0 =	simm.s32 @!p1 $0x0  }
0x14: {  	s2 =	sld [smem:$0x3F96];
	s0 =	simm.s32 @p1 $0x1  }
0x15: {  	[smem:$0x3FB3] =	sst s0;
	s0 =	simm.s32 @!p2 $0x0  }
0x16: {  	s3 =	sld [smem:$0x3FDB];
	s0 =	simm.s32 @p2 $0x1  }
0x17: {  	s4 =	simm.s32 $0x1BF5;
	[smem:$0x3FB5] =	sst s0  }
0x18: {  	s0 =	sld [smem:$0x3F98];
	_ =	swait.ge [sflag:s4], $0x0  }
0x19: {  	s7 =	sld [smem:$0x3F99]  }
0x1a: {  	s8 =	sadd.s32 $0xFFFFE003, lr  }
0x1b: {  	s9 =	sadd.s32 $0xFFFFFEF7, lr;
	s5 =	simm.s32 $0xFFFFFFFF;
	p2 =	slt.u32 s8, $0xFFFFF086  }
0x1c: {  	p1 =	slt.u32 s9, $0xF7A;
	s5 =	simm.s32 @!p2 $0x0  }
0x1d: {  	s5 =	simm.s32 @p1 $0x1;
	p0 =	seq.s32 s7, s2  }
0x1e: {  	s7 =	smul.u32 @!p0 $0xF7A, s2;
	p2 =	seq.s32 @!p0 s5, $0x0  }
0x1f: {  	s9 =	smul.u32 $0xF7A, s1;
	s8 =	simm.s32 @!p0 $0x1BF5;
	p2 =	por !p2, p0  }
0x20: {  	[sflag:s8] =	ssyncset.s32 @!p0 $0xFFFFF086;
	s6 =	sadd.s32 @!p0 s3, s7;
	s7 =	simm.s32 @!p0 $0x108  }
0x21: {  	s3 =	sadd.s32 s3, s9;
	s6 =	sadd.s32 @!p0 $0x88, s6;
	s7 =	simm.s32 @p2 $0x1082  }
0x22: {  	[simem:s7], [sflag:s8] =	dma.local @!p0 [hbm:s6], $0xF7A  }
0x23: {  	s9 =	sor.u32 $0xD0000000, s2;
	s6 =	simm.s32 $0x108;
	_ =	swait.ge @!p0 [sflag:s8], $0x0  }
0x24: {  	s3 =	sadd.s32 $0x88, s3;
	s6 =	simm.s32 @!p1 $0x1082;
	[sflag:s4] =	ssyncset.s32 $0xFFFFF086  }
0x25: {  	[simem:s6], [sflag:s4] =	dma.local [hbm:s3], $0xF7A  }
0x26: {  	[smem:$0x3F99] =	sst s1;
	(tag) =	ssettag s2;
	_ =	strace s9  }
0x27: {  	s1 =	sld [smem:$0x3FA9]  }
0x28: {  	s2 =	sld [smem:$0x3FAA]  }
0x29: {  	s4 =	sld [smem:$0x3FAC]  }
0x2a: {  	p0 =	seq.s32 s5, $0x0;
	s5 =	sld [smem:$0x3FAD]  }
0x2b: {  	s6 =	sld [smem:$0x3FAE]  }
0x2c: {  	s7 =	sld [smem:$0x3FAF]  }
0x2d: {  	s3 =	simm.s32 $0x108;
	s8 =	sld [smem:$0x3FB0]  }
0x2e: {  	s3 =	simm.s32 @!p0 $0x1082;
	s9 =	sld [smem:$0x3FB1]  }
0x2f: {  	lr =	sadd.s32 s0, s3;
	s0 =	sld [smem:$0x3FA8]  }
0x30: {  	s3 =	sld [smem:$0x3FAB]  }
0x31: {  	[smem:$0x3FB4] =	sst s10  }
0x32: {  	s10 =	sld [smem:$0x3FB2];
	_ =	sdelay $0x3  }
0x33: {  	p0 =	seq.s32 s10, $0x1;
	s10 =	sld [smem:$0x3FB4];
	_ =	sdelay $0x3  }
0x34: {  	[smem:$0x3FB4] =	sst s10  }
0x35: {  	s10 =	sld [smem:$0x3FB3];
	_ =	sdelay $0x3  }
0x36: {  	p1 =	seq.s32 s10, $0x1;
	s10 =	sld [smem:$0x3FB4];
	_ =	sdelay $0x3  }
0x37: {  	[smem:$0x3FB4] =	sst s10  }
0x38: {  	s10 =	sld [smem:$0x3FB5]  }
0x39: {  	_ = 	snop;
	(pc) =	sbr.ind lr, $3  }
0x3a: {  	_ = 	snop  }
0x3b: {  	_ = 	snop  }
0x3c: {  	p2 =	seq.s32 s10, $0x1;
	s10 =	sld [smem:$0x3FB4]  }
0x3d: {  	_ =	shalt  }
0x3e: {  	_ =	shalt  }
0x3f: {  	_ =	shalt  }
0x40: {  	_ =	shalt  }
0x41: {  	_ =	shalt  }
0x42: {  	_ =	shalt  }
0x43: {  	_ =	shalt  }
0x44: {  	_ =	shalt  }
0x45: {  	_ =	shalt  }
0x46: {  	_ =	shalt  }
0x47: {  	_ =	shalt  }
0x48: {  	_ =	shalt  }
0x49: {  	_ =	shalt  }
0x4a: {  	_ =	shalt  }
0x4b: {  	_ =	shalt  }
0x4c: {  	_ =	shalt  }
0x4d: {  	_ =	shalt  }
0x4e: {  	_ =	shalt  }
0x4f: {  	_ =	shalt  }
0x50: {  	_ =	shalt  }
0x51: {  	_ =	shalt  }
0x52: {  	_ =	shalt  }
0x53: {  	_ =	shalt  }
0x54: {  	_ =	shalt  }
0x55: {  	_ =	shalt  }
0x56: {  	_ =	shalt  }
0x57: {  	_ =	shalt  }
0x58: {  	_ =	shalt  }
0x59: {  	_ =	shalt  }
0x5a: {  	_ =	shalt  }
0x5b: {  	_ =	shalt  }
0x5c: {  	_ =	shalt  }
0x5d: {  	_ =	shalt  }
0x5e: {  	_ =	shalt  }
0x5f: {  	_ =	shalt  }
0x60: {  	_ =	shalt  }
0x61: {  	_ =	shalt  }
0x62: {  	_ =	shalt  }
0x63: {  	_ =	shalt  }
0x64: {  	_ =	shalt  }
0x65: {  	_ =	shalt  }
0x66: {  	_ =	shalt  }
0x67: {  	_ =	shalt  }
0x68: {  	_ =	shalt  }
0x69: {  	_ =	shalt  }
0x6a: {  	_ =	shalt  }
0x6b: {  	_ =	shalt  }
0x6c: {  	_ =	shalt  }
0x6d: {  	_ =	shalt  }
0x6e: {  	_ =	shalt  }
0x6f: {  	_ =	shalt  }
0x70: {  	_ =	shalt  }
0x71: {  	_ =	shalt  }
0x72: {  	_ =	shalt  }
0x73: {  	_ =	shalt  }
0x74: {  	_ =	shalt  }
0x75: {  	_ =	shalt  }
0x76: {  	_ =	shalt  }
0x77: {  	_ =	shalt  }
0x78: {  	_ =	shalt  }
0x79: {  	_ =	shalt  }
0x7a: {  	_ =	shalt  }
0x7b: {  	_ =	shalt  }
0x7c: {  	_ =	shalt  }
0x7d: {  	_ =	shalt  }
0x7e: {  	_ =	shalt  }
0x7f: {  	_ =	shalt  }
0x80: {  	_ =	shalt  }
0x81: {  	_ =	shalt  }
0x82: {  	_ =	shalt  }
0x83: {  	_ =	shalt  }
0x84: {  	_ =	shalt  }
0x85: {  	_ =	shalt  }
0x86: {  	_ =	shalt  }
0x87: {  	_ =	shalt  }
.Lfunc_end0:
.L_simem_size_0:
called_computation.1_lowered:
.L_overlay_start_0:
0x88: {  	s2 =	sld [smem:$0x3FD9]  }
0x89: {  	s3 =	sld [smem:$0x3FFE];
	_ =	sdelay $0x1  }
0x8a: {  	s1 =	srdreg.scid  }
0x8b: {  	s0 =	sand.u32 $0x1, s1  }
0x8c: {  	s17 =	sshll.u32 s0, $0xA;
	s2 =	sadd.s32 s3, s2  }
0x8d: {  	s2 =	sadd.s32 s2, s17  }
0x8e: {  	[smem:$0x3FC0] =	sst s2  }
0x8f: {  	_ = 	snop  }
0x90: {  	s2 =	sld [smem:$0x3FD0];
	(tm) =	ssettm $0x1  }
0x91: {  	s18 =	sld [smem:$0x3FFB];
	_ =	sdelay $0x3  }
0x92: {  	_ =	strace s18  }
0x93: {  	s3 =	sld [smem:$0x3FFC];
	_ =	sdelay $0x3  }
0x94: {  	_ =	strace s3  }
0x95: {  	s3 =	sld [smem:$0x3FFD];
	_ =	sdelay $0x3  }
0x96: {  	_ =	strace s3  }
0x97: {  	_ =	strace $0x8FFFFFFF  }
0x98: {  	s19 =	sld [smem:$0x3FDB];
	_ =	sdelay $0x1  }
0x99: {  	s4 =	simm.s32 $_scs_section_size  }
0x9a: {  	s5 =	simm.s32 $_size__tile_overlayer_lowered;
	s6 =	simm.s32 $_tile_overlayer_lowered  }
0x9b: {  	s22 =	simm.s32 $0x1BFF;
	s21 =	sshll.u32 s6, $0x1;
	s3 =	sadd.s32 s4, s19  }
0x9c: {  	s7 =	simm.s32 $0x0;
	s20 =	sshll.u32 s5, $0x1;
	s5 =	sadd.s32 s21, s3  }
0x9d: {  	[timem:s7], [sflag:s22] =	dma.local [hbm:s5], s20  }
0x9e: {  	_ =	swait.ge [sflag:s22], s20  }
0x9f: {  	s4 =	ssub.s32 $0x0, s20;
	[sflag:s22] =	ssyncset.done $0x0  }
0xa0: {  	[sflag:s22] =	ssyncadd.s32 s4;
	_ =	sdelay $0x1  }
0xa1: {  	s23 =	simm.s32 $0x1B8B  }
0xa2: {  	_ =	swait.ge [sflag:s23], $0x1  }
0xa3: {  	[sflag:s23] =	ssyncset.done $0x0  }
0xa4: {  	s25 =	simm.s32 $0x1B8E;
	s24 =	sld [smem:$0x3FFE];
	[sflag:s23] =	ssyncadd.s32 $0xFFFFFFFF  }
0xa5: {  	s26 =	simm.s32 $execute0_lowered;
	[smem:$0x3FD2] =	sst s25  }
0xa6: {  	s5 =	sshll.u32 s26, $0x1;
	_ =	strace $0x80000049;
	[dreg:$0x1] =	wrdreg $0xFFFFFFFF  }
0xa7: {  	s28 =	simm.s32 $_size_execute0_lowered;
	s3 =	sadd.s32 s3, s5;
	[dreg:$0x0] =	wrdreg $0x0  }
0xa8: {  	s5 =	sshll.u32 s28, $0x1;
	[dreg:$0x2] =	wrdreg s3  }
0xa9: {  	[dreg:$0x3] =	wrdreg s5  }
0xaa: {  	[dreg:$0x4] =	wrdreg $0xC0  }
0xab: {  	_ =	task [dreg:s7], $0x5FFFF  }
0xac: {  	[dreg:$0x1] =	wrdreg $0xFFFFFFFF  }
0xad: {  	[dreg:$0x0] =	wrdreg $0x60  }
0xae: {  	[dreg:$0x2] =	wrdreg s2  }
0xaf: {  	[dreg:$0x3] =	wrdreg s24  }
0xb0: {  	[dreg:$0x4] =	wrdreg $0xA8000  }
0xb1: {  	[dreg:$0x5] =	wrdreg $0x9  }
0xb2: {  	_ =	task.clear_ibuf [dreg:s7], $0x6FFFF;
	_ =	strace $0x90000049  }
0xb3: {  	s29 =	simm.s32 $0x9;
	_ =	strace $0x8000004B  }
0xb4: {  	_ =	swait.ge [sflag:s29], $0x1  }
0xb5: {  	[sflag:s29] =	ssyncadd.s32 $0xFFFFFFFF  }
0xb6: {  	_ =	strace $0x9000004B  }
0xb7: {  	_ =	sfence  }
0xb8: {  	s30 =	sld [smem:$0x0];
	_ =	sdelay $0x2  }
0xb9: {  	s31 =	sshll.u32 s1, $0xD;
	s1 =	sshrl.u32 s1, $0x2  }
0xba: {  	s3 =	sand.u32 $0x4000, s31;
	s1 =	sadd.s32 s1, s30  }
0xbb: {  	s0 =	sor.u32 s3, s0;
	s1 =	sshll.u32 s1, $0x11  }
0xbc: {  	s0 =	sor.u32 s1, s0  }
0xbd: {  	s0 =	sadd.s32 $0x8F2B, s0  }
0xbe: {  	[sflag:s0] =	ssyncadd.remote.s32 $0x1  }
0xbf: {  	_ =	sfence.sel $0xFFFF  }
0xc0: {  	[dreg:$0x0] =	wrdreg $0xFFFFFFFF;
	(pc) =	sbr.abs _section_cstart, $3  }
0xc1: {  	[dreg:$0x1] =	wrdreg $0xFFFFFFFF  }
0xc2: {  	_ =	task.clear_ibuf [dreg:s7], $0x2FFFF;
	_ =	strace $0x9FFFFFFF  }
0xc3: {  	(tm) =	ssettm $0x7FFFFFFF  }
tec
execute0_lowered:
.L_overlay_start_1:
0x0: {  	(tag) =	ssettag $0x1  }
0x1: {  	s1 =	rddreg [dreg:$0x0]  }
0x2: {  	s0 =	srdreg.scid;
	s2 =	rddreg [dreg:$0x1]  }
0x3: {  	s12 =	stileid.u32;
	s3 =	rddreg [dreg:$0x2];
	s28 =	simm.s32 $0x2800  }
0x4: {  	s29 =	simm.s32 $0x80;
	s30 =	simm.s32 $0x1E800;
	s31 =	simm.s32 $0x6800  }
0x5: {  	s0 =	sand.u32 $0x1, s0;
	s10 =	smul.u32 $0x50000, s12;
	s6 =	sadd.s32 $0x17E00, s2  }
0x6: {  	s26 =	smul.u32 $0x14000, s12;
	s4 =	sshll.u32 s0, $0x4;
	s9 =	ssub.s32 $0x2, s0  }
0x7: {  	s0 =	smul.u32 $0x140000, s0;
	s5 =	sor.u32 s12, s4;
	s4 =	simm.s32 $0x0  }
0x8: {  	s11 =	sshrl.u32 s9, $0x1;
	s25 =	sshrl.u32 s10, $0x2;
	s17 =	sadd.s32 $0x4000, s26  }
0x9: {  	s23 =	sadd.s32 $0x8000, s26;
	s10 =	simm.s32 $0x2;
	s5 =	smul.u32 $0x2800, s5  }
0xa: {  	[smem:$0x7FF] =	sst s4;
	s11 =	ssub.s32 s9, s11;
	s20 =	sadd.s32 s0, s26  }
0xb: {  	s21 =	sadd.s32 s0, s17;
	s24 =	sadd.s32 s0, s23;
	s23 =	sadd.s32 s23, s3  }
0xc: {  	_ =	strace $0x8000004A;
	s14 =	smax.u32 s11, $0x1;
	s11 =	sshrl.u32 s20, $0x3  }
0xd: {  	s12 =	sshrl.u32 s21, $0x3;
	s7 =	sshrl.u32 s5, $0x3;
	[dreg:$0x6] =	wrdreg s14  }
0xe: {  	s8 =	sadd.s32 s7, s2;
	s2 =	sadd.s32 $0xC1E00, s2;
	s9 =	sadd.s32 s6, s7  }
0xf: {  	s7 =	sadd.s32 $0x10000, s26;
	s8 =	sadd.s32 $0xDE00, s8;
	s13 =	sadd.s32 $0x10, s9  }
0x10: {  	s11 =	sadd.s32 s2, s11;
	s22 =	sadd.s32 s2, s12;
	[dreg:$0x4] =	wrdreg s8  }
0x11: {  	s12 =	sshrl.u32 s24, $0x3;
	s18 =	smov.u32 s9;
	[dreg:$0x5] =	wrdreg s13  }
0x12: {  	s21 =	sadd.s32 $0x20, s9;
	s8 =	sadd.s32 s25, s3;
	[dreg:$0xb] =	wrdreg s11  }
0x13: {  	[dreg:$0xc] =	wrdreg s22;
	s25 =	sadd.s32 $0xC000, s26;
	s12 =	sadd.s32 s2, s12  }
0x14: {  	s22 =	sadd.s32 s17, s3;
	s11 =	simm.s32 $0x6;
	s15 =	sadd.s32 $0x4000, s8  }
0x15: {  	s16 =	sadd.s32 $0x8000, s8;
	s19 =	sadd.s32 $0xC000, s8;
	[dreg:$0xd] =	wrdreg s12  }
0x16: {  	s13 =	sadd.s32 $0x10000, s8;
	s14 =	sadd.s32 s0, s25;
	[dreg:$0x7] =	wrdreg s15  }
0x17: {  	s0 =	sadd.s32 s0, s7;
	s24 =	sadd.s32 s25, s3;
	[dreg:$0x8] =	wrdreg s16  }
.Ltmp0:
0x18: {  	s25 =	sadd.s32 s7, s3;
	[dreg:$0x9] =	wrdreg s19;
	(pc) =	sbr.rel .LBB2_1-.Ltmp0, $4  }
0x19: {  	s7 =	simm.s32 $0x5;
	s12 =	simm.s32 $0x3;
	[dreg:$0xa] =	wrdreg s13  }
0x1a: {  	s26 =	sshrl.u32 s14, $0x3;
	s0 =	sshrl.u32 s0, $0x3;
	s13 =	simm.s32 $0x4  }
0x1b: {  	s14 =	simm.s32 $0x0;
	s19 =	sadd.s32 s2, s26;
	s20 =	sadd.s32 s2, s0  }
0x1c: {  	v0 =	vimm.f32 $0.0e+00;
	s26 =	simm.s32 $0x7;
	s2 =	simm.s32 $0x1E880;
	s0 =	simm.s32 $0x1  }
.LBB2_6:
0x1d: {  	_ =	swait.ge [sflag:s12], $0x4000  }
0x1e: {  	[sflag:s12] =	ssyncset.done $0x0  }
0x1f: {  	[sflag:s12] =	ssyncadd.s32 $0xFFFFC000  }
0x20: {  	_ =	swait.ge [sflag:s13], $0x4000  }
0x21: {  	[sflag:s13] =	ssyncset.done $0x0  }
0x22: {  	[sflag:s13] =	ssyncadd.s32 $0xFFFFC000  }
0x23: {  	[bflag:$0x0] =	sbarrier.arrive $0xFFFF  }
0x24: {  	[tilespmem:s28], [sflag:$0x7] =	stream.linear.gather [spmem:s8], $0x4000, $0x38;
	[tilespmem:$0x1E900] =	vst v63  }
0x25: {  	_ =	swait.ge [sflag:s26], $0x4000  }
0x26: {  	[sflag:s26] =	ssyncset.done $0x0  }
0x27: {  	s9 =	rddreg [dreg:$0xb];
	[sflag:s26] =	ssyncadd.s32 $0xFFFFC000  }
0x28: {  	[hbm4b:s9+s4] =	stream.linear.scatter [tilespmem:s28], [sflag:$0x7], $0x4000, $0x38;
	[tilespmem:$0x1E900] =	vst v63  }
0x29: {  	_ =	swait.ge [sflag:s26], $0x4000  }
0x2a: {  	[sflag:s26] =	ssyncset.done $0x0  }
0x2b: {  	[sflag:s26] =	ssyncadd.s32 $0xFFFFC000  }
0x2c: {  	[tilespmem:s28], [sflag:$0x7] =	stream.linear.gather [spmem:s22], $0x4000, $0x38;
	[tilespmem:$0x1E900] =	vst v63  }
0x2d: {  	_ =	swait.ge [sflag:s26], $0x4000  }
0x2e: {  	[sflag:s26] =	ssyncset.done $0x0  }
0x2f: {  	s15 =	rddreg [dreg:$0xc];
	[sflag:s26] =	ssyncadd.s32 $0xFFFFC000  }
0x30: {  	[hbm4b:s15+s4] =	stream.linear.scatter [tilespmem:s28], [sflag:$0x7], $0x4000, $0x38;
	[tilespmem:$0x1E900] =	vst v63  }
0x31: {  	_ =	swait.ge [sflag:s26], $0x4000  }
0x32: {  	[sflag:s26] =	ssyncset.done $0x0  }
0x33: {  	[sflag:s26] =	ssyncadd.s32 $0xFFFFC000  }
0x34: {  	[tilespmem:s28], [sflag:$0x7] =	stream.linear.gather [spmem:s23], $0x4000, $0x38;
	[tilespmem:$0x1E900] =	vst v63  }
0x35: {  	_ =	swait.ge [sflag:s26], $0x4000  }
0x36: {  	[sflag:s26] =	ssyncset.done $0x0  }
0x37: {  	s16 =	rddreg [dreg:$0xd];
	[sflag:s26] =	ssyncadd.s32 $0xFFFFC000  }
0x38: {  	[hbm4b:s16+s4] =	stream.linear.scatter [tilespmem:s28], [sflag:$0x7], $0x4000, $0x38;
	[tilespmem:$0x1E900] =	vst v63  }
0x39: {  	_ =	swait.ge [sflag:s26], $0x4000  }
0x3a: {  	[sflag:s26] =	ssyncset.done $0x0  }
0x3b: {  	[sflag:s26] =	ssyncadd.s32 $0xFFFFC000  }
0x3c: {  	[tilespmem:s28], [sflag:$0x7] =	stream.linear.gather [spmem:s24], $0x4000, $0x38;
	[tilespmem:$0x1E900] =	vst v63  }
0x3d: {  	_ =	swait.ge [sflag:s26], $0x4000  }
0x3e: {  	[sflag:s26] =	ssyncset.done $0x0  }
0x3f: {  	[sflag:s26] =	ssyncadd.s32 $0xFFFFC000  }
0x40: {  	[hbm4b:s19+s4] =	stream.linear.scatter [tilespmem:s28], [sflag:$0x7], $0x4000, $0x38;
	[tilespmem:$0x1E900] =	vst v63  }
0x41: {  	_ =	swait.ge [sflag:s26], $0x4000  }
0x42: {  	[sflag:s26] =	ssyncset.done $0x0  }
0x43: {  	[sflag:s26] =	ssyncadd.s32 $0xFFFFC000  }
0x44: {  	[tilespmem:s28], [sflag:$0x7] =	stream.linear.gather [spmem:s25], $0x4000, $0x38;
	[tilespmem:$0x1E900] =	vst v63  }
0x45: {  	_ =	swait.ge [sflag:s26], $0x4000  }
0x46: {  	[sflag:s26] =	ssyncset.done $0x0  }
0x47: {  	[sflag:s26] =	ssyncadd.s32 $0xFFFFC000  }
0x48: {  	[hbm4b:s20+s4] =	stream.linear.scatter [tilespmem:s28], [sflag:$0x7], $0x4000, $0x38;
	[tilespmem:$0x1E900] =	vst v63  }
0x49: {  	_ =	swait.ge [sflag:s26], $0x4000  }
0x4a: {  	s14 =	sadd.s32 $0x1, s14;
	s17 =	rddreg [dreg:$0x6]  }
0x4b: {  	p0 =	sne.s32 s14, s17  }
.Ltmp1:
0x4c: {  	_ = 	snop;
	(pc) =	sbr.rel @!p0 .LBB2_7-.Ltmp1, $3  }
0x4d: {  	_ =	sdelay $0x1  }
0x4e: {  	[sflag:s26] =	ssyncset.done $0x0  }
0x4f: {  	[sflag:s26] =	ssyncadd.s32 $0xFFFFC000  }
.LBB2_1:
0x50: {  	s9 =	rddreg [dreg:$0x4]  }
0x51: {  	[tilespmem:s4], [sflag:$0x7] =	stream.linear.gather [hbm4b:s9+s4], $0x2800, $0x38;
	[tilespmem:$0x1E900] =	vst v63  }
0x52: {  	_ =	swait.ge [sflag:s26], $0x2800  }
0x53: {  	[sflag:s26] =	ssyncset.done $0x0  }
0x54: {  	s15 =	simm.s32 $0x0;
	s16 =	simm.s32 $0x200;
	[sflag:s26] =	ssyncadd.s32 $0xFFFFD800  }
.LBB2_2:
0x55: {  	p0 =	sne.s32 s16, $0xFE00;
	[tilespmem:s15+$0x2870] =	vst v0  }
0x56: {  	[tilespmem:s15+$0x2800] =	vst v0  }
0x57: {  	[tilespmem:s15+$0x2810] =	vst v0  }
.Ltmp2:
0x58: {  	[tilespmem:s15+$0x2820] =	vst v0;
	(pc) =	sbr.rel @p0 .LBB2_2-.Ltmp2, $4  }
0x59: {  	[tilespmem:s15+$0x2830] =	vst v0  }
0x5a: {  	[tilespmem:s15+$0x2840] =	vst v0  }
0x5b: {  	[tilespmem:s15+$0x2850] =	vst v0  }
0x5c: {  	[tilespmem:s15+$0x2860] =	vst v0;
	s15 =	sshra.s32 s16, $0x2;
	s16 =	sadd.s32 $0x200, s16  }
0x5d: {  	[tilespmem:s15+$0x2870] =	vst v0  }
0x5e: {  	[tilespmem:s15+$0x2800] =	vst v0  }
0x5f: {  	[tilespmem:s15+$0x2810] =	vst v0  }
0x60: {  	[tilespmem:s15+$0x2820] =	vst v0  }
0x61: {  	[tilespmem:s15+$0x2830] =	vst v0  }
0x62: {  	[tilespmem:s15+$0x2840] =	vst v0  }
0x63: {  	[tilespmem:s15+$0x2850] =	vst v0  }
0x64: {  	[tilespmem:s15+$0x2860] =	vst v0  }
0x65: {  	[spmem:s8] =	stream.linear.scatter [tilespmem:s28], [sflag:$0x7], $0x4000, $0x38;
	[tilespmem:$0x1E900] =	vst v63  }
0x66: {  	_ =	swait.ge [sflag:s26], $0x4000  }
0x67: {  	[sflag:s26] =	ssyncset.done $0x0  }
0x68: {  	s9 =	rddreg [dreg:$0x7];
	[sflag:s26] =	ssyncadd.s32 $0xFFFFC000  }
0x69: {  	[spmem:s9] =	stream.linear.scatter [tilespmem:s28], [sflag:$0x7], $0x4000, $0x38;
	[tilespmem:$0x1E900] =	vst v63  }
0x6a: {  	_ =	swait.ge [sflag:s26], $0x4000  }
0x6b: {  	[sflag:s26] =	ssyncset.done $0x0  }
0x6c: {  	s16 =	rddreg [dreg:$0x8];
	[sflag:s26] =	ssyncadd.s32 $0xFFFFC000  }
0x6d: {  	[spmem:s16] =	stream.linear.scatter [tilespmem:s28], [sflag:$0x7], $0x4000, $0x38;
	[tilespmem:$0x1E900] =	vst v63  }
0x6e: {  	_ =	swait.ge [sflag:s26], $0x4000  }
0x6f: {  	[sflag:s26] =	ssyncset.done $0x0  }
0x70: {  	s17 =	rddreg [dreg:$0x9];
	[sflag:s26] =	ssyncadd.s32 $0xFFFFC000  }
0x71: {  	[spmem:s17] =	stream.linear.scatter [tilespmem:s28], [sflag:$0x7], $0x4000, $0x38;
	[tilespmem:$0x1E900] =	vst v63  }
0x72: {  	_ =	swait.ge [sflag:s26], $0x4000  }
0x73: {  	[sflag:s26] =	ssyncset.done $0x0  }
0x74: {  	s15 =	rddreg [dreg:$0xa];
	[sflag:s26] =	ssyncadd.s32 $0xFFFFC000  }
0x75: {  	[spmem:s15] =	stream.linear.scatter [tilespmem:s28], [sflag:$0x7], $0x4000, $0x38;
	[tilespmem:$0x1E900] =	vst v63  }
0x76: {  	_ =	swait.ge [sflag:s26], $0x4000  }
0x77: {  	[sflag:s26] =	ssyncset.done $0x0  }
0x78: {  	[sflag:s26] =	ssyncadd.s32 $0xFFFFC000  }
0x79: {  	[bflag:$0x0] =	sbarrier.arrive $0xFFFF  }
0x7a: {  	[tilespmem:s28], [sflag:$0x1] =	stream.indirect.gather [hbm4b:s1+s29], $0x80, s4, s29, $0xb8;
	[tilespmem:$0x1E900] =	vst v63  }
0x7b: {  	_ = 	snop  }
0x7c: {  	[tilespmem:s30], [sflag:$0x5] =	stream.linear.gather [hbm4b:s18+s4], $0x80, $0x38;
	[tilespmem:$0x1E900] =	vst v63  }
0x7d: {  	_ = 	snop  }
0x7e: {  	[tilespmem:s31], [sflag:$0x2] =	stream.indirect.gather [hbm4b:s1+s29], $0x80, s29, s29, $0xb8;
	[tilespmem:$0x1E900] =	vst v63  }
0x7f: {  	s16 =	rddreg [dreg:$0x5]  }
0x80: {  	[tilespmem:s2], [sflag:$0x6] =	stream.linear.gather [hbm4b:s16+s4], $0x80, $0x38;
	[tilespmem:$0x1E900] =	vst v63  }
0x81: {  	_ =	swait.ge [sflag:s0], $0x4000  }
0x82: {  	[sflag:s0] =	ssyncset.done $0x0  }
0x83: {  	[sflag:s0] =	ssyncadd.s32 $0xFFFFC000  }
0x84: {  	_ =	swait.ge [sflag:s7], $0x80  }
0x85: {  	[sflag:s7] =	ssyncset.done $0x0  }
0x86: {  	[sflag:s7] =	ssyncadd.s32 $0xFFFFFF80  }
0x87: {  	[spmem:s3] =	stream.indirect.scatter.add.f32 [tilespmem:s28], [sflag:$0x3], $0x80, s30, s29, $0xb8;
	[tilespmem:$0x1E900] =	vst v63  }
0x88: {  	_ =	swait.ge [sflag:s10], $0x4000  }
0x89: {  	[sflag:s10] =	ssyncset.done $0x0  }
0x8a: {  	[sflag:s10] =	ssyncadd.s32 $0xFFFFC000  }
0x8b: {  	_ =	swait.ge [sflag:s11], $0x80  }
0x8c: {  	[sflag:s11] =	ssyncset.done $0x0  }
0x8d: {  	[sflag:s11] =	ssyncadd.s32 $0xFFFFFF80  }
0x8e: {  	[spmem:s3] =	stream.indirect.scatter.add.f32 [tilespmem:s31], [sflag:$0x4], $0x80, s2, s29, $0xb8;
	[tilespmem:$0x1E900] =	vst v63  }
0x8f: {  	_ =	swait.ge [sflag:s12], $0x4000  }
0x90: {  	[sflag:s12] =	ssyncset.done $0x0  }
0x91: {  	s17 =	simm.s32 $0x100;
	[sflag:s12] =	ssyncadd.s32 $0xFFFFC000  }
0x92: {  	[tilespmem:s28], [sflag:$0x1] =	stream.indirect.gather [hbm4b:s1+s29], $0x80, s17, s29, $0xb8;
	[tilespmem:$0x1E900] =	vst v63  }
0x93: {  	s15 =	simm.s32 $0x200;
	s16 =	simm.s32 $0x200  }
0x94: {  	[tilespmem:s30], [sflag:$0x5] =	stream.linear.gather [hbm4b:s21+s4], $0x80, $0x38;
	[tilespmem:$0x1E900] =	vst v63  }
.LBB2_4:
0x95: {  	_ =	swait.ge [sflag:s0], $0x4000  }
0x96: {  	[sflag:s0] =	ssyncset.done $0x0  }
0x97: {  	[sflag:s0] =	ssyncadd.s32 $0xFFFFC000  }
0x98: {  	_ =	swait.ge [sflag:s7], $0x80  }
0x99: {  	[sflag:s7] =	ssyncset.done $0x0  }
0x9a: {  	[sflag:s7] =	ssyncadd.s32 $0xFFFFFF80  }
0x9b: {  	[spmem:s3] =	stream.indirect.scatter.add.f32 [tilespmem:s28], [sflag:$0x3], $0x80, s30, s29, $0xb8;
	[tilespmem:$0x1E900] =	vst v63  }
0x9c: {  	_ =	swait.ge [sflag:s13], $0x4000  }
0x9d: {  	[sflag:s13] =	ssyncset.done $0x0  }
0x9e: {  	s9 =	sadd.s32 $0xFFFFFF80, s15;
	s17 =	sadd.s32 $0xFFFFFF00, s16;
	[sflag:s13] =	ssyncadd.s32 $0xFFFFC000  }
0x9f: {  	[tilespmem:s31], [sflag:$0x2] =	stream.indirect.gather [hbm4b:s1+s29], $0x80, s9, s29, $0xb8;
	[tilespmem:$0x1E900] =	vst v63  }
0xa0: {  	s9 =	sand.u32 $0x3C00, s17;
	s17 =	sadd.s32 $0xFFFFFF80, s16  }
0xa1: {  	s9 =	sadd.s32 s5, s9;
	s17 =	sand.u32 $0x380, s17  }
0xa2: {  	s9 =	sor.u32 s9, s17  }
0xa3: {  	s9 =	sshrl.u32 s9, $0x3  }
0xa4: {  	s9 =	sadd.s32 s6, s9  }
0xa5: {  	[tilespmem:s2], [sflag:$0x6] =	stream.linear.gather [hbm4b:s9+s4], $0x80, $0x38;
	[tilespmem:$0x1E900] =	vst v63  }
0xa6: {  	_ =	swait.ge [sflag:s10], $0x4000  }
0xa7: {  	p0 =	seq.s32 s16, $0x2800;
	[sflag:s10] =	ssyncset.done $0x0  }
.Ltmp3:
0xa8: {  	[sflag:s10] =	ssyncadd.s32 $0xFFFFC000;
	(pc) =	sbr.rel @p0 .LBB2_6-.Ltmp3, $4  }
0xa9: {  	_ =	swait.ge [sflag:s11], $0x80  }
0xaa: {  	[sflag:s11] =	ssyncset.done $0x0  }
0xab: {  	[sflag:s11] =	ssyncadd.s32 $0xFFFFFF80  }
0xac: {  	[spmem:s3] =	stream.indirect.scatter.add.f32 [tilespmem:s31], [sflag:$0x4], $0x80, s2, s29, $0xb8;
	[tilespmem:$0x1E900] =	vst v63  }
0xad: {  	_ =	swait.ge [sflag:s12], $0x4000;
	s9 =	sand.u32 $0x7C00, s16  }
0xae: {  	s17 =	sand.u32 $0x300, s16;
	[sflag:s12] =	ssyncset.done $0x0;
	s9 =	sadd.s32 s5, s9  }
.Ltmp4:
0xaf: {  	[sflag:s12] =	ssyncadd.s32 $0xFFFFC000;
	s9 =	sor.u32 s17, s9;
	(pc) =	sbr.rel .LBB2_4-.Ltmp4, $4  }
0xb0: {  	[tilespmem:s28], [sflag:$0x1] =	stream.indirect.gather [hbm4b:s1+s29], $0x80, s15, s29, $0xb8;
	[tilespmem:$0x1E900] =	vst v63  }
0xb1: {  	s9 =	sshrl.u32 s9, $0x3  }
0xb2: {  	s16 =	sadd.s32 $0x100, s16;
	s15 =	sadd.s32 $0x100, s15;
	s9 =	sadd.s32 s6, s9  }
0xb3: {  	[tilespmem:s30], [sflag:$0x5] =	stream.linear.gather [hbm4b:s9+s4], $0x80, $0x38;
	[tilespmem:$0x1E900] =	vst v63  }
.LBB2_7:
0xb4: {  	_ =	sfence.sel $0x180000  }
0xb5: {  	[bflag:$0x0] =	sbarrier.arrive $0xFFFF  }
0xb6: {  	_ =	strace $0x9000004A  }
0xb7: {  	s0 =	stileid.u32;
	[bflag:$0x2] =	sbarrier.arrive $0xFFFF  }
0xb8: {  	p0 =	sne.s32 s0, $0x0;
	s0 =	rddreg [dreg:$0x3]  }
0xb9: {  	s0 =	sadd.s32 @!p0 $0x100000, s0  }
0xba: {  	[sflag:s0] =	ssyncadd.tile.s32 @!p0 $0x1;
	_ =	shalt  }
.Lfunc_end2:
_tile_overlayer_lowered:
.L_overlay_start_2:
0xbb: {  	(tag) =	ssettag $0x2  }
0xbc: {  	s0 =	rddreg [dreg:$0x0];
	s2 =	stileid.u32  }
0xbd: {  	s1 =	rddreg [dreg:$0x1];
	p0 =	sne.s32 s2, $0x0  }
0xbe: {  	s3 =	rddreg [dreg:$0x2];
	[bflag:$0x3] =	sbarrier.arrive $0xFFFF;
	s2 =	simm.s32 @!p0 $0x1C07  }
0xbf: {  	[timem:s3], [sflag:s2] =	dma.local @!p0 [hbm:s0], s1  }
0xc0: {  	s0 =	simm.s32 @!p0 $0x7  }
0xc1: {  	_ =	swait.ge @!p0 [sflag:s0], s1  }
0xc2: {  	s1 =	ssub.s32 @!p0 $0x0, s1;
	[sflag:s0] =	ssyncset.done @!p0 $0x0  }
0xc3: {  	[sflag:s0] =	ssyncadd.s32 @!p0 s1  }
0xc4: {  	[bflag:$0x3] =	sbarrier.arrive $0xFFFF  }
0xc5: {  	_ =	shalt  }

// kernel: kernel.16.cloned.1.call-start
scs
__scs_entry_jumppad:
0x0: {  	(pc) =	sbr.rel $0x88, $3  }
0x1: {  	(tag) =	ssettag $0x0;
	lr =	simm.s32 $0x1  }
0x2: {  	[smem:$0x3F99] =	sst lr;
	_ =	strace $0xD0000000  }
0x3: {  	_ = 	snop  }
0x4: {  	_ = 	snop  }
0x5: {  	_ = 	snop  }
0x6: {  	_ = 	snop  }
0x7: {  	_ = 	snop  }
__scs_overlays_trampoline_lowered:
0x8: {  	[smem:$0x3FA8] =	sst s0  }
0x9: {  	[smem:$0x3FA9] =	sst s1  }
0xa: {  	[smem:$0x3FAA] =	sst s2  }
0xb: {  	[smem:$0x3FAB] =	sst s3  }
0xc: {  	[smem:$0x3FAC] =	sst s4  }
0xd: {  	[smem:$0x3FAD] =	sst s5  }
0xe: {  	[smem:$0x3FAE] =	sst s6  }
0xf: {  	[smem:$0x3FAF] =	sst s7  }
0x10: {  	[smem:$0x3FB0] =	sst s8  }
0x11: {  	[smem:$0x3FB1] =	sst s9;
	s0 =	simm.s32 @!p0 $0x0  }
0x12: {  	s1 =	sld [smem:$0x3F97];
	s0 =	simm.s32 @p0 $0x1  }
0x13: {  	[smem:$0x3FB2] =	sst s0;
	s0 =	simm.s32 @!p1 $0x0  }
0x14: {  	s2 =	sld [smem:$0x3F96];
	s0 =	simm.s32 @p1 $0x1  }
0x15: {  	[smem:$0x3FB3] =	sst s0;
	s0 =	simm.s32 @!p2 $0x0  }
0x16: {  	s3 =	sld [smem:$0x3FDB];
	s0 =	simm.s32 @p2 $0x1  }
0x17: {  	s4 =	simm.s32 $0x1BF5;
	[smem:$0x3FB5] =	sst s0  }
0x18: {  	s0 =	sld [smem:$0x3F98];
	_ =	swait.ge [sflag:s4], $0x0  }
0x19: {  	s7 =	sld [smem:$0x3F99]  }
0x1a: {  	s8 =	sadd.s32 $0xFFFFE003, lr  }
0x1b: {  	s9 =	sadd.s32 $0xFFFFFEF7, lr;
	s5 =	simm.s32 $0xFFFFFFFF;
	p2 =	slt.u32 s8, $0xFFFFF086  }
0x1c: {  	p1 =	slt.u32 s9, $0xF7A;
	s5 =	simm.s32 @!p2 $0x0  }
0x1d: {  	s5 =	simm.s32 @p1 $0x1;
	p0 =	seq.s32 s7, s2  }
0x1e: {  	s7 =	smul.u32 @!p0 $0xF7A, s2;
	p2 =	seq.s32 @!p0 s5, $0x0  }
0x1f: {  	s9 =	smul.u32 $0xF7A, s1;
	s8 =	simm.s32 @!p0 $0x1BF5;
	p2 =	por !p2, p0  }
0x20: {  	[sflag:s8] =	ssyncset.s32 @!p0 $0xFFFFF086;
	s6 =	sadd.s32 @!p0 s3, s7;
	s7 =	simm.s32 @!p0 $0x108  }
0x21: {  	s3 =	sadd.s32 s3, s9;
	s6 =	sadd.s32 @!p0 $0x88, s6;
	s7 =	simm.s32 @p2 $0x1082  }
0x22: {  	[simem:s7], [sflag:s8] =	dma.local @!p0 [hbm:s6], $0xF7A  }
0x23: {  	s9 =	sor.u32 $0xD0000000, s2;
	s6 =	simm.s32 $0x108;
	_ =	swait.ge @!p0 [sflag:s8], $0x0  }
0x24: {  	s3 =	sadd.s32 $0x88, s3;
	s6 =	simm.s32 @!p1 $0x1082;
	[sflag:s4] =	ssyncset.s32 $0xFFFFF086  }
0x25: {  	[simem:s6], [sflag:s4] =	dma.local [hbm:s3], $0xF7A  }
0x26: {  	[smem:$0x3F99] =	sst s1;
	(tag) =	ssettag s2;
	_ =	strace s9  }
0x27: {  	s1 =	sld [smem:$0x3FA9]  }
0x28: {  	s2 =	sld [smem:$0x3FAA]  }
0x29: {  	s4 =	sld [smem:$0x3FAC]  }
0x2a: {  	p0 =	seq.s32 s5, $0x0;
	s5 =	sld [smem:$0x3FAD]  }
0x2b: {  	s6 =	sld [smem:$0x3FAE]  }
0x2c: {  	s7 =	sld [smem:$0x3FAF]  }
0x2d: {  	s3 =	simm.s32 $0x108;
	s8 =	sld [smem:$0x3FB0]  }
0x2e: {  	s3 =	simm.s32 @!p0 $0x1082;
	s9 =	sld [smem:$0x3FB1]  }
0x2f: {  	lr =	sadd.s32 s0, s3;
	s0 =	sld [smem:$0x3FA8]  }
0x30: {  	s3 =	sld [smem:$0x3FAB]  }
0x31: {  	[smem:$0x3FB4] =	sst s10  }
0x32: {  	s10 =	sld [smem:$0x3FB2];
	_ =	sdelay $0x3  }
0x33: {  	p0 =	seq.s32 s10, $0x1;
	s10 =	sld [smem:$0x3FB4];
	_ =	sdelay $0x3  }
0x34: {  	[smem:$0x3FB4] =	sst s10  }
0x35: {  	s10 =	sld [smem:$0x3FB3];
	_ =	sdelay $0x3  }
0x36: {  	p1 =	seq.s32 s10, $0x1;
	s10 =	sld [smem:$0x3FB4];
	_ =	sdelay $0x3  }
0x37: {  	[smem:$0x3FB4] =	sst s10  }
0x38: {  	s10 =	sld [smem:$0x3FB5]  }
0x39: {  	_ = 	snop;
	(pc) =	sbr.ind lr, $3  }
0x3a: {  	_ = 	snop  }
0x3b: {  	_ = 	snop  }
0x3c: {  	p2 =	seq.s32 s10, $0x1;
	s10 =	sld [smem:$0x3FB4]  }
0x3d: {  	_ =	shalt  }
0x3e: {  	_ =	shalt  }
0x3f: {  	_ =	shalt  }
0x40: {  	_ =	shalt  }
0x41: {  	_ =	shalt  }
0x42: {  	_ =	shalt  }
0x43: {  	_ =	shalt  }
0x44: {  	_ =	shalt  }
0x45: {  	_ =	shalt  }
0x46: {  	_ =	shalt  }
0x47: {  	_ =	shalt  }
0x48: {  	_ =	shalt  }
0x49: {  	_ =	shalt  }
0x4a: {  	_ =	shalt  }
0x4b: {  	_ =	shalt  }
0x4c: {  	_ =	shalt  }
0x4d: {  	_ =	shalt  }
0x4e: {  	_ =	shalt  }
0x4f: {  	_ =	shalt  }
0x50: {  	_ =	shalt  }
0x51: {  	_ =	shalt  }
0x52: {  	_ =	shalt  }
0x53: {  	_ =	shalt  }
0x54: {  	_ =	shalt  }
0x55: {  	_ =	shalt  }
0x56: {  	_ =	shalt  }
0x57: {  	_ =	shalt  }
0x58: {  	_ =	shalt  }
0x59: {  	_ =	shalt  }
0x5a: {  	_ =	shalt  }
0x5b: {  	_ =	shalt  }
0x5c: {  	_ =	shalt  }
0x5d: {  	_ =	shalt  }
0x5e: {  	_ =	shalt  }
0x5f: {  	_ =	shalt  }
0x60: {  	_ =	shalt  }
0x61: {  	_ =	shalt  }
0x62: {  	_ =	shalt  }
0x63: {  	_ =	shalt  }
0x64: {  	_ =	shalt  }
0x65: {  	_ =	shalt  }
0x66: {  	_ =	shalt  }
0x67: {  	_ =	shalt  }
0x68: {  	_ =	shalt  }
0x69: {  	_ =	shalt  }
0x6a: {  	_ =	shalt  }
0x6b: {  	_ =	shalt  }
0x6c: {  	_ =	shalt  }
0x6d: {  	_ =	shalt  }
0x6e: {  	_ =	shalt  }
0x6f: {  	_ =	shalt  }
0x70: {  	_ =	shalt  }
0x71: {  	_ =	shalt  }
0x72: {  	_ =	shalt  }
0x73: {  	_ =	shalt  }
0x74: {  	_ =	shalt  }
0x75: {  	_ =	shalt  }
0x76: {  	_ =	shalt  }
0x77: {  	_ =	shalt  }
0x78: {  	_ =	shalt  }
0x79: {  	_ =	shalt  }
0x7a: {  	_ =	shalt  }
0x7b: {  	_ =	shalt  }
0x7c: {  	_ =	shalt  }
0x7d: {  	_ =	shalt  }
0x7e: {  	_ =	shalt  }
0x7f: {  	_ =	shalt  }
0x80: {  	_ =	shalt  }
0x81: {  	_ =	shalt  }
0x82: {  	_ =	shalt  }
0x83: {  	_ =	shalt  }
0x84: {  	_ =	shalt  }
0x85: {  	_ =	shalt  }
0x86: {  	_ =	shalt  }
0x87: {  	_ =	shalt  }
.Lfunc_end0:
.L_simem_size_0:
called_computation.2_lowered:
.L_overlay_start_0:
0x88: {  	s2 =	sld [smem:$0x3FD9]  }
0x89: {  	s3 =	sld [smem:$0x3FFE];
	_ =	sdelay $0x1  }
0x8a: {  	s1 =	srdreg.scid  }
0x8b: {  	s0 =	sand.u32 $0x1, s1  }
0x8c: {  	s17 =	sshll.u32 s0, $0xA;
	s2 =	sadd.s32 s3, s2  }
0x8d: {  	s2 =	sadd.s32 s2, s17  }
0x8e: {  	[smem:$0x3FC0] =	sst s2  }
0x8f: {  	_ = 	snop  }
0x90: {  	s2 =	sld [smem:$0x3FD0];
	(tm) =	ssettm $0x1  }
0x91: {  	s18 =	sld [smem:$0x3FFB];
	_ =	sdelay $0x3  }
0x92: {  	_ =	strace s18  }
0x93: {  	s3 =	sld [smem:$0x3FFC];
	_ =	sdelay $0x3  }
0x94: {  	_ =	strace s3  }
0x95: {  	s3 =	sld [smem:$0x3FFD];
	_ =	sdelay $0x3  }
0x96: {  	_ =	strace s3  }
0x97: {  	_ =	strace $0x8FFFFFFF  }
0x98: {  	s19 =	sld [smem:$0x3FDB];
	_ =	sdelay $0x1  }
0x99: {  	s4 =	simm.s32 $_scs_section_size  }
0x9a: {  	s5 =	simm.s32 $_size__tile_overlayer_lowered;
	s6 =	simm.s32 $_tile_overlayer_lowered  }
0x9b: {  	s22 =	simm.s32 $0x1BFF;
	s21 =	sshll.u32 s6, $0x1;
	s3 =	sadd.s32 s4, s19  }
0x9c: {  	s7 =	simm.s32 $0x0;
	s20 =	sshll.u32 s5, $0x1;
	s5 =	sadd.s32 s21, s3  }
0x9d: {  	[timem:s7], [sflag:s22] =	dma.local [hbm:s5], s20  }
0x9e: {  	_ =	swait.ge [sflag:s22], s20  }
0x9f: {  	s4 =	ssub.s32 $0x0, s20;
	[sflag:s22] =	ssyncset.done $0x0  }
0xa0: {  	[sflag:s22] =	ssyncadd.s32 s4;
	_ =	sdelay $0x1  }
0xa1: {  	s23 =	simm.s32 $0x1B8B  }
0xa2: {  	_ =	swait.ge [sflag:s23], $0x1  }
0xa3: {  	[sflag:s23] =	ssyncset.done $0x0  }
0xa4: {  	s25 =	simm.s32 $0x1B8E;
	s24 =	sld [smem:$0x3FFE];
	[sflag:s23] =	ssyncadd.s32 $0xFFFFFFFF  }
0xa5: {  	s26 =	simm.s32 $execute0_lowered;
	[smem:$0x3FD2] =	sst s25  }
0xa6: {  	s5 =	sshll.u32 s26, $0x1;
	_ =	strace $0x8000004C;
	[dreg:$0x1] =	wrdreg $0xFFFFFFFF  }
0xa7: {  	s28 =	simm.s32 $_size_execute0_lowered;
	s3 =	sadd.s32 s3, s5;
	[dreg:$0x0] =	wrdreg $0x0  }
0xa8: {  	s5 =	sshll.u32 s28, $0x1;
	[dreg:$0x2] =	wrdreg s3  }
0xa9: {  	[dreg:$0x3] =	wrdreg s5  }
0xaa: {  	[dreg:$0x4] =	wrdreg $0xC0  }
0xab: {  	_ =	task [dreg:s7], $0x5FFFF  }
0xac: {  	[dreg:$0x1] =	wrdreg $0xFFFFFFFF  }
0xad: {  	[dreg:$0x0] =	wrdreg $0x60  }
0xae: {  	[dreg:$0x2] =	wrdreg s2  }
0xaf: {  	[dreg:$0x3] =	wrdreg s24  }
0xb0: {  	[dreg:$0x4] =	wrdreg $0xA8000  }
0xb1: {  	[dreg:$0x5] =	wrdreg $0x9  }
0xb2: {  	_ =	task.clear_ibuf [dreg:s7], $0x6FFFF;
	_ =	strace $0x9000004C  }
0xb3: {  	s29 =	simm.s32 $0x9;
	_ =	strace $0x8000004E  }
0xb4: {  	_ =	swait.ge [sflag:s29], $0x1  }
0xb5: {  	[sflag:s29] =	ssyncadd.s32 $0xFFFFFFFF  }
0xb6: {  	_ =	strace $0x9000004E  }
0xb7: {  	_ =	sfence  }
0xb8: {  	s30 =	sld [smem:$0x0];
	_ =	sdelay $0x2  }
0xb9: {  	s31 =	sshll.u32 s1, $0xD;
	s1 =	sshrl.u32 s1, $0x2  }
0xba: {  	s3 =	sand.u32 $0x4000, s31;
	s1 =	sadd.s32 s1, s30  }
0xbb: {  	s0 =	sor.u32 s3, s0;
	s1 =	sshll.u32 s1, $0x11  }
0xbc: {  	s0 =	sor.u32 s1, s0  }
0xbd: {  	s0 =	sadd.s32 $0x8F2B, s0  }
0xbe: {  	[sflag:s0] =	ssyncadd.remote.s32 $0x1  }
0xbf: {  	_ =	sfence.sel $0xFFFF  }
0xc0: {  	[dreg:$0x0] =	wrdreg $0xFFFFFFFF;
	(pc) =	sbr.abs _section_cstart, $3  }
0xc1: {  	[dreg:$0x1] =	wrdreg $0xFFFFFFFF  }
0xc2: {  	_ =	task.clear_ibuf [dreg:s7], $0x2FFFF;
	_ =	strace $0x9FFFFFFF  }
0xc3: {  	(tm) =	ssettm $0x7FFFFFFF  }
tec
execute0_lowered:
.L_overlay_start_1:
0x0: {  	(tag) =	ssettag $0x1  }
0x1: {  	s1 =	rddreg [dreg:$0x0]  }
0x2: {  	s0 =	srdreg.scid;
	s2 =	rddreg [dreg:$0x1]  }
0x3: {  	s12 =	stileid.u32;
	s3 =	rddreg [dreg:$0x2];
	s28 =	simm.s32 $0x2800  }
0x4: {  	s29 =	simm.s32 $0x80;
	s30 =	simm.s32 $0x1E800;
	s31 =	simm.s32 $0x6800  }
0x5: {  	s0 =	sand.u32 $0x1, s0;
	s10 =	smul.u32 $0x50000, s12;
	s6 =	sadd.s32 $0x17E00, s2  }
0x6: {  	s26 =	smul.u32 $0x14000, s12;
	s4 =	sshll.u32 s0, $0x4;
	s9 =	ssub.s32 $0x2, s0  }
0x7: {  	s0 =	smul.u32 $0x140000, s0;
	s5 =	sor.u32 s12, s4;
	s4 =	simm.s32 $0x0  }
0x8: {  	s11 =	sshrl.u32 s9, $0x1;
	s25 =	sshrl.u32 s10, $0x2;
	s17 =	sadd.s32 $0x4000, s26  }
0x9: {  	s23 =	sadd.s32 $0x8000, s26;
	s10 =	simm.s32 $0x2;
	s5 =	smul.u32 $0x2800, s5  }
0xa: {  	[smem:$0x7FF] =	sst s4;
	s11 =	ssub.s32 s9, s11;
	s20 =	sadd.s32 s0, s26  }
0xb: {  	s21 =	sadd.s32 s0, s17;
	s24 =	sadd.s32 s0, s23;
	s23 =	sadd.s32 s23, s3  }
0xc: {  	_ =	strace $0x8000004D;
	s14 =	smax.u32 s11, $0x1;
	s11 =	sshrl.u32 s20, $0x3  }
0xd: {  	s12 =	sshrl.u32 s21, $0x3;
	s7 =	sshrl.u32 s5, $0x3;
	[dreg:$0x6] =	wrdreg s14  }
0xe: {  	s8 =	sadd.s32 s7, s2;
	s2 =	sadd.s32 $0xC1E00, s2;
	s9 =	sadd.s32 s6, s7  }
0xf: {  	s7 =	sadd.s32 $0x10000, s26;
	s8 =	sadd.s32 $0xDE00, s8;
	s13 =	sadd.s32 $0x10, s9  }
0x10: {  	s11 =	sadd.s32 s2, s11;
	s22 =	sadd.s32 s2, s12;
	[dreg:$0x4] =	wrdreg s8  }
0x11: {  	s12 =	sshrl.u32 s24, $0x3;
	s18 =	smov.u32 s9;
	[dreg:$0x5] =	wrdreg s13  }
0x12: {  	s21 =	sadd.s32 $0x20, s9;
	s8 =	sadd.s32 s25, s3;
	[dreg:$0xb] =	wrdreg s11  }
0x13: {  	[dreg:$0xc] =	wrdreg s22;
	s25 =	sadd.s32 $0xC000, s26;
	s12 =	sadd.s32 s2, s12  }
0x14: {  	s22 =	sadd.s32 s17, s3;
	s11 =	simm.s32 $0x6;
	s15 =	sadd.s32 $0x4000, s8  }
0x15: {  	s16 =	sadd.s32 $0x8000, s8;
	s19 =	sadd.s32 $0xC000, s8;
	[dreg:$0xd] =	wrdreg s12  }
0x16: {  	s13 =	sadd.s32 $0x10000, s8;
	s14 =	sadd.s32 s0, s25;
	[dreg:$0x7] =	wrdreg s15  }
0x17: {  	s0 =	sadd.s32 s0, s7;
	s24 =	sadd.s32 s25, s3;
	[dreg:$0x8] =	wrdreg s16  }
.Ltmp0:
0x18: {  	s25 =	sadd.s32 s7, s3;
	[dreg:$0x9] =	wrdreg s19;
	(pc) =	sbr.rel .LBB2_1-.Ltmp0, $4  }
0x19: {  	s7 =	simm.s32 $0x5;
	s12 =	simm.s32 $0x3;
	[dreg:$0xa] =	wrdreg s13  }
0x1a: {  	s26 =	sshrl.u32 s14, $0x3;
	s0 =	sshrl.u32 s0, $0x3;
	s13 =	simm.s32 $0x4  }
0x1b: {  	s14 =	simm.s32 $0x0;
	s19 =	sadd.s32 s2, s26;
	s20 =	sadd.s32 s2, s0  }
0x1c: {  	v0 =	vimm.f32 $0.0e+00;
	s26 =	simm.s32 $0x7;
	s2 =	simm.s32 $0x1E880;
	s0 =	simm.s32 $0x1  }
.LBB2_6:
0x1d: {  	_ =	swait.ge [sflag:s12], $0x4000  }
0x1e: {  	[sflag:s12] =	ssyncset.done $0x0  }
0x1f: {  	[sflag:s12] =	ssyncadd.s32 $0xFFFFC000  }
0x20: {  	_ =	swait.ge [sflag:s13], $0x4000  }
0x21: {  	[sflag:s13] =	ssyncset.done $0x0  }
0x22: {  	[sflag:s13] =	ssyncadd.s32 $0xFFFFC000  }
0x23: {  	[bflag:$0x0] =	sbarrier.arrive $0xFFFF  }
0x24: {  	[tilespmem:s28], [sflag:$0x7] =	stream.linear.gather [spmem:s8], $0x4000, $0x38;
	[tilespmem:$0x1E900] =	vst v63  }
0x25: {  	_ =	swait.ge [sflag:s26], $0x4000  }
0x26: {  	[sflag:s26] =	ssyncset.done $0x0  }
0x27: {  	s9 =	rddreg [dreg:$0xb];
	[sflag:s26] =	ssyncadd.s32 $0xFFFFC000  }
0x28: {  	[hbm4b:s9+s4] =	stream.linear.scatter [tilespmem:s28], [sflag:$0x7], $0x4000, $0x38;
	[tilespmem:$0x1E900] =	vst v63  }
0x29: {  	_ =	swait.ge [sflag:s26], $0x4000  }
0x2a: {  	[sflag:s26] =	ssyncset.done $0x0  }
0x2b: {  	[sflag:s26] =	ssyncadd.s32 $0xFFFFC000  }
0x2c: {  	[tilespmem:s28], [sflag:$0x7] =	stream.linear.gather [spmem:s22], $0x4000, $0x38;
	[tilespmem:$0x1E900] =	vst v63  }
0x2d: {  	_ =	swait.ge [sflag:s26], $0x4000  }
0x2e: {  	[sflag:s26] =	ssyncset.done $0x0  }
0x2f: {  	s15 =	rddreg [dreg:$0xc];
	[sflag:s26] =	ssyncadd.s32 $0xFFFFC000  }
0x30: {  	[hbm4b:s15+s4] =	stream.linear.scatter [tilespmem:s28], [sflag:$0x7], $0x4000, $0x38;
	[tilespmem:$0x1E900] =	vst v63  }
0x31: {  	_ =	swait.ge [sflag:s26], $0x4000  }
0x32: {  	[sflag:s26] =	ssyncset.done $0x0  }
0x33: {  	[sflag:s26] =	ssyncadd.s32 $0xFFFFC000  }
0x34: {  	[tilespmem:s28], [sflag:$0x7] =	stream.linear.gather [spmem:s23], $0x4000, $0x38;
	[tilespmem:$0x1E900] =	vst v63  }
0x35: {  	_ =	swait.ge [sflag:s26], $0x4000  }
0x36: {  	[sflag:s26] =	ssyncset.done $0x0  }
0x37: {  	s16 =	rddreg [dreg:$0xd];
	[sflag:s26] =	ssyncadd.s32 $0xFFFFC000  }
0x38: {  	[hbm4b:s16+s4] =	stream.linear.scatter [tilespmem:s28], [sflag:$0x7], $0x4000, $0x38;
	[tilespmem:$0x1E900] =	vst v63  }
0x39: {  	_ =	swait.ge [sflag:s26], $0x4000  }
0x3a: {  	[sflag:s26] =	ssyncset.done $0x0  }
0x3b: {  	[sflag:s26] =	ssyncadd.s32 $0xFFFFC000  }
0x3c: {  	[tilespmem:s28], [sflag:$0x7] =	stream.linear.gather [spmem:s24], $0x4000, $0x38;
	[tilespmem:$0x1E900] =	vst v63  }
0x3d: {  	_ =	swait.ge [sflag:s26], $0x4000  }
0x3e: {  	[sflag:s26] =	ssyncset.done $0x0  }
0x3f: {  	[sflag:s26] =	ssyncadd.s32 $0xFFFFC000  }
0x40: {  	[hbm4b:s19+s4] =	stream.linear.scatter [tilespmem:s28], [sflag:$0x7], $0x4000, $0x38;
	[tilespmem:$0x1E900] =	vst v63  }
0x41: {  	_ =	swait.ge [sflag:s26], $0x4000  }
0x42: {  	[sflag:s26] =	ssyncset.done $0x0  }
0x43: {  	[sflag:s26] =	ssyncadd.s32 $0xFFFFC000  }
0x44: {  	[tilespmem:s28], [sflag:$0x7] =	stream.linear.gather [spmem:s25], $0x4000, $0x38;
	[tilespmem:$0x1E900] =	vst v63  }
0x45: {  	_ =	swait.ge [sflag:s26], $0x4000  }
0x46: {  	[sflag:s26] =	ssyncset.done $0x0  }
0x47: {  	[sflag:s26] =	ssyncadd.s32 $0xFFFFC000  }
0x48: {  	[hbm4b:s20+s4] =	stream.linear.scatter [tilespmem:s28], [sflag:$0x7], $0x4000, $0x38;
	[tilespmem:$0x1E900] =	vst v63  }
0x49: {  	_ =	swait.ge [sflag:s26], $0x4000  }
0x4a: {  	s14 =	sadd.s32 $0x1, s14;
	s17 =	rddreg [dreg:$0x6]  }
0x4b: {  	p0 =	sne.s32 s14, s17  }
.Ltmp1:
0x4c: {  	_ = 	snop;
	(pc) =	sbr.rel @!p0 .LBB2_7-.Ltmp1, $3  }
0x4d: {  	_ =	sdelay $0x1  }
0x4e: {  	[sflag:s26] =	ssyncset.done $0x0  }
0x4f: {  	[sflag:s26] =	ssyncadd.s32 $0xFFFFC000  }
.LBB2_1:
0x50: {  	s9 =	rddreg [dreg:$0x4]  }
0x51: {  	[tilespmem:s4], [sflag:$0x7] =	stream.linear.gather [hbm4b:s9+s4], $0x2800, $0x38;
	[tilespmem:$0x1E900] =	vst v63  }
0x52: {  	_ =	swait.ge [sflag:s26], $0x2800  }
0x53: {  	[sflag:s26] =	ssyncset.done $0x0  }
0x54: {  	s15 =	simm.s32 $0x0;
	s16 =	simm.s32 $0x200;
	[sflag:s26] =	ssyncadd.s32 $0xFFFFD800  }
.LBB2_2:
0x55: {  	p0 =	sne.s32 s16, $0xFE00;
	[tilespmem:s15+$0x2870] =	vst v0  }
0x56: {  	[tilespmem:s15+$0x2800] =	vst v0  }
0x57: {  	[tilespmem:s15+$0x2810] =	vst v0  }
.Ltmp2:
0x58: {  	[tilespmem:s15+$0x2820] =	vst v0;
	(pc) =	sbr.rel @p0 .LBB2_2-.Ltmp2, $4  }
0x59: {  	[tilespmem:s15+$0x2830] =	vst v0  }
0x5a: {  	[tilespmem:s15+$0x2840] =	vst v0  }
0x5b: {  	[tilespmem:s15+$0x2850] =	vst v0  }
0x5c: {  	[tilespmem:s15+$0x2860] =	vst v0;
	s15 =	sshra.s32 s16, $0x2;
	s16 =	sadd.s32 $0x200, s16  }
0x5d: {  	[tilespmem:s15+$0x2870] =	vst v0  }
0x5e: {  	[tilespmem:s15+$0x2800] =	vst v0  }
0x5f: {  	[tilespmem:s15+$0x2810] =	vst v0  }
0x60: {  	[tilespmem:s15+$0x2820] =	vst v0  }
0x61: {  	[tilespmem:s15+$0x2830] =	vst v0  }
0x62: {  	[tilespmem:s15+$0x2840] =	vst v0  }
0x63: {  	[tilespmem:s15+$0x2850] =	vst v0  }
0x64: {  	[tilespmem:s15+$0x2860] =	vst v0  }
0x65: {  	[spmem:s8] =	stream.linear.scatter [tilespmem:s28], [sflag:$0x7], $0x4000, $0x38;
	[tilespmem:$0x1E900] =	vst v63  }
0x66: {  	_ =	swait.ge [sflag:s26], $0x4000  }
0x67: {  	[sflag:s26] =	ssyncset.done $0x0  }
0x68: {  	s9 =	rddreg [dreg:$0x7];
	[sflag:s26] =	ssyncadd.s32 $0xFFFFC000  }
0x69: {  	[spmem:s9] =	stream.linear.scatter [tilespmem:s28], [sflag:$0x7], $0x4000, $0x38;
	[tilespmem:$0x1E900] =	vst v63  }
0x6a: {  	_ =	swait.ge [sflag:s26], $0x4000  }
0x6b: {  	[sflag:s26] =	ssyncset.done $0x0  }
0x6c: {  	s16 =	rddreg [dreg:$0x8];
	[sflag:s26] =	ssyncadd.s32 $0xFFFFC000  }
0x6d: {  	[spmem:s16] =	stream.linear.scatter [tilespmem:s28], [sflag:$0x7], $0x4000, $0x38;
	[tilespmem:$0x1E900] =	vst v63  }
0x6e: {  	_ =	swait.ge [sflag:s26], $0x4000  }
0x6f: {  	[sflag:s26] =	ssyncset.done $0x0  }
0x70: {  	s17 =	rddreg [dreg:$0x9];
	[sflag:s26] =	ssyncadd.s32 $0xFFFFC000  }
0x71: {  	[spmem:s17] =	stream.linear.scatter [tilespmem:s28], [sflag:$0x7], $0x4000, $0x38;
	[tilespmem:$0x1E900] =	vst v63  }
0x72: {  	_ =	swait.ge [sflag:s26], $0x4000  }
0x73: {  	[sflag:s26] =	ssyncset.done $0x0  }
0x74: {  	s15 =	rddreg [dreg:$0xa];
	[sflag:s26] =	ssyncadd.s32 $0xFFFFC000  }
0x75: {  	[spmem:s15] =	stream.linear.scatter [tilespmem:s28], [sflag:$0x7], $0x4000, $0x38;
	[tilespmem:$0x1E900] =	vst v63  }
0x76: {  	_ =	swait.ge [sflag:s26], $0x4000  }
0x77: {  	[sflag:s26] =	ssyncset.done $0x0  }
0x78: {  	[sflag:s26] =	ssyncadd.s32 $0xFFFFC000  }
0x79: {  	[bflag:$0x0] =	sbarrier.arrive $0xFFFF  }
0x7a: {  	[tilespmem:s28], [sflag:$0x1] =	stream.indirect.gather [hbm4b:s1+s29], $0x80, s4, s29, $0xb8;
	[tilespmem:$0x1E900] =	vst v63  }
0x7b: {  	_ = 	snop  }
0x7c: {  	[tilespmem:s30], [sflag:$0x5] =	stream.linear.gather [hbm4b:s18+s4], $0x80, $0x38;
	[tilespmem:$0x1E900] =	vst v63  }
0x7d: {  	_ = 	snop  }
0x7e: {  	[tilespmem:s31], [sflag:$0x2] =	stream.indirect.gather [hbm4b:s1+s29], $0x80, s29, s29, $0xb8;
	[tilespmem:$0x1E900] =	vst v63  }
0x7f: {  	s16 =	rddreg [dreg:$0x5]  }
0x80: {  	[tilespmem:s2], [sflag:$0x6] =	stream.linear.gather [hbm4b:s16+s4], $0x80, $0x38;
	[tilespmem:$0x1E900] =	vst v63  }
0x81: {  	_ =	swait.ge [sflag:s0], $0x4000  }
0x82: {  	[sflag:s0] =	ssyncset.done $0x0  }
0x83: {  	[sflag:s0] =	ssyncadd.s32 $0xFFFFC000  }
0x84: {  	_ =	swait.ge [sflag:s7], $0x80  }
0x85: {  	[sflag:s7] =	ssyncset.done $0x0  }
0x86: {  	[sflag:s7] =	ssyncadd.s32 $0xFFFFFF80  }
0x87: {  	[spmem:s3] =	stream.indirect.scatter.add.f32 [tilespmem:s28], [sflag:$0x3], $0x80, s30, s29, $0xb8;
	[tilespmem:$0x1E900] =	vst v63  }
0x88: {  	_ =	swait.ge [sflag:s10], $0x4000  }
0x89: {  	[sflag:s10] =	ssyncset.done $0x0  }
0x8a: {  	[sflag:s10] =	ssyncadd.s32 $0xFFFFC000  }
0x8b: {  	_ =	swait.ge [sflag:s11], $0x80  }
0x8c: {  	[sflag:s11] =	ssyncset.done $0x0  }
0x8d: {  	[sflag:s11] =	ssyncadd.s32 $0xFFFFFF80  }
0x8e: {  	[spmem:s3] =	stream.indirect.scatter.add.f32 [tilespmem:s31], [sflag:$0x4], $0x80, s2, s29, $0xb8;
	[tilespmem:$0x1E900] =	vst v63  }
0x8f: {  	_ =	swait.ge [sflag:s12], $0x4000  }
0x90: {  	[sflag:s12] =	ssyncset.done $0x0  }
0x91: {  	s17 =	simm.s32 $0x100;
	[sflag:s12] =	ssyncadd.s32 $0xFFFFC000  }
0x92: {  	[tilespmem:s28], [sflag:$0x1] =	stream.indirect.gather [hbm4b:s1+s29], $0x80, s17, s29, $0xb8;
	[tilespmem:$0x1E900] =	vst v63  }
0x93: {  	s15 =	simm.s32 $0x200;
	s16 =	simm.s32 $0x200  }
0x94: {  	[tilespmem:s30], [sflag:$0x5] =	stream.linear.gather [hbm4b:s21+s4], $0x80, $0x38;
	[tilespmem:$0x1E900] =	vst v63  }
.LBB2_4:
0x95: {  	_ =	swait.ge [sflag:s0], $0x4000  }
0x96: {  	[sflag:s0] =	ssyncset.done $0x0  }
0x97: {  	[sflag:s0] =	ssyncadd.s32 $0xFFFFC000  }
0x98: {  	_ =	swait.ge [sflag:s7], $0x80  }
0x99: {  	[sflag:s7] =	ssyncset.done $0x0  }
0x9a: {  	[sflag:s7] =	ssyncadd.s32 $0xFFFFFF80  }
0x9b: {  	[spmem:s3] =	stream.indirect.scatter.add.f32 [tilespmem:s28], [sflag:$0x3], $0x80, s30, s29, $0xb8;
	[tilespmem:$0x1E900] =	vst v63  }
0x9c: {  	_ =	swait.ge [sflag:s13], $0x4000  }
0x9d: {  	[sflag:s13] =	ssyncset.done $0x0  }
0x9e: {  	s9 =	sadd.s32 $0xFFFFFF80, s15;
	s17 =	sadd.s32 $0xFFFFFF00, s16;
	[sflag:s13] =	ssyncadd.s32 $0xFFFFC000  }
0x9f: {  	[tilespmem:s31], [sflag:$0x2] =	stream.indirect.gather [hbm4b:s1+s29], $0x80, s9, s29, $0xb8;
	[tilespmem:$0x1E900] =	vst v63  }
0xa0: {  	s9 =	sand.u32 $0x3C00, s17;
	s17 =	sadd.s32 $0xFFFFFF80, s16  }
0xa1: {  	s9 =	sadd.s32 s5, s9;
	s17 =	sand.u32 $0x380, s17  }
0xa2: {  	s9 =	sor.u32 s9, s17  }
0xa3: {  	s9 =	sshrl.u32 s9, $0x3  }
0xa4: {  	s9 =	sadd.s32 s6, s9  }
0xa5: {  	[tilespmem:s2], [sflag:$0x6] =	stream.linear.gather [hbm4b:s9+s4], $0x80, $0x38;
	[tilespmem:$0x1E900] =	vst v63  }
0xa6: {  	_ =	swait.ge [sflag:s10], $0x4000  }
0xa7: {  	p0 =	seq.s32 s16, $0x2800;
	[sflag:s10] =	ssyncset.done $0x0  }
.Ltmp3:
0xa8: {  	[sflag:s10] =	ssyncadd.s32 $0xFFFFC000;
	(pc) =	sbr.rel @p0 .LBB2_6-.Ltmp3, $4  }
0xa9: {  	_ =	swait.ge [sflag:s11], $0x80  }
0xaa: {  	[sflag:s11] =	ssyncset.done $0x0  }
0xab: {  	[sflag:s11] =	ssyncadd.s32 $0xFFFFFF80  }
0xac: {  	[spmem:s3] =	stream.indirect.scatter.add.f32 [tilespmem:s31], [sflag:$0x4], $0x80, s2, s29, $0xb8;
	[tilespmem:$0x1E900] =	vst v63  }
0xad: {  	_ =	swait.ge [sflag:s12], $0x4000;
	s9 =	sand.u32 $0x7C00, s16  }
0xae: {  	s17 =	sand.u32 $0x300, s16;
	[sflag:s12] =	ssyncset.done $0x0;
	s9 =	sadd.s32 s5, s9  }
.Ltmp4:
0xaf: {  	[sflag:s12] =	ssyncadd.s32 $0xFFFFC000;
	s9 =	sor.u32 s17, s9;
	(pc) =	sbr.rel .LBB2_4-.Ltmp4, $4  }
0xb0: {  	[tilespmem:s28], [sflag:$0x1] =	stream.indirect.gather [hbm4b:s1+s29], $0x80, s15, s29, $0xb8;
	[tilespmem:$0x1E900] =	vst v63  }
0xb1: {  	s9 =	sshrl.u32 s9, $0x3  }
0xb2: {  	s16 =	sadd.s32 $0x100, s16;
	s15 =	sadd.s32 $0x100, s15;
	s9 =	sadd.s32 s6, s9  }
0xb3: {  	[tilespmem:s30], [sflag:$0x5] =	stream.linear.gather [hbm4b:s9+s4], $0x80, $0x38;
	[tilespmem:$0x1E900] =	vst v63  }
.LBB2_7:
0xb4: {  	_ =	sfence.sel $0x180000  }
0xb5: {  	[bflag:$0x0] =	sbarrier.arrive $0xFFFF  }
0xb6: {  	_ =	strace $0x9000004D  }
0xb7: {  	s0 =	stileid.u32;
	[bflag:$0x2] =	sbarrier.arrive $0xFFFF  }
0xb8: {  	p0 =	sne.s32 s0, $0x0;
	s0 =	rddreg [dreg:$0x3]  }
0xb9: {  	s0 =	sadd.s32 @!p0 $0x100000, s0  }
0xba: {  	[sflag:s0] =	ssyncadd.tile.s32 @!p0 $0x1;
	_ =	shalt  }
.Lfunc_end2:
_tile_overlayer_lowered:
.L_overlay_start_2:
0xbb: {  	(tag) =	ssettag $0x2  }
0xbc: {  	s0 =	rddreg [dreg:$0x0];
	s2 =	stileid.u32  }
0xbd: {  	s1 =	rddreg [dreg:$0x1];
	p0 =	sne.s32 s2, $0x0  }
0xbe: {  	s3 =	rddreg [dreg:$0x2];
	[bflag:$0x3] =	sbarrier.arrive $0xFFFF;
	s2 =	simm.s32 @!p0 $0x1C07  }
0xbf: {  	[timem:s3], [sflag:s2] =	dma.local @!p0 [hbm:s0], s1  }
0xc0: {  	s0 =	simm.s32 @!p0 $0x7  }
0xc1: {  	_ =	swait.ge @!p0 [sflag:s0], s1  }
0xc2: {  	s1 =	ssub.s32 @!p0 $0x0, s1;
	[sflag:s0] =	ssyncset.done @!p0 $0x0  }
0xc3: {  	[sflag:s0] =	ssyncadd.s32 @!p0 s1  }
0xc4: {  	[bflag:$0x3] =	sbarrier.arrive $0xFFFF  }
0xc5: {  	_ =	shalt  }

// kernel: kernel.19.cloned.1.call-start
scs
__scs_entry_jumppad:
0x0: {  	(pc) =	sbr.rel $0x88, $3  }
0x1: {  	(tag) =	ssettag $0x0;
	lr =	simm.s32 $0x1  }
0x2: {  	[smem:$0x3F99] =	sst lr;
	_ =	strace $0xD0000000  }
0x3: {  	_ = 	snop  }
0x4: {  	_ = 	snop  }
0x5: {  	_ = 	snop  }
0x6: {  	_ = 	snop  }
0x7: {  	_ = 	snop  }
__scs_overlays_trampoline_lowered:
0x8: {  	[smem:$0x3FA8] =	sst s0  }
0x9: {  	[smem:$0x3FA9] =	sst s1  }
0xa: {  	[smem:$0x3FAA] =	sst s2  }
0xb: {  	[smem:$0x3FAB] =	sst s3  }
0xc: {  	[smem:$0x3FAC] =	sst s4  }
0xd: {  	[smem:$0x3FAD] =	sst s5  }
0xe: {  	[smem:$0x3FAE] =	sst s6  }
0xf: {  	[smem:$0x3FAF] =	sst s7  }
0x10: {  	[smem:$0x3FB0] =	sst s8  }
0x11: {  	[smem:$0x3FB1] =	sst s9;
	s0 =	simm.s32 @!p0 $0x0  }
0x12: {  	s1 =	sld [smem:$0x3F97];
	s0 =	simm.s32 @p0 $0x1  }
0x13: {  	[smem:$0x3FB2] =	sst s0;
	s0 =	simm.s32 @!p1 $0x0  }
0x14: {  	s2 =	sld [smem:$0x3F96];
	s0 =	simm.s32 @p1 $0x1  }
0x15: {  	[smem:$0x3FB3] =	sst s0;
	s0 =	simm.s32 @!p2 $0x0  }
0x16: {  	s3 =	sld [smem:$0x3FDB];
	s0 =	simm.s32 @p2 $0x1  }
0x17: {  	s4 =	simm.s32 $0x1BF5;
	[smem:$0x3FB5] =	sst s0  }
0x18: {  	s0 =	sld [smem:$0x3F98];
	_ =	swait.ge [sflag:s4], $0x0  }
0x19: {  	s7 =	sld [smem:$0x3F99]  }
0x1a: {  	s8 =	sadd.s32 $0xFFFFE003, lr  }
0x1b: {  	s9 =	sadd.s32 $0xFFFFFEF7, lr;
	s5 =	simm.s32 $0xFFFFFFFF;
	p2 =	slt.u32 s8, $0xFFFFF086  }
0x1c: {  	p1 =	slt.u32 s9, $0xF7A;
	s5 =	simm.s32 @!p2 $0x0  }
0x1d: {  	s5 =	simm.s32 @p1 $0x1;
	p0 =	seq.s32 s7, s2  }
0x1e: {  	s7 =	smul.u32 @!p0 $0xF7A, s2;
	p2 =	seq.s32 @!p0 s5, $0x0  }
0x1f: {  	s9 =	smul.u32 $0xF7A, s1;
	s8 =	simm.s32 @!p0 $0x1BF5;
	p2 =	por !p2, p0  }
0x20: {  	[sflag:s8] =	ssyncset.s32 @!p0 $0xFFFFF086;
	s6 =	sadd.s32 @!p0 s3, s7;
	s7 =	simm.s32 @!p0 $0x108  }
0x21: {  	s3 =	sadd.s32 s3, s9;
	s6 =	sadd.s32 @!p0 $0x88, s6;
	s7 =	simm.s32 @p2 $0x1082  }
0x22: {  	[simem:s7], [sflag:s8] =	dma.local @!p0 [hbm:s6], $0xF7A  }
0x23: {  	s9 =	sor.u32 $0xD0000000, s2;
	s6 =	simm.s32 $0x108;
	_ =	swait.ge @!p0 [sflag:s8], $0x0  }
0x24: {  	s3 =	sadd.s32 $0x88, s3;
	s6 =	simm.s32 @!p1 $0x1082;
	[sflag:s4] =	ssyncset.s32 $0xFFFFF086  }
0x25: {  	[simem:s6], [sflag:s4] =	dma.local [hbm:s3], $0xF7A  }
0x26: {  	[smem:$0x3F99] =	sst s1;
	(tag) =	ssettag s2;
	_ =	strace s9  }
0x27: {  	s1 =	sld [smem:$0x3FA9]  }
0x28: {  	s2 =	sld [smem:$0x3FAA]  }
0x29: {  	s4 =	sld [smem:$0x3FAC]  }
0x2a: {  	p0 =	seq.s32 s5, $0x0;
	s5 =	sld [smem:$0x3FAD]  }
0x2b: {  	s6 =	sld [smem:$0x3FAE]  }
0x2c: {  	s7 =	sld [smem:$0x3FAF]  }
0x2d: {  	s3 =	simm.s32 $0x108;
	s8 =	sld [smem:$0x3FB0]  }
0x2e: {  	s3 =	simm.s32 @!p0 $0x1082;
	s9 =	sld [smem:$0x3FB1]  }
0x2f: {  	lr =	sadd.s32 s0, s3;
	s0 =	sld [smem:$0x3FA8]  }
0x30: {  	s3 =	sld [smem:$0x3FAB]  }
0x31: {  	[smem:$0x3FB4] =	sst s10  }
0x32: {  	s10 =	sld [smem:$0x3FB2];
	_ =	sdelay $0x3  }
0x33: {  	p0 =	seq.s32 s10, $0x1;
	s10 =	sld [smem:$0x3FB4];
	_ =	sdelay $0x3  }
0x34: {  	[smem:$0x3FB4] =	sst s10  }
0x35: {  	s10 =	sld [smem:$0x3FB3];
	_ =	sdelay $0x3  }
0x36: {  	p1 =	seq.s32 s10, $0x1;
	s10 =	sld [smem:$0x3FB4];
	_ =	sdelay $0x3  }
0x37: {  	[smem:$0x3FB4] =	sst s10  }
0x38: {  	s10 =	sld [smem:$0x3FB5]  }
0x39: {  	_ = 	snop;
	(pc) =	sbr.ind lr, $3  }
0x3a: {  	_ = 	snop  }
0x3b: {  	_ = 	snop  }
0x3c: {  	p2 =	seq.s32 s10, $0x1;
	s10 =	sld [smem:$0x3FB4]  }
0x3d: {  	_ =	shalt  }
0x3e: {  	_ =	shalt  }
0x3f: {  	_ =	shalt  }
0x40: {  	_ =	shalt  }
0x41: {  	_ =	shalt  }
0x42: {  	_ =	shalt  }
0x43: {  	_ =	shalt  }
0x44: {  	_ =	shalt  }
0x45: {  	_ =	shalt  }
0x46: {  	_ =	shalt  }
0x47: {  	_ =	shalt  }
0x48: {  	_ =	shalt  }
0x49: {  	_ =	shalt  }
0x4a: {  	_ =	shalt  }
0x4b: {  	_ =	shalt  }
0x4c: {  	_ =	shalt  }
0x4d: {  	_ =	shalt  }
0x4e: {  	_ =	shalt  }
0x4f: {  	_ =	shalt  }
0x50: {  	_ =	shalt  }
0x51: {  	_ =	shalt  }
0x52: {  	_ =	shalt  }
0x53: {  	_ =	shalt  }
0x54: {  	_ =	shalt  }
0x55: {  	_ =	shalt  }
0x56: {  	_ =	shalt  }
0x57: {  	_ =	shalt  }
0x58: {  	_ =	shalt  }
0x59: {  	_ =	shalt  }
0x5a: {  	_ =	shalt  }
0x5b: {  	_ =	shalt  }
0x5c: {  	_ =	shalt  }
0x5d: {  	_ =	shalt  }
0x5e: {  	_ =	shalt  }
0x5f: {  	_ =	shalt  }
0x60: {  	_ =	shalt  }
0x61: {  	_ =	shalt  }
0x62: {  	_ =	shalt  }
0x63: {  	_ =	shalt  }
0x64: {  	_ =	shalt  }
0x65: {  	_ =	shalt  }
0x66: {  	_ =	shalt  }
0x67: {  	_ =	shalt  }
0x68: {  	_ =	shalt  }
0x69: {  	_ =	shalt  }
0x6a: {  	_ =	shalt  }
0x6b: {  	_ =	shalt  }
0x6c: {  	_ =	shalt  }
0x6d: {  	_ =	shalt  }
0x6e: {  	_ =	shalt  }
0x6f: {  	_ =	shalt  }
0x70: {  	_ =	shalt  }
0x71: {  	_ =	shalt  }
0x72: {  	_ =	shalt  }
0x73: {  	_ =	shalt  }
0x74: {  	_ =	shalt  }
0x75: {  	_ =	shalt  }
0x76: {  	_ =	shalt  }
0x77: {  	_ =	shalt  }
0x78: {  	_ =	shalt  }
0x79: {  	_ =	shalt  }
0x7a: {  	_ =	shalt  }
0x7b: {  	_ =	shalt  }
0x7c: {  	_ =	shalt  }
0x7d: {  	_ =	shalt  }
0x7e: {  	_ =	shalt  }
0x7f: {  	_ =	shalt  }
0x80: {  	_ =	shalt  }
0x81: {  	_ =	shalt  }
0x82: {  	_ =	shalt  }
0x83: {  	_ =	shalt  }
0x84: {  	_ =	shalt  }
0x85: {  	_ =	shalt  }
0x86: {  	_ =	shalt  }
0x87: {  	_ =	shalt  }
.Lfunc_end0:
.L_simem_size_0:
called_computation.3_lowered:
.L_overlay_start_0:
0x88: {  	s2 =	sld [smem:$0x3FD9]  }
0x89: {  	s3 =	sld [smem:$0x3FFE];
	_ =	sdelay $0x1  }
0x8a: {  	s1 =	srdreg.scid  }
0x8b: {  	s0 =	sand.u32 $0x1, s1  }
0x8c: {  	s17 =	sshll.u32 s0, $0xA;
	s2 =	sadd.s32 s3, s2  }
0x8d: {  	s2 =	sadd.s32 s2, s17  }
0x8e: {  	[smem:$0x3FC0] =	sst s2  }
0x8f: {  	_ = 	snop  }
0x90: {  	s2 =	sld [smem:$0x3FD0];
	(tm) =	ssettm $0x1  }
0x91: {  	s18 =	sld [smem:$0x3FFB];
	_ =	sdelay $0x3  }
0x92: {  	_ =	strace s18  }
0x93: {  	s3 =	sld [smem:$0x3FFC];
	_ =	sdelay $0x3  }
0x94: {  	_ =	strace s3  }
0x95: {  	s3 =	sld [smem:$0x3FFD];
	_ =	sdelay $0x3  }
0x96: {  	_ =	strace s3  }
0x97: {  	_ =	strace $0x8FFFFFFF  }
0x98: {  	s19 =	sld [smem:$0x3FDB];
	_ =	sdelay $0x1  }
0x99: {  	s4 =	simm.s32 $_scs_section_size  }
0x9a: {  	s5 =	simm.s32 $_size__tile_overlayer_lowered;
	s6 =	simm.s32 $_tile_overlayer_lowered  }
0x9b: {  	s22 =	simm.s32 $0x1BFF;
	s21 =	sshll.u32 s6, $0x1;
	s3 =	sadd.s32 s4, s19  }
0x9c: {  	s7 =	simm.s32 $0x0;
	s20 =	sshll.u32 s5, $0x1;
	s5 =	sadd.s32 s21, s3  }
0x9d: {  	[timem:s7], [sflag:s22] =	dma.local [hbm:s5], s20  }
0x9e: {  	_ =	swait.ge [sflag:s22], s20  }
0x9f: {  	s4 =	ssub.s32 $0x0, s20;
	[sflag:s22] =	ssyncset.done $0x0  }
0xa0: {  	[sflag:s22] =	ssyncadd.s32 s4;
	_ =	sdelay $0x1  }
0xa1: {  	s23 =	simm.s32 $0x1B8B  }
0xa2: {  	_ =	swait.ge [sflag:s23], $0x1  }
0xa3: {  	[sflag:s23] =	ssyncset.done $0x0  }
0xa4: {  	s25 =	simm.s32 $0x1B8E;
	s24 =	sld [smem:$0x3FFE];
	[sflag:s23] =	ssyncadd.s32 $0xFFFFFFFF  }
0xa5: {  	s26 =	simm.s32 $execute0_lowered;
	[smem:$0x3FD2] =	sst s25  }
0xa6: {  	s5 =	sshll.u32 s26, $0x1;
	_ =	strace $0x8000004F;
	[dreg:$0x1] =	wrdreg $0xFFFFFFFF  }
0xa7: {  	s28 =	simm.s32 $_size_execute0_lowered;
	s3 =	sadd.s32 s3, s5;
	[dreg:$0x0] =	wrdreg $0x0  }
0xa8: {  	s5 =	sshll.u32 s28, $0x1;
	[dreg:$0x2] =	wrdreg s3  }
0xa9: {  	[dreg:$0x3] =	wrdreg s5  }
0xaa: {  	[dreg:$0x4] =	wrdreg $0xC0  }
0xab: {  	_ =	task [dreg:s7], $0x5FFFF  }
0xac: {  	[dreg:$0x1] =	wrdreg $0xFFFFFFFF  }
0xad: {  	[dreg:$0x0] =	wrdreg $0x60  }
0xae: {  	[dreg:$0x2] =	wrdreg s2  }
0xaf: {  	[dreg:$0x3] =	wrdreg s24  }
0xb0: {  	[dreg:$0x4] =	wrdreg $0xA8000  }
0xb1: {  	[dreg:$0x5] =	wrdreg $0x9  }
0xb2: {  	_ =	task.clear_ibuf [dreg:s7], $0x6FFFF;
	_ =	strace $0x9000004F  }
0xb3: {  	s29 =	simm.s32 $0x9;
	_ =	strace $0x80000051  }
0xb4: {  	_ =	swait.ge [sflag:s29], $0x1  }
0xb5: {  	[sflag:s29] =	ssyncadd.s32 $0xFFFFFFFF  }
0xb6: {  	_ =	strace $0x90000051  }
0xb7: {  	_ =	sfence  }
0xb8: {  	s30 =	sld [smem:$0x0];
	_ =	sdelay $0x2  }
0xb9: {  	s31 =	sshll.u32 s1, $0xD;
	s1 =	sshrl.u32 s1, $0x2  }
0xba: {  	s3 =	sand.u32 $0x4000, s31;
	s1 =	sadd.s32 s1, s30  }
0xbb: {  	s0 =	sor.u32 s3, s0;
	s1 =	sshll.u32 s1, $0x11  }
0xbc: {  	s0 =	sor.u32 s1, s0  }
0xbd: {  	s0 =	sadd.s32 $0x8F2B, s0  }
0xbe: {  	[sflag:s0] =	ssyncadd.remote.s32 $0x1  }
0xbf: {  	_ =	sfence.sel $0xFFFF  }
0xc0: {  	[dreg:$0x0] =	wrdreg $0xFFFFFFFF;
	(pc) =	sbr.abs _section_cstart, $3  }
0xc1: {  	[dreg:$0x1] =	wrdreg $0xFFFFFFFF  }
0xc2: {  	_ =	task.clear_ibuf [dreg:s7], $0x2FFFF;
	_ =	strace $0x9FFFFFFF  }
0xc3: {  	(tm) =	ssettm $0x7FFFFFFF  }
tec
execute0_lowered:
.L_overlay_start_1:
0x0: {  	(tag) =	ssettag $0x1  }
0x1: {  	s1 =	rddreg [dreg:$0x0]  }
0x2: {  	s0 =	srdreg.scid;
	s2 =	rddreg [dreg:$0x1]  }
0x3: {  	s12 =	stileid.u32;
	s3 =	rddreg [dreg:$0x2];
	s28 =	simm.s32 $0x2800  }
0x4: {  	s29 =	simm.s32 $0x80;
	s30 =	simm.s32 $0x1E800;
	s31 =	simm.s32 $0x6800  }
0x5: {  	s0 =	sand.u32 $0x1, s0;
	s10 =	smul.u32 $0x50000, s12;
	s6 =	sadd.s32 $0x17E00, s2  }
0x6: {  	s26 =	smul.u32 $0x14000, s12;
	s4 =	sshll.u32 s0, $0x4;
	s9 =	ssub.s32 $0x2, s0  }
0x7: {  	s0 =	smul.u32 $0x140000, s0;
	s5 =	sor.u32 s12, s4;
	s4 =	simm.s32 $0x0  }
0x8: {  	s11 =	sshrl.u32 s9, $0x1;
	s25 =	sshrl.u32 s10, $0x2;
	s17 =	sadd.s32 $0x4000, s26  }
0x9: {  	s23 =	sadd.s32 $0x8000, s26;
	s10 =	simm.s32 $0x2;
	s5 =	smul.u32 $0x2800, s5  }
0xa: {  	[smem:$0x7FF] =	sst s4;
	s11 =	ssub.s32 s9, s11;
	s20 =	sadd.s32 s0, s26  }
0xb: {  	s21 =	sadd.s32 s0, s17;
	s24 =	sadd.s32 s0, s23;
	s23 =	sadd.s32 s23, s3  }
0xc: {  	_ =	strace $0x80000050;
	s14 =	smax.u32 s11, $0x1;
	s11 =	sshrl.u32 s20, $0x3  }
0xd: {  	s12 =	sshrl.u32 s21, $0x3;
	s7 =	sshrl.u32 s5, $0x3;
	[dreg:$0x6] =	wrdreg s14  }
0xe: {  	s8 =	sadd.s32 s7, s2;
	s2 =	sadd.s32 $0xC1E00, s2;
	s9 =	sadd.s32 s6, s7  }
0xf: {  	s7 =	sadd.s32 $0x10000, s26;
	s8 =	sadd.s32 $0xDE00, s8;
	s13 =	sadd.s32 $0x10, s9  }
0x10: {  	s11 =	sadd.s32 s2, s11;
	s22 =	sadd.s32 s2, s12;
	[dreg:$0x4] =	wrdreg s8  }
0x11: {  	s12 =	sshrl.u32 s24, $0x3;
	s18 =	smov.u32 s9;
	[dreg:$0x5] =	wrdreg s13  }
0x12: {  	s21 =	sadd.s32 $0x20, s9;
	s8 =	sadd.s32 s25, s3;
	[dreg:$0xb] =	wrdreg s11  }
0x13: {  	[dreg:$0xc] =	wrdreg s22;
	s25 =	sadd.s32 $0xC000, s26;
	s12 =	sadd.s32 s2, s12  }
0x14: {  	s22 =	sadd.s32 s17, s3;
	s11 =	simm.s32 $0x6;
	s15 =	sadd.s32 $0x4000, s8  }
0x15: {  	s16 =	sadd.s32 $0x8000, s8;
	s19 =	sadd.s32 $0xC000, s8;
	[dreg:$0xd] =	wrdreg s12  }
0x16: {  	s13 =	sadd.s32 $0x10000, s8;
	s14 =	sadd.s32 s0, s25;
	[dreg:$0x7] =	wrdreg s15  }
0x17: {  	s0 =	sadd.s32 s0, s7;
	s24 =	sadd.s32 s25, s3;
	[dreg:$0x8] =	wrdreg s16  }
.Ltmp0:
0x18: {  	s25 =	sadd.s32 s7, s3;
	[dreg:$0x9] =	wrdreg s19;
	(pc) =	sbr.rel .LBB2_1-.Ltmp0, $4  }
0x19: {  	s7 =	simm.s32 $0x5;
	s12 =	simm.s32 $0x3;
	[dreg:$0xa] =	wrdreg s13  }
0x1a: {  	s26 =	sshrl.u32 s14, $0x3;
	s0 =	sshrl.u32 s0, $0x3;
	s13 =	simm.s32 $0x4  }
0x1b: {  	s14 =	simm.s32 $0x0;
	s19 =	sadd.s32 s2, s26;
	s20 =	sadd.s32 s2, s0  }
0x1c: {  	v0 =	vimm.f32 $0.0e+00;
	s26 =	simm.s32 $0x7;
	s2 =	simm.s32 $0x1E880;
	s0 =	simm.s32 $0x1  }
.LBB2_6:
0x1d: {  	_ =	swait.ge [sflag:s12], $0x4000  }
0x1e: {  	[sflag:s12] =	ssyncset.done $0x0  }
0x1f: {  	[sflag:s12] =	ssyncadd.s32 $0xFFFFC000  }
0x20: {  	_ =	swait.ge [sflag:s13], $0x4000  }
0x21: {  	[sflag:s13] =	ssyncset.done $0x0  }
0x22: {  	[sflag:s13] =	ssyncadd.s32 $0xFFFFC000  }
0x23: {  	[bflag:$0x0] =	sbarrier.arrive $0xFFFF  }
0x24: {  	[tilespmem:s28], [sflag:$0x7] =	stream.linear.gather [spmem:s8], $0x4000, $0x38;
	[tilespmem:$0x1E900] =	vst v63  }
0x25: {  	_ =	swait.ge [sflag:s26], $0x4000  }
0x26: {  	[sflag:s26] =	ssyncset.done $0x0  }
0x27: {  	s9 =	rddreg [dreg:$0xb];
	[sflag:s26] =	ssyncadd.s32 $0xFFFFC000  }
0x28: {  	[hbm4b:s9+s4] =	stream.linear.scatter [tilespmem:s28], [sflag:$0x7], $0x4000, $0x38;
	[tilespmem:$0x1E900] =	vst v63  }
0x29: {  	_ =	swait.ge [sflag:s26], $0x4000  }
0x2a: {  	[sflag:s26] =	ssyncset.done $0x0  }
0x2b: {  	[sflag:s26] =	ssyncadd.s32 $0xFFFFC000  }
0x2c: {  	[tilespmem:s28], [sflag:$0x7] =	stream.linear.gather [spmem:s22], $0x4000, $0x38;
	[tilespmem:$0x1E900] =	vst v63  }
0x2d: {  	_ =	swait.ge [sflag:s26], $0x4000  }
0x2e: {  	[sflag:s26] =	ssyncset.done $0x0  }
0x2f: {  	s15 =	rddreg [dreg:$0xc];
	[sflag:s26] =	ssyncadd.s32 $0xFFFFC000  }
0x30: {  	[hbm4b:s15+s4] =	stream.linear.scatter [tilespmem:s28], [sflag:$0x7], $0x4000, $0x38;
	[tilespmem:$0x1E900] =	vst v63  }
0x31: {  	_ =	swait.ge [sflag:s26], $0x4000  }
0x32: {  	[sflag:s26] =	ssyncset.done $0x0  }
0x33: {  	[sflag:s26] =	ssyncadd.s32 $0xFFFFC000  }
0x34: {  	[tilespmem:s28], [sflag:$0x7] =	stream.linear.gather [spmem:s23], $0x4000, $0x38;
	[tilespmem:$0x1E900] =	vst v63  }
0x35: {  	_ =	swait.ge [sflag:s26], $0x4000  }
0x36: {  	[sflag:s26] =	ssyncset.done $0x0  }
0x37: {  	s16 =	rddreg [dreg:$0xd];
	[sflag:s26] =	ssyncadd.s32 $0xFFFFC000  }
0x38: {  	[hbm4b:s16+s4] =	stream.linear.scatter [tilespmem:s28], [sflag:$0x7], $0x4000, $0x38;
	[tilespmem:$0x1E900] =	vst v63  }
0x39: {  	_ =	swait.ge [sflag:s26], $0x4000  }
0x3a: {  	[sflag:s26] =	ssyncset.done $0x0  }
0x3b: {  	[sflag:s26] =	ssyncadd.s32 $0xFFFFC000  }
0x3c: {  	[tilespmem:s28], [sflag:$0x7] =	stream.linear.gather [spmem:s24], $0x4000, $0x38;
	[tilespmem:$0x1E900] =	vst v63  }
0x3d: {  	_ =	swait.ge [sflag:s26], $0x4000  }
0x3e: {  	[sflag:s26] =	ssyncset.done $0x0  }
0x3f: {  	[sflag:s26] =	ssyncadd.s32 $0xFFFFC000  }
0x40: {  	[hbm4b:s19+s4] =	stream.linear.scatter [tilespmem:s28], [sflag:$0x7], $0x4000, $0x38;
	[tilespmem:$0x1E900] =	vst v63  }
0x41: {  	_ =	swait.ge [sflag:s26], $0x4000  }
0x42: {  	[sflag:s26] =	ssyncset.done $0x0  }
0x43: {  	[sflag:s26] =	ssyncadd.s32 $0xFFFFC000  }
0x44: {  	[tilespmem:s28], [sflag:$0x7] =	stream.linear.gather [spmem:s25], $0x4000, $0x38;
	[tilespmem:$0x1E900] =	vst v63  }
0x45: {  	_ =	swait.ge [sflag:s26], $0x4000  }
0x46: {  	[sflag:s26] =	ssyncset.done $0x0  }
0x47: {  	[sflag:s26] =	ssyncadd.s32 $0xFFFFC000  }
0x48: {  	[hbm4b:s20+s4] =	stream.linear.scatter [tilespmem:s28], [sflag:$0x7], $0x4000, $0x38;
	[tilespmem:$0x1E900] =	vst v63  }
0x49: {  	_ =	swait.ge [sflag:s26], $0x4000  }
0x4a: {  	s14 =	sadd.s32 $0x1, s14;
	s17 =	rddreg [dreg:$0x6]  }
0x4b: {  	p0 =	sne.s32 s14, s17  }
.Ltmp1:
0x4c: {  	_ = 	snop;
	(pc) =	sbr.rel @!p0 .LBB2_7-.Ltmp1, $3  }
0x4d: {  	_ =	sdelay $0x1  }
0x4e: {  	[sflag:s26] =	ssyncset.done $0x0  }
0x4f: {  	[sflag:s26] =	ssyncadd.s32 $0xFFFFC000  }
.LBB2_1:
0x50: {  	s9 =	rddreg [dreg:$0x4]  }
0x51: {  	[tilespmem:s4], [sflag:$0x7] =	stream.linear.gather [hbm4b:s9+s4], $0x2800, $0x38;
	[tilespmem:$0x1E900] =	vst v63  }
0x52: {  	_ =	swait.ge [sflag:s26], $0x2800  }
0x53: {  	[sflag:s26] =	ssyncset.done $0x0  }
0x54: {  	s15 =	simm.s32 $0x0;
	s16 =	simm.s32 $0x200;
	[sflag:s26] =	ssyncadd.s32 $0xFFFFD800  }
.LBB2_2:
0x55: {  	p0 =	sne.s32 s16, $0xFE00;
	[tilespmem:s15+$0x2870] =	vst v0  }
0x56: {  	[tilespmem:s15+$0x2800] =	vst v0  }
0x57: {  	[tilespmem:s15+$0x2810] =	vst v0  }
.Ltmp2:
0x58: {  	[tilespmem:s15+$0x2820] =	vst v0;
	(pc) =	sbr.rel @p0 .LBB2_2-.Ltmp2, $4  }
0x59: {  	[tilespmem:s15+$0x2830] =	vst v0  }
0x5a: {  	[tilespmem:s15+$0x2840] =	vst v0  }
0x5b: {  	[tilespmem:s15+$0x2850] =	vst v0  }
0x5c: {  	[tilespmem:s15+$0x2860] =	vst v0;
	s15 =	sshra.s32 s16, $0x2;
	s16 =	sadd.s32 $0x200, s16  }
0x5d: {  	[tilespmem:s15+$0x2870] =	vst v0  }
0x5e: {  	[tilespmem:s15+$0x2800] =	vst v0  }
0x5f: {  	[tilespmem:s15+$0x2810] =	vst v0  }
0x60: {  	[tilespmem:s15+$0x2820] =	vst v0  }
0x61: {  	[tilespmem:s15+$0x2830] =	vst v0  }
0x62: {  	[tilespmem:s15+$0x2840] =	vst v0  }
0x63: {  	[tilespmem:s15+$0x2850] =	vst v0  }
0x64: {  	[tilespmem:s15+$0x2860] =	vst v0  }
0x65: {  	[spmem:s8] =	stream.linear.scatter [tilespmem:s28], [sflag:$0x7], $0x4000, $0x38;
	[tilespmem:$0x1E900] =	vst v63  }
0x66: {  	_ =	swait.ge [sflag:s26], $0x4000  }
0x67: {  	[sflag:s26] =	ssyncset.done $0x0  }
0x68: {  	s9 =	rddreg [dreg:$0x7];
	[sflag:s26] =	ssyncadd.s32 $0xFFFFC000  }
0x69: {  	[spmem:s9] =	stream.linear.scatter [tilespmem:s28], [sflag:$0x7], $0x4000, $0x38;
	[tilespmem:$0x1E900] =	vst v63  }
0x6a: {  	_ =	swait.ge [sflag:s26], $0x4000  }
0x6b: {  	[sflag:s26] =	ssyncset.done $0x0  }
0x6c: {  	s16 =	rddreg [dreg:$0x8];
	[sflag:s26] =	ssyncadd.s32 $0xFFFFC000  }
0x6d: {  	[spmem:s16] =	stream.linear.scatter [tilespmem:s28], [sflag:$0x7], $0x4000, $0x38;
	[tilespmem:$0x1E900] =	vst v63  }
0x6e: {  	_ =	swait.ge [sflag:s26], $0x4000  }
0x6f: {  	[sflag:s26] =	ssyncset.done $0x0  }
0x70: {  	s17 =	rddreg [dreg:$0x9];
	[sflag:s26] =	ssyncadd.s32 $0xFFFFC000  }
0x71: {  	[spmem:s17] =	stream.linear.scatter [tilespmem:s28], [sflag:$0x7], $0x4000, $0x38;
	[tilespmem:$0x1E900] =	vst v63  }
0x72: {  	_ =	swait.ge [sflag:s26], $0x4000  }
0x73: {  	[sflag:s26] =	ssyncset.done $0x0  }
0x74: {  	s15 =	rddreg [dreg:$0xa];
	[sflag:s26] =	ssyncadd.s32 $0xFFFFC000  }
0x75: {  	[spmem:s15] =	stream.linear.scatter [tilespmem:s28], [sflag:$0x7], $0x4000, $0x38;
	[tilespmem:$0x1E900] =	vst v63  }
0x76: {  	_ =	swait.ge [sflag:s26], $0x4000  }
0x77: {  	[sflag:s26] =	ssyncset.done $0x0  }
0x78: {  	[sflag:s26] =	ssyncadd.s32 $0xFFFFC000  }
0x79: {  	[bflag:$0x0] =	sbarrier.arrive $0xFFFF  }
0x7a: {  	[tilespmem:s28], [sflag:$0x1] =	stream.indirect.gather [hbm4b:s1+s29], $0x80, s4, s29, $0xb8;
	[tilespmem:$0x1E900] =	vst v63  }
0x7b: {  	_ = 	snop  }
0x7c: {  	[tilespmem:s30], [sflag:$0x5] =	stream.linear.gather [hbm4b:s18+s4], $0x80, $0x38;
	[tilespmem:$0x1E900] =	vst v63  }
0x7d: {  	_ = 	snop  }
0x7e: {  	[tilespmem:s31], [sflag:$0x2] =	stream.indirect.gather [hbm4b:s1+s29], $0x80, s29, s29, $0xb8;
	[tilespmem:$0x1E900] =	vst v63  }
0x7f: {  	s16 =	rddreg [dreg:$0x5]  }
0x80: {  	[tilespmem:s2], [sflag:$0x6] =	stream.linear.gather [hbm4b:s16+s4], $0x80, $0x38;
	[tilespmem:$0x1E900] =	vst v63  }
0x81: {  	_ =	swait.ge [sflag:s0], $0x4000  }
0x82: {  	[sflag:s0] =	ssyncset.done $0x0  }
0x83: {  	[sflag:s0] =	ssyncadd.s32 $0xFFFFC000  }
0x84: {  	_ =	swait.ge [sflag:s7], $0x80  }
0x85: {  	[sflag:s7] =	ssyncset.done $0x0  }
0x86: {  	[sflag:s7] =	ssyncadd.s32 $0xFFFFFF80  }
0x87: {  	[spmem:s3] =	stream.indirect.scatter.add.f32 [tilespmem:s28], [sflag:$0x3], $0x80, s30, s29, $0xb8;
	[tilespmem:$0x1E900] =	vst v63  }
0x88: {  	_ =	swait.ge [sflag:s10], $0x4000  }
0x89: {  	[sflag:s10] =	ssyncset.done $0x0  }
0x8a: {  	[sflag:s10] =	ssyncadd.s32 $0xFFFFC000  }
0x8b: {  	_ =	swait.ge [sflag:s11], $0x80  }
0x8c: {  	[sflag:s11] =	ssyncset.done $0x0  }
0x8d: {  	[sflag:s11] =	ssyncadd.s32 $0xFFFFFF80  }
0x8e: {  	[spmem:s3] =	stream.indirect.scatter.add.f32 [tilespmem:s31], [sflag:$0x4], $0x80, s2, s29, $0xb8;
	[tilespmem:$0x1E900] =	vst v63  }
0x8f: {  	_ =	swait.ge [sflag:s12], $0x4000  }
0x90: {  	[sflag:s12] =	ssyncset.done $0x0  }
0x91: {  	s17 =	simm.s32 $0x100;
	[sflag:s12] =	ssyncadd.s32 $0xFFFFC000  }
0x92: {  	[tilespmem:s28], [sflag:$0x1] =	stream.indirect.gather [hbm4b:s1+s29], $0x80, s17, s29, $0xb8;
	[tilespmem:$0x1E900] =	vst v63  }
0x93: {  	s15 =	simm.s32 $0x200;
	s16 =	simm.s32 $0x200  }
0x94: {  	[tilespmem:s30], [sflag:$0x5] =	stream.linear.gather [hbm4b:s21+s4], $0x80, $0x38;
	[tilespmem:$0x1E900] =	vst v63  }
.LBB2_4:
0x95: {  	_ =	swait.ge [sflag:s0], $0x4000  }
0x96: {  	[sflag:s0] =	ssyncset.done $0x0  }
0x97: {  	[sflag:s0] =	ssyncadd.s32 $0xFFFFC000  }
0x98: {  	_ =	swait.ge [sflag:s7], $0x80  }
0x99: {  	[sflag:s7] =	ssyncset.done $0x0  }
0x9a: {  	[sflag:s7] =	ssyncadd.s32 $0xFFFFFF80  }
0x9b: {  	[spmem:s3] =	stream.indirect.scatter.add.f32 [tilespmem:s28], [sflag:$0x3], $0x80, s30, s29, $0xb8;
	[tilespmem:$0x1E900] =	vst v63  }
0x9c: {  	_ =	swait.ge [sflag:s13], $0x4000  }
0x9d: {  	[sflag:s13] =	ssyncset.done $0x0  }
0x9e: {  	s9 =	sadd.s32 $0xFFFFFF80, s15;
	s17 =	sadd.s32 $0xFFFFFF00, s16;
	[sflag:s13] =	ssyncadd.s32 $0xFFFFC000  }
0x9f: {  	[tilespmem:s31], [sflag:$0x2] =	stream.indirect.gather [hbm4b:s1+s29], $0x80, s9, s29, $0xb8;
	[tilespmem:$0x1E900] =	vst v63  }
0xa0: {  	s9 =	sand.u32 $0x3C00, s17;
	s17 =	sadd.s32 $0xFFFFFF80, s16  }
0xa1: {  	s9 =	sadd.s32 s5, s9;
	s17 =	sand.u32 $0x380, s17  }
0xa2: {  	s9 =	sor.u32 s9, s17  }
0xa3: {  	s9 =	sshrl.u32 s9, $0x3  }
0xa4: {  	s9 =	sadd.s32 s6, s9  }
0xa5: {  	[tilespmem:s2], [sflag:$0x6] =	stream.linear.gather [hbm4b:s9+s4], $0x80, $0x38;
	[tilespmem:$0x1E900] =	vst v63  }
0xa6: {  	_ =	swait.ge [sflag:s10], $0x4000  }
0xa7: {  	p0 =	seq.s32 s16, $0x2800;
	[sflag:s10] =	ssyncset.done $0x0  }
.Ltmp3:
0xa8: {  	[sflag:s10] =	ssyncadd.s32 $0xFFFFC000;
	(pc) =	sbr.rel @p0 .LBB2_6-.Ltmp3, $4  }
0xa9: {  	_ =	swait.ge [sflag:s11], $0x80  }
0xaa: {  	[sflag:s11] =	ssyncset.done $0x0  }
0xab: {  	[sflag:s11] =	ssyncadd.s32 $0xFFFFFF80  }
0xac: {  	[spmem:s3] =	stream.indirect.scatter.add.f32 [tilespmem:s31], [sflag:$0x4], $0x80, s2, s29, $0xb8;
	[tilespmem:$0x1E900] =	vst v63  }
0xad: {  	_ =	swait.ge [sflag:s12], $0x4000;
	s9 =	sand.u32 $0x7C00, s16  }
0xae: {  	s17 =	sand.u32 $0x300, s16;
	[sflag:s12] =	ssyncset.done $0x0;
	s9 =	sadd.s32 s5, s9  }
.Ltmp4:
0xaf: {  	[sflag:s12] =	ssyncadd.s32 $0xFFFFC000;
	s9 =	sor.u32 s17, s9;
	(pc) =	sbr.rel .LBB2_4-.Ltmp4, $4  }
0xb0: {  	[tilespmem:s28], [sflag:$0x1] =	stream.indirect.gather [hbm4b:s1+s29], $0x80, s15, s29, $0xb8;
	[tilespmem:$0x1E900] =	vst v63  }
0xb1: {  	s9 =	sshrl.u32 s9, $0x3  }
0xb2: {  	s16 =	sadd.s32 $0x100, s16;
	s15 =	sadd.s32 $0x100, s15;
	s9 =	sadd.s32 s6, s9  }
0xb3: {  	[tilespmem:s30], [sflag:$0x5] =	stream.linear.gather [hbm4b:s9+s4], $0x80, $0x38;
	[tilespmem:$0x1E900] =	vst v63  }
.LBB2_7:
0xb4: {  	_ =	sfence.sel $0x180000  }
0xb5: {  	[bflag:$0x0] =	sbarrier.arrive $0xFFFF  }
0xb6: {  	_ =	strace $0x90000050  }
0xb7: {  	s0 =	stileid.u32;
	[bflag:$0x2] =	sbarrier.arrive $0xFFFF  }
0xb8: {  	p0 =	sne.s32 s0, $0x0;
	s0 =	rddreg [dreg:$0x3]  }
0xb9: {  	s0 =	sadd.s32 @!p0 $0x100000, s0  }
0xba: {  	[sflag:s0] =	ssyncadd.tile.s32 @!p0 $0x1;
	_ =	shalt  }
.Lfunc_end2:
_tile_overlayer_lowered:
.L_overlay_start_2:
0xbb: {  	(tag) =	ssettag $0x2  }
0xbc: {  	s0 =	rddreg [dreg:$0x0];
	s2 =	stileid.u32  }
0xbd: {  	s1 =	rddreg [dreg:$0x1];
	p0 =	sne.s32 s2, $0x0  }
0xbe: {  	s3 =	rddreg [dreg:$0x2];
	[bflag:$0x3] =	sbarrier.arrive $0xFFFF;
	s2 =	simm.s32 @!p0 $0x1C07  }
0xbf: {  	[timem:s3], [sflag:s2] =	dma.local @!p0 [hbm:s0], s1  }
0xc0: {  	s0 =	simm.s32 @!p0 $0x7  }
0xc1: {  	_ =	swait.ge @!p0 [sflag:s0], s1  }
0xc2: {  	s1 =	ssub.s32 @!p0 $0x0, s1;
	[sflag:s0] =	ssyncset.done @!p0 $0x0  }
0xc3: {  	[sflag:s0] =	ssyncadd.s32 @!p0 s1  }
0xc4: {  	[bflag:$0x3] =	sbarrier.arrive $0xFFFF  }
0xc5: {  	_ =	shalt  }

</sc_bundles>
